<compile_context>
chip_gen: v7x
topology: tpu7x:2x2x1
jax: 0.10.2.dev20260603
libtpu: 0.0.44.dev20260713+nightly
codegen_flags: <defaults>
</compile_context>

<pallas_src>
import functools

import jax
import jax.numpy as jnp
from jax import lax
from jax.experimental import pallas as pl
from jax.experimental.pallas import tpu as pltpu
from jax.experimental.pallas import tpu_sc as plsc

B, S, CIN = 4096, 100, 128
COUT = 64
NW = 32
NB = 256
NBLK = B // NB
NCHUNK_TOTAL = S * NBLK
CPW = NCHUNK_TOTAL // NW

WIN = NB * CIN
WOUT = NB * COUT
MIDSTRIDE = 69
WMID = NB * MIDSTRIDE

S_STRIDE = COUT * B
TR_STRIDE = 8 * B
RUN = 2 * 1024

_mesh = plsc.VectorSubcoreMesh(core_axis_name="c", subcore_axis_name="s")


@functools.partial(
    pl.kernel,
    mesh=_mesh,
    out_type=jax.ShapeDtypeStruct((S * COUT * B,), jnp.float32),
    scratch_types=[
        pltpu.VMEM((WIN,), jnp.float32),
        pltpu.VMEM((WIN,), jnp.float32),
        pltpu.VMEM((WMID,), jnp.float32),
        pltpu.VMEM((WOUT,), jnp.float32),
        pltpu.VMEM((WOUT,), jnp.float32),
        pltpu.SemaphoreType.DMA,
        pltpu.SemaphoreType.DMA,
        pltpu.SemaphoreType.DMA,
        pltpu.SemaphoreType.DMA,
    ],
    compiler_params=pltpu.CompilerParams(needs_layout_passes=False),
)
def _deinterleave_sc(x_hbm, out_hbm, in_v0, in_v1, mid_v, out_v0, out_v1,
                     si0, si1, so0, so1):
    wid = lax.axis_index("s") * 2 + lax.axis_index("c")
    c0 = wid * CPW
    it2 = lax.iota(jnp.int32, 16) * 2
    it69 = lax.iota(jnp.int32, 16) * MIDSTRIDE

    in_bufs = (in_v0, in_v1)
    out_bufs = (out_v0, out_v1)
    in_sems = (si0, si1)
    out_sems = (so0, so1)

    def chunk_coords(c):
        a = c0 + c
        s = a // NBLK
        blk = a - s * NBLK
        return s, blk

    def in_slice(c):
        s, blk = chunk_coords(c)
        return x_hbm.at[pl.ds((s * B + blk * NB) * CIN, WIN)]

    def out_run(c, tr):
        s, blk = chunk_coords(c)
        start = s * S_STRIDE + tr * TR_STRIDE + blk * RUN
        return out_hbm.at[pl.ds(start, RUN)]

    def start_in(c, b):
        pltpu.async_copy(in_slice(c), in_bufs[b], in_sems[b])

    def wait_in(c, b):
        pltpu.make_async_copy(in_slice(c), in_bufs[b], in_sems[b]).wait()

    def start_out(c, b):
        for tr in range(8):
            pltpu.async_copy(out_bufs[b].at[pl.ds(tr * RUN, RUN)],
                             out_run(c, tr), out_sems[b])

    def wait_out(c, b):
        for tr in range(8):
            pltpu.make_async_copy(out_bufs[b].at[pl.ds(tr * RUN, RUN)],
                                  out_run(c, tr), out_sems[b]).wait()

    def compute(in_b, out_b):
        @plsc.parallel_loop(0, NB // 2, unroll=2)
        def a_body(r2):
            ibase = r2 * (2 * CIN)
            obase = r2 * (2 * MIDSTRIDE)
            vals = [plsc.load_gather(in_b, [it2 + (ibase + k * 32)])
                    for k in range(8)]
            for k in range(8):
                u, q = divmod(k, 4)
                mid_v[pl.ds(obase + u * MIDSTRIDE + q * 16, 16)] = vals[k]

        @plsc.parallel_loop(0, 128, unroll=2)
        def b_body(i):
            hi = i // 8
            tr = i - hi * 8
            tc2 = hi // 8
            bg = hi - tc2 * 8
            in_base = hi * (16 * MIDSTRIDE) + tr * 8
            out_base = tr * RUN + tc2 * 1024 + bg * 16
            vals = [plsc.load_gather(mid_v, [it69 + (in_base + jj)])
                    for jj in range(8)]
            for jj in range(8):
                out_b[pl.ds(out_base + jj * 128, 16)] = vals[jj]

    start_in(0, 0)
    start_in(1, 1)

    def outer(i, carry):
        for b in range(2):
            c = i * 2 + b
            wait_in(c, b)
            @pl.when(c >= 2)
            def _wait_out():
                wait_out(c, b)
            compute(in_bufs[b], out_bufs[b])
            start_out(c, b)
            @pl.when(c + 2 < CPW)
            def _next_in():
                start_in(c + 2, b)
        return carry

    lax.fori_loop(0, CPW // 2, outer, 0)

    wait_out(CPW - 2, 0)
    wait_out(CPW - 1, 1)


def kernel(x):
    x_lin = jnp.transpose(x, (1, 0, 2)).reshape(-1)
    o = _deinterleave_sc(x_lin)
    o5 = o.reshape(S, 8, B // 128, 8, 128)
    return o5.transpose(2, 4, 0, 1, 3).reshape(B, S, COUT)

# --- scband reference (transcript-rebuilt; emitter-appended) ---
"""Pipeline reference for scband-indexing-29781303230518 (READ-ONLY COPY).

The authoritative reference and input builder live on the scoring server;
editing this copy changes nothing except your own understanding.
"""

import jax, jax.numpy as jnp
import numpy as np

INDICES = np.arange(0, 128, 2, dtype=np.int32)  # 64 selected channels, matches init_kwargs indices

def setup_inputs(seed: int = 0) -> dict:
    key = jax.random.key(seed)
    x = jax.random.normal(key, (4096, 100, 128), dtype=jnp.float32)
    return {"x": x}

def reference(x):
    # torch: x[..., self.indices] with dim=-1 (advanced indexing on last axis)
    idx = jnp.asarray(INDICES)
    return jnp.take(x, idx, axis=-1)

if __name__ == "__main__":
    import jax
    _d = setup_inputs()
    print(jax.jit(kernel)(*tuple(_d.values())))

</pallas_src>

<mosaic_0001>
#map = affine_map<(d0, d1) -> (0)>
module attributes {stable_mosaic.version = 14 : i64} {
  func.func @_deinterleave_sc(%arg0: i32, %arg1: i32, %arg2: memref<52428800xf32, #tpu.memory_space<hbm>>, %arg3: memref<26214400xf32, #tpu.memory_space<hbm>>, %arg4: memref<32768xf32, #tpu.memory_space<vmem>>, %arg5: memref<32768xf32, #tpu.memory_space<vmem>>, %arg6: memref<17664xf32, #tpu.memory_space<vmem>>, %arg7: memref<16384xf32, #tpu.memory_space<vmem>>, %arg8: memref<16384xf32, #tpu.memory_space<vmem>>, %arg9: memref<!tpu.dma_semaphore, #tpu.memory_space<semaphore_mem>>, %arg10: memref<!tpu.dma_semaphore, #tpu.memory_space<semaphore_mem>>, %arg11: memref<!tpu.dma_semaphore, #tpu.memory_space<semaphore_mem>>, %arg12: memref<!tpu.dma_semaphore, #tpu.memory_space<semaphore_mem>>) attributes {dimension_semantics = [#tpu.dimension_semantics<core_parallel>, #tpu.dimension_semantics<subcore_parallel>], iteration_bounds = array<i64: 2, 16>, scalar_prefetch = 0 : i64, scratch_operands = 9 : i64, tpu.core_type = #tpu.core_type<sc_vector_subcore>, window_params = [{transform_indices = #map}, {transform_indices = #map}]} {
    %mul3A = arith.constant 2 : i32
    %mul3A_0 = arith.muli %arg1, %mul3A : i32
    %add3A = arith.addi %mul3A_0, %arg0 : i32
    %mul3A_1 = arith.constant 50 : i32
    %mul3A_2 = arith.muli %add3A, %mul3A_1 : i32
    %iota3A = tpu.iota {dimensions = array<i32: 0>} : vector<16xi32>
    %mul3A_3 = arith.constant 2 : i32
    %mul3A_4 = vector.broadcast %mul3A_3 : i32 to vector<16xi32>
    %mul3A_5 = arith.muli %iota3A, %mul3A_4 : vector<16xi32>
    %iota3A_6 = tpu.iota {dimensions = array<i32: 0>} : vector<16xi32>
    %mul3A_7 = arith.constant 69 : i32
    %mul3A_8 = vector.broadcast %mul3A_7 : i32 to vector<16xi32>
    %mul3A_9 = arith.muli %iota3A_6, %mul3A_8 : vector<16xi32>
    %add3A_10 = arith.constant 0 : i32
    %add3A_11 = arith.addi %mul3A_2, %add3A_10 : i32
    %jit3A = arith.constant 16 : i32
    %div3A = arith.divsi %add3A_11, %jit3A : i32
    %sign3A = arith.constant 0 : i32
    %sign3A_12 = arith.cmpi sgt, %add3A_11, %sign3A : i32
    %sign3A_13 = arith.extui %sign3A_12 : i1 to i32
    %sign3A_14 = arith.constant 0 : i32
    %sign3A_15 = arith.cmpi slt, %add3A_11, %sign3A_14 : i32
    %sign3A_16 = arith.extui %sign3A_15 : i1 to i32
    %sign3A_17 = arith.subi %sign3A_13, %sign3A_16 : i32
    %sign3A_18 = arith.constant 0 : i32
    %sign3A_19 = arith.cmpi sgt, %jit3A, %sign3A_18 : i32
    %sign3A_20 = arith.extui %sign3A_19 : i1 to i32
    %sign3A_21 = arith.constant 0 : i32
    %sign3A_22 = arith.cmpi slt, %jit3A, %sign3A_21 : i32
    %sign3A_23 = arith.extui %sign3A_22 : i1 to i32
    %sign3A_24 = arith.subi %sign3A_20, %sign3A_23 : i32
    %ne3A = arith.cmpi ne, %sign3A_17, %sign3A_24 : i32
    %rem3A = arith.remsi %add3A_11, %jit3A : i32
    %ne3A_25 = arith.constant 0 : i32
    %ne3A_26 = arith.cmpi ne, %rem3A, %ne3A_25 : i32
    %and3A = arith.andi %ne3A, %ne3A_26 : i1
    %sub3A = arith.constant 1 : i32
    %sub3A_27 = arith.subi %div3A, %sub3A : i32
    %select_n3A = arith.select %and3A, %sub3A_27, %div3A : i32
    %mul3A_28 = arith.constant 16 : i32
    %mul3A_29 = arith.muli %select_n3A, %mul3A_28 : i32
    %sub3A_30 = arith.subi %add3A_11, %mul3A_29 : i32
    %mul3A_31 = arith.constant 4096 : i32
    %mul3A_32 = arith.muli %select_n3A, %mul3A_31 : i32
    %mul3A_33 = arith.constant 256 : i32
    %mul3A_34 = arith.muli %sub3A_30, %mul3A_33 : i32
    %add3A_35 = arith.addi %mul3A_32, %mul3A_34 : i32
    %mul3A_36 = arith.constant 128 : i32
    %mul3A_37 = arith.muli %add3A_35, %mul3A_36 : i32
    %dma_start3A = tpu.memref_slice %arg2[%mul3A_37] : memref<52428800xf32, #tpu.memory_space<hbm>> -> memref<32768xf32, #tpu.memory_space<hbm>>
    %dma_start3A_38 = tpu.memref_slice %arg2[%mul3A_37] : memref<52428800xf32, #tpu.memory_space<hbm>> -> memref<32768xf32, #tpu.memory_space<hbm>>
    tpu.enqueue_dma source(%dma_start3A_38 : memref<32768xf32, #tpu.memory_space<hbm>>) target(%arg4 : memref<32768xf32, #tpu.memory_space<vmem>>) target_semaphore(%arg9 : memref<!tpu.dma_semaphore, #tpu.memory_space<semaphore_mem>>)
    %add3A_39 = arith.constant 1 : i32
    %add3A_40 = arith.addi %mul3A_2, %add3A_39 : i32
    %jit3A_41 = arith.constant 16 : i32
    %div3A_42 = arith.divsi %add3A_40, %jit3A_41 : i32
    %sign3A_43 = arith.constant 0 : i32
    %sign3A_44 = arith.cmpi sgt, %add3A_40, %sign3A_43 : i32
    %sign3A_45 = arith.extui %sign3A_44 : i1 to i32
    %sign3A_46 = arith.constant 0 : i32
    %sign3A_47 = arith.cmpi slt, %add3A_40, %sign3A_46 : i32
    %sign3A_48 = arith.extui %sign3A_47 : i1 to i32
    %sign3A_49 = arith.subi %sign3A_45, %sign3A_48 : i32
    %sign3A_50 = arith.constant 0 : i32
    %sign3A_51 = arith.cmpi sgt, %jit3A_41, %sign3A_50 : i32
    %sign3A_52 = arith.extui %sign3A_51 : i1 to i32
    %sign3A_53 = arith.constant 0 : i32
    %sign3A_54 = arith.cmpi slt, %jit3A_41, %sign3A_53 : i32
    %sign3A_55 = arith.extui %sign3A_54 : i1 to i32
    %sign3A_56 = arith.subi %sign3A_52, %sign3A_55 : i32
    %ne3A_57 = arith.cmpi ne, %sign3A_49, %sign3A_56 : i32
    %rem3A_58 = arith.remsi %add3A_40, %jit3A_41 : i32
    %ne3A_59 = arith.constant 0 : i32
    %ne3A_60 = arith.cmpi ne, %rem3A_58, %ne3A_59 : i32
    %and3A_61 = arith.andi %ne3A_57, %ne3A_60 : i1
    %sub3A_62 = arith.constant 1 : i32
    %sub3A_63 = arith.subi %div3A_42, %sub3A_62 : i32
    %select_n3A_64 = arith.select %and3A_61, %sub3A_63, %div3A_42 : i32
    %mul3A_65 = arith.constant 16 : i32
    %mul3A_66 = arith.muli %select_n3A_64, %mul3A_65 : i32
    %sub3A_67 = arith.subi %add3A_40, %mul3A_66 : i32
    %mul3A_68 = arith.constant 4096 : i32
    %mul3A_69 = arith.muli %select_n3A_64, %mul3A_68 : i32
    %mul3A_70 = arith.constant 256 : i32
    %mul3A_71 = arith.muli %sub3A_67, %mul3A_70 : i32
    %add3A_72 = arith.addi %mul3A_69, %mul3A_71 : i32
    %mul3A_73 = arith.constant 128 : i32
    %mul3A_74 = arith.muli %add3A_72, %mul3A_73 : i32
    %dma_start3A_75 = tpu.memref_slice %arg2[%mul3A_74] : memref<52428800xf32, #tpu.memory_space<hbm>> -> memref<32768xf32, #tpu.memory_space<hbm>>
    %dma_start3A_76 = tpu.memref_slice %arg2[%mul3A_74] : memref<52428800xf32, #tpu.memory_space<hbm>> -> memref<32768xf32, #tpu.memory_space<hbm>>
    tpu.enqueue_dma source(%dma_start3A_76 : memref<32768xf32, #tpu.memory_space<hbm>>) target(%arg5 : memref<32768xf32, #tpu.memory_space<vmem>>) target_semaphore(%arg10 : memref<!tpu.dma_semaphore, #tpu.memory_space<semaphore_mem>>)
    %scan3A = arith.constant 0 : i32
    %scan3A_77 = arith.constant 0 : i32
    %scan3A_78 = arith.constant 25 : i32
    %scan3A_79 = arith.addi %scan3A_77, %scan3A_78 : i32
    %scan3A_80 = arith.constant 1 : i32
    scf.for %scan3A_753 = %scan3A_77 to %scan3A_79 step %scan3A_80  : i32 {
      %mul3A_754 = arith.constant 2 : i32
      %mul3A_755 = arith.muli %scan3A_753, %mul3A_754 : i32
      %add3A_756 = arith.constant 0 : i32
      %add3A_757 = arith.addi %mul3A_755, %add3A_756 : i32
      %add3A_758 = arith.addi %mul3A_2, %add3A_757 : i32
      %jit3A_759 = arith.constant 16 : i32
      %div3A_760 = arith.divsi %add3A_758, %jit3A_759 : i32
      %sign3A_761 = arith.constant 0 : i32
      %sign3A_762 = arith.cmpi sgt, %add3A_758, %sign3A_761 : i32
      %sign3A_763 = arith.extui %sign3A_762 : i1 to i32
      %sign3A_764 = arith.constant 0 : i32
      %sign3A_765 = arith.cmpi slt, %add3A_758, %sign3A_764 : i32
      %sign3A_766 = arith.extui %sign3A_765 : i1 to i32
      %sign3A_767 = arith.subi %sign3A_763, %sign3A_766 : i32
      %sign3A_768 = arith.constant 0 : i32
      %sign3A_769 = arith.cmpi sgt, %jit3A_759, %sign3A_768 : i32
      %sign3A_770 = arith.extui %sign3A_769 : i1 to i32
      %sign3A_771 = arith.constant 0 : i32
      %sign3A_772 = arith.cmpi slt, %jit3A_759, %sign3A_771 : i32
      %sign3A_773 = arith.extui %sign3A_772 : i1 to i32
      %sign3A_774 = arith.subi %sign3A_770, %sign3A_773 : i32
      %ne3A_775 = arith.cmpi ne, %sign3A_767, %sign3A_774 : i32
      %rem3A_776 = arith.remsi %add3A_758, %jit3A_759 : i32
      %ne3A_777 = arith.constant 0 : i32
      %ne3A_778 = arith.cmpi ne, %rem3A_776, %ne3A_777 : i32
      %and3A_779 = arith.andi %ne3A_775, %ne3A_778 : i1
      %sub3A_780 = arith.constant 1 : i32
      %sub3A_781 = arith.subi %div3A_760, %sub3A_780 : i32
      %select_n3A_782 = arith.select %and3A_779, %sub3A_781, %div3A_760 : i32
      %mul3A_783 = arith.constant 16 : i32
      %mul3A_784 = arith.muli %select_n3A_782, %mul3A_783 : i32
      %sub3A_785 = arith.subi %add3A_758, %mul3A_784 : i32
      %mul3A_786 = arith.constant 4096 : i32
      %mul3A_787 = arith.muli %select_n3A_782, %mul3A_786 : i32
      %mul3A_788 = arith.constant 256 : i32
      %mul3A_789 = arith.muli %sub3A_785, %mul3A_788 : i32
      %add3A_790 = arith.addi %mul3A_787, %mul3A_789 : i32
      %mul3A_791 = arith.constant 128 : i32
      %mul3A_792 = arith.muli %add3A_790, %mul3A_791 : i32
      %dma_wait3A_793 = tpu.memref_slice %arg2[%mul3A_792] : memref<52428800xf32, #tpu.memory_space<hbm>> -> memref<32768xf32, #tpu.memory_space<hbm>>
      %dma_wait3A_794 = tpu.memref_slice %arg2[%mul3A_792] : memref<52428800xf32, #tpu.memory_space<hbm>> -> memref<32768xf32, #tpu.memory_space<hbm>>
      tpu.wait_dma2 semaphore(%arg9 : memref<!tpu.dma_semaphore, #tpu.memory_space<semaphore_mem>>) src(%dma_wait3A_794 : memref<32768xf32, #tpu.memory_space<hbm>>) dst(%arg4 : memref<32768xf32, #tpu.memory_space<vmem>>)
      %ge3A = arith.constant 2 : i32
      %ge3A_795 = arith.cmpi sge, %add3A_757, %ge3A : i32
      %convert_element_type3A = arith.extui %ge3A_795 : i1 to i32
      %cond3A = arith.constant 0 : i32
      %cond3A_796 = arith.cmpi ne, %convert_element_type3A, %cond3A : i32
      scf.if %cond3A_796 {
        %add3A_1523 = arith.addi %mul3A_2, %add3A_757 : i32
        %jit3A_1524 = arith.constant 16 : i32
        %div3A_1525 = arith.divsi %add3A_1523, %jit3A_1524 : i32
        %sign3A_1526 = arith.constant 0 : i32
        %sign3A_1527 = arith.cmpi sgt, %add3A_1523, %sign3A_1526 : i32
        %sign3A_1528 = arith.extui %sign3A_1527 : i1 to i32
        %sign3A_1529 = arith.constant 0 : i32
        %sign3A_1530 = arith.cmpi slt, %add3A_1523, %sign3A_1529 : i32
        %sign3A_1531 = arith.extui %sign3A_1530 : i1 to i32
        %sign3A_1532 = arith.subi %sign3A_1528, %sign3A_1531 : i32
        %sign3A_1533 = arith.constant 0 : i32
        %sign3A_1534 = arith.cmpi sgt, %jit3A_1524, %sign3A_1533 : i32
        %sign3A_1535 = arith.extui %sign3A_1534 : i1 to i32
        %sign3A_1536 = arith.constant 0 : i32
        %sign3A_1537 = arith.cmpi slt, %jit3A_1524, %sign3A_1536 : i32
        %sign3A_1538 = arith.extui %sign3A_1537 : i1 to i32
        %sign3A_1539 = arith.subi %sign3A_1535, %sign3A_1538 : i32
        %ne3A_1540 = arith.cmpi ne, %sign3A_1532, %sign3A_1539 : i32
        %rem3A_1541 = arith.remsi %add3A_1523, %jit3A_1524 : i32
        %ne3A_1542 = arith.constant 0 : i32
        %ne3A_1543 = arith.cmpi ne, %rem3A_1541, %ne3A_1542 : i32
        %and3A_1544 = arith.andi %ne3A_1540, %ne3A_1543 : i1
        %sub3A_1545 = arith.constant 1 : i32
        %sub3A_1546 = arith.subi %div3A_1525, %sub3A_1545 : i32
        %select_n3A_1547 = arith.select %and3A_1544, %sub3A_1546, %div3A_1525 : i32
        %mul3A_1548 = arith.constant 16 : i32
        %mul3A_1549 = arith.muli %select_n3A_1547, %mul3A_1548 : i32
        %sub3A_1550 = arith.subi %add3A_1523, %mul3A_1549 : i32
        %mul3A_1551 = arith.constant 262144 : i32
        %mul3A_1552 = arith.muli %select_n3A_1547, %mul3A_1551 : i32
        %add3A_1553 = arith.constant 0 : i32
        %add3A_1554 = arith.addi %mul3A_1552, %add3A_1553 : i32
        %mul3A_1555 = arith.constant 2048 : i32
        %mul3A_1556 = arith.muli %sub3A_1550, %mul3A_1555 : i32
        %add3A_1557 = arith.addi %add3A_1554, %mul3A_1556 : i32
        %dma_wait3A_1558 = arith.constant 0 : i32
        %dma_wait3A_1559 = tpu.memref_slice %arg7[%dma_wait3A_1558] : memref<16384xf32, #tpu.memory_space<vmem>> -> memref<2048xf32, #tpu.memory_space<vmem>>
        %dma_wait3A_1560 = tpu.memref_slice %arg3[%add3A_1557] : memref<26214400xf32, #tpu.memory_space<hbm>> -> memref<2048xf32, #tpu.memory_space<hbm>>
        %dma_wait3A_1561 = tpu.memref_slice %arg3[%add3A_1557] : memref<26214400xf32, #tpu.memory_space<hbm>> -> memref<2048xf32, #tpu.memory_space<hbm>>
        %dma_wait3A_1562 = arith.constant 0 : i32
        %dma_wait3A_1563 = tpu.memref_slice %arg7[%dma_wait3A_1562] : memref<16384xf32, #tpu.memory_space<vmem>> -> memref<2048xf32, #tpu.memory_space<vmem>>
        tpu.wait_dma2 semaphore(%arg11 : memref<!tpu.dma_semaphore, #tpu.memory_space<semaphore_mem>>) src(%dma_wait3A_1563 : memref<2048xf32, #tpu.memory_space<vmem>>) dst(%dma_wait3A_1561 : memref<2048xf32, #tpu.memory_space<hbm>>)
        %add3A_1564 = arith.addi %mul3A_2, %add3A_757 : i32
        %jit3A_1565 = arith.constant 16 : i32
        %div3A_1566 = arith.divsi %add3A_1564, %jit3A_1565 : i32
        %sign3A_1567 = arith.constant 0 : i32
        %sign3A_1568 = arith.cmpi sgt, %add3A_1564, %sign3A_1567 : i32
        %sign3A_1569 = arith.extui %sign3A_1568 : i1 to i32
        %sign3A_1570 = arith.constant 0 : i32
        %sign3A_1571 = arith.cmpi slt, %add3A_1564, %sign3A_1570 : i32
        %sign3A_1572 = arith.extui %sign3A_1571 : i1 to i32
        %sign3A_1573 = arith.subi %sign3A_1569, %sign3A_1572 : i32
        %sign3A_1574 = arith.constant 0 : i32
        %sign3A_1575 = arith.cmpi sgt, %jit3A_1565, %sign3A_1574 : i32
        %sign3A_1576 = arith.extui %sign3A_1575 : i1 to i32
        %sign3A_1577 = arith.constant 0 : i32
        %sign3A_1578 = arith.cmpi slt, %jit3A_1565, %sign3A_1577 : i32
        %sign3A_1579 = arith.extui %sign3A_1578 : i1 to i32
        %sign3A_1580 = arith.subi %sign3A_1576, %sign3A_1579 : i32
        %ne3A_1581 = arith.cmpi ne, %sign3A_1573, %sign3A_1580 : i32
        %rem3A_1582 = arith.remsi %add3A_1564, %jit3A_1565 : i32
        %ne3A_1583 = arith.constant 0 : i32
        %ne3A_1584 = arith.cmpi ne, %rem3A_1582, %ne3A_1583 : i32
        %and3A_1585 = arith.andi %ne3A_1581, %ne3A_1584 : i1
        %sub3A_1586 = arith.constant 1 : i32
        %sub3A_1587 = arith.subi %div3A_1566, %sub3A_1586 : i32
        %select_n3A_1588 = arith.select %and3A_1585, %sub3A_1587, %div3A_1566 : i32
        %mul3A_1589 = arith.constant 16 : i32
        %mul3A_1590 = arith.muli %select_n3A_1588, %mul3A_1589 : i32
        %sub3A_1591 = arith.subi %add3A_1564, %mul3A_1590 : i32
        %mul3A_1592 = arith.constant 262144 : i32
        %mul3A_1593 = arith.muli %select_n3A_1588, %mul3A_1592 : i32
        %add3A_1594 = arith.constant 32768 : i32
        %add3A_1595 = arith.addi %mul3A_1593, %add3A_1594 : i32
        %mul3A_1596 = arith.constant 2048 : i32
        %mul3A_1597 = arith.muli %sub3A_1591, %mul3A_1596 : i32
        %add3A_1598 = arith.addi %add3A_1595, %mul3A_1597 : i32
        %dma_wait3A_1599 = arith.constant 2048 : i32
        %dma_wait3A_1600 = tpu.memref_slice %arg7[%dma_wait3A_1599] : memref<16384xf32, #tpu.memory_space<vmem>> -> memref<2048xf32, #tpu.memory_space<vmem>>
        %dma_wait3A_1601 = tpu.memref_slice %arg3[%add3A_1598] : memref<26214400xf32, #tpu.memory_space<hbm>> -> memref<2048xf32, #tpu.memory_space<hbm>>
        %dma_wait3A_1602 = tpu.memref_slice %arg3[%add3A_1598] : memref<26214400xf32, #tpu.memory_space<hbm>> -> memref<2048xf32, #tpu.memory_space<hbm>>
        %dma_wait3A_1603 = arith.constant 2048 : i32
        %dma_wait3A_1604 = tpu.memref_slice %arg7[%dma_wait3A_1603] : memref<16384xf32, #tpu.memory_space<vmem>> -> memref<2048xf32, #tpu.memory_space<vmem>>
        tpu.wait_dma2 semaphore(%arg11 : memref<!tpu.dma_semaphore, #tpu.memory_space<semaphore_mem>>) src(%dma_wait3A_1604 : memref<2048xf32, #tpu.memory_space<vmem>>) dst(%dma_wait3A_1602 : memref<2048xf32, #tpu.memory_space<hbm>>)
        %add3A_1605 = arith.addi %mul3A_2, %add3A_757 : i32
        %jit3A_1606 = arith.constant 16 : i32
        %div3A_1607 = arith.divsi %add3A_1605, %jit3A_1606 : i32
        %sign3A_1608 = arith.constant 0 : i32
        %sign3A_1609 = arith.cmpi sgt, %add3A_1605, %sign3A_1608 : i32
        %sign3A_1610 = arith.extui %sign3A_1609 : i1 to i32
        %sign3A_1611 = arith.constant 0 : i32
        %sign3A_1612 = arith.cmpi slt, %add3A_1605, %sign3A_1611 : i32
        %sign3A_1613 = arith.extui %sign3A_1612 : i1 to i32
        %sign3A_1614 = arith.subi %sign3A_1610, %sign3A_1613 : i32
        %sign3A_1615 = arith.constant 0 : i32
        %sign3A_1616 = arith.cmpi sgt, %jit3A_1606, %sign3A_1615 : i32
        %sign3A_1617 = arith.extui %sign3A_1616 : i1 to i32
        %sign3A_1618 = arith.constant 0 : i32
        %sign3A_1619 = arith.cmpi slt, %jit3A_1606, %sign3A_1618 : i32
        %sign3A_1620 = arith.extui %sign3A_1619 : i1 to i32
        %sign3A_1621 = arith.subi %sign3A_1617, %sign3A_1620 : i32
        %ne3A_1622 = arith.cmpi ne, %sign3A_1614, %sign3A_1621 : i32
        %rem3A_1623 = arith.remsi %add3A_1605, %jit3A_1606 : i32
        %ne3A_1624 = arith.constant 0 : i32
        %ne3A_1625 = arith.cmpi ne, %rem3A_1623, %ne3A_1624 : i32
        %and3A_1626 = arith.andi %ne3A_1622, %ne3A_1625 : i1
        %sub3A_1627 = arith.constant 1 : i32
        %sub3A_1628 = arith.subi %div3A_1607, %sub3A_1627 : i32
        %select_n3A_1629 = arith.select %and3A_1626, %sub3A_1628, %div3A_1607 : i32
        %mul3A_1630 = arith.constant 16 : i32
        %mul3A_1631 = arith.muli %select_n3A_1629, %mul3A_1630 : i32
        %sub3A_1632 = arith.subi %add3A_1605, %mul3A_1631 : i32
        %mul3A_1633 = arith.constant 262144 : i32
        %mul3A_1634 = arith.muli %select_n3A_1629, %mul3A_1633 : i32
        %add3A_1635 = arith.constant 65536 : i32
        %add3A_1636 = arith.addi %mul3A_1634, %add3A_1635 : i32
        %mul3A_1637 = arith.constant 2048 : i32
        %mul3A_1638 = arith.muli %sub3A_1632, %mul3A_1637 : i32
        %add3A_1639 = arith.addi %add3A_1636, %mul3A_1638 : i32
        %dma_wait3A_1640 = arith.constant 4096 : i32
        %dma_wait3A_1641 = tpu.memref_slice %arg7[%dma_wait3A_1640] : memref<16384xf32, #tpu.memory_space<vmem>> -> memref<2048xf32, #tpu.memory_space<vmem>>
        %dma_wait3A_1642 = tpu.memref_slice %arg3[%add3A_1639] : memref<26214400xf32, #tpu.memory_space<hbm>> -> memref<2048xf32, #tpu.memory_space<hbm>>
        %dma_wait3A_1643 = tpu.memref_slice %arg3[%add3A_1639] : memref<26214400xf32, #tpu.memory_space<hbm>> -> memref<2048xf32, #tpu.memory_space<hbm>>
        %dma_wait3A_1644 = arith.constant 4096 : i32
        %dma_wait3A_1645 = tpu.memref_slice %arg7[%dma_wait3A_1644] : memref<16384xf32, #tpu.memory_space<vmem>> -> memref<2048xf32, #tpu.memory_space<vmem>>
        tpu.wait_dma2 semaphore(%arg11 : memref<!tpu.dma_semaphore, #tpu.memory_space<semaphore_mem>>) src(%dma_wait3A_1645 : memref<2048xf32, #tpu.memory_space<vmem>>) dst(%dma_wait3A_1643 : memref<2048xf32, #tpu.memory_space<hbm>>)
        %add3A_1646 = arith.addi %mul3A_2, %add3A_757 : i32
        %jit3A_1647 = arith.constant 16 : i32
        %div3A_1648 = arith.divsi %add3A_1646, %jit3A_1647 : i32
        %sign3A_1649 = arith.constant 0 : i32
        %sign3A_1650 = arith.cmpi sgt, %add3A_1646, %sign3A_1649 : i32
        %sign3A_1651 = arith.extui %sign3A_1650 : i1 to i32
        %sign3A_1652 = arith.constant 0 : i32
        %sign3A_1653 = arith.cmpi slt, %add3A_1646, %sign3A_1652 : i32
        %sign3A_1654 = arith.extui %sign3A_1653 : i1 to i32
        %sign3A_1655 = arith.subi %sign3A_1651, %sign3A_1654 : i32
        %sign3A_1656 = arith.constant 0 : i32
        %sign3A_1657 = arith.cmpi sgt, %jit3A_1647, %sign3A_1656 : i32
        %sign3A_1658 = arith.extui %sign3A_1657 : i1 to i32
        %sign3A_1659 = arith.constant 0 : i32
        %sign3A_1660 = arith.cmpi slt, %jit3A_1647, %sign3A_1659 : i32
        %sign3A_1661 = arith.extui %sign3A_1660 : i1 to i32
        %sign3A_1662 = arith.subi %sign3A_1658, %sign3A_1661 : i32
        %ne3A_1663 = arith.cmpi ne, %sign3A_1655, %sign3A_1662 : i32
        %rem3A_1664 = arith.remsi %add3A_1646, %jit3A_1647 : i32
        %ne3A_1665 = arith.constant 0 : i32
        %ne3A_1666 = arith.cmpi ne, %rem3A_1664, %ne3A_1665 : i32
        %and3A_1667 = arith.andi %ne3A_1663, %ne3A_1666 : i1
        %sub3A_1668 = arith.constant 1 : i32
        %sub3A_1669 = arith.subi %div3A_1648, %sub3A_1668 : i32
        %select_n3A_1670 = arith.select %and3A_1667, %sub3A_1669, %div3A_1648 : i32
        %mul3A_1671 = arith.constant 16 : i32
        %mul3A_1672 = arith.muli %select_n3A_1670, %mul3A_1671 : i32
        %sub3A_1673 = arith.subi %add3A_1646, %mul3A_1672 : i32
        %mul3A_1674 = arith.constant 262144 : i32
        %mul3A_1675 = arith.muli %select_n3A_1670, %mul3A_1674 : i32
        %add3A_1676 = arith.constant 98304 : i32
        %add3A_1677 = arith.addi %mul3A_1675, %add3A_1676 : i32
        %mul3A_1678 = arith.constant 2048 : i32
        %mul3A_1679 = arith.muli %sub3A_1673, %mul3A_1678 : i32
        %add3A_1680 = arith.addi %add3A_1677, %mul3A_1679 : i32
        %dma_wait3A_1681 = arith.constant 6144 : i32
        %dma_wait3A_1682 = tpu.memref_slice %arg7[%dma_wait3A_1681] : memref<16384xf32, #tpu.memory_space<vmem>> -> memref<2048xf32, #tpu.memory_space<vmem>>
        %dma_wait3A_1683 = tpu.memref_slice %arg3[%add3A_1680] : memref<26214400xf32, #tpu.memory_space<hbm>> -> memref<2048xf32, #tpu.memory_space<hbm>>
        %dma_wait3A_1684 = tpu.memref_slice %arg3[%add3A_1680] : memref<26214400xf32, #tpu.memory_space<hbm>> -> memref<2048xf32, #tpu.memory_space<hbm>>
        %dma_wait3A_1685 = arith.constant 6144 : i32
        %dma_wait3A_1686 = tpu.memref_slice %arg7[%dma_wait3A_1685] : memref<16384xf32, #tpu.memory_space<vmem>> -> memref<2048xf32, #tpu.memory_space<vmem>>
        tpu.wait_dma2 semaphore(%arg11 : memref<!tpu.dma_semaphore, #tpu.memory_space<semaphore_mem>>) src(%dma_wait3A_1686 : memref<2048xf32, #tpu.memory_space<vmem>>) dst(%dma_wait3A_1684 : memref<2048xf32, #tpu.memory_space<hbm>>)
        %add3A_1687 = arith.addi %mul3A_2, %add3A_757 : i32
        %jit3A_1688 = arith.constant 16 : i32
        %div3A_1689 = arith.divsi %add3A_1687, %jit3A_1688 : i32
        %sign3A_1690 = arith.constant 0 : i32
        %sign3A_1691 = arith.cmpi sgt, %add3A_1687, %sign3A_1690 : i32
        %sign3A_1692 = arith.extui %sign3A_1691 : i1 to i32
        %sign3A_1693 = arith.constant 0 : i32
        %sign3A_1694 = arith.cmpi slt, %add3A_1687, %sign3A_1693 : i32
        %sign3A_1695 = arith.extui %sign3A_1694 : i1 to i32
        %sign3A_1696 = arith.subi %sign3A_1692, %sign3A_1695 : i32
        %sign3A_1697 = arith.constant 0 : i32
        %sign3A_1698 = arith.cmpi sgt, %jit3A_1688, %sign3A_1697 : i32
        %sign3A_1699 = arith.extui %sign3A_1698 : i1 to i32
        %sign3A_1700 = arith.constant 0 : i32
        %sign3A_1701 = arith.cmpi slt, %jit3A_1688, %sign3A_1700 : i32
        %sign3A_1702 = arith.extui %sign3A_1701 : i1 to i32
        %sign3A_1703 = arith.subi %sign3A_1699, %sign3A_1702 : i32
        %ne3A_1704 = arith.cmpi ne, %sign3A_1696, %sign3A_1703 : i32
        %rem3A_1705 = arith.remsi %add3A_1687, %jit3A_1688 : i32
        %ne3A_1706 = arith.constant 0 : i32
        %ne3A_1707 = arith.cmpi ne, %rem3A_1705, %ne3A_1706 : i32
        %and3A_1708 = arith.andi %ne3A_1704, %ne3A_1707 : i1
        %sub3A_1709 = arith.constant 1 : i32
        %sub3A_1710 = arith.subi %div3A_1689, %sub3A_1709 : i32
        %select_n3A_1711 = arith.select %and3A_1708, %sub3A_1710, %div3A_1689 : i32
        %mul3A_1712 = arith.constant 16 : i32
        %mul3A_1713 = arith.muli %select_n3A_1711, %mul3A_1712 : i32
        %sub3A_1714 = arith.subi %add3A_1687, %mul3A_1713 : i32
        %mul3A_1715 = arith.constant 262144 : i32
        %mul3A_1716 = arith.muli %select_n3A_1711, %mul3A_1715 : i32
        %add3A_1717 = arith.constant 131072 : i32
        %add3A_1718 = arith.addi %mul3A_1716, %add3A_1717 : i32
        %mul3A_1719 = arith.constant 2048 : i32
        %mul3A_1720 = arith.muli %sub3A_1714, %mul3A_1719 : i32
        %add3A_1721 = arith.addi %add3A_1718, %mul3A_1720 : i32
        %dma_wait3A_1722 = arith.constant 8192 : i32
        %dma_wait3A_1723 = tpu.memref_slice %arg7[%dma_wait3A_1722] : memref<16384xf32, #tpu.memory_space<vmem>> -> memref<2048xf32, #tpu.memory_space<vmem>>
        %dma_wait3A_1724 = tpu.memref_slice %arg3[%add3A_1721] : memref<26214400xf32, #tpu.memory_space<hbm>> -> memref<2048xf32, #tpu.memory_space<hbm>>
        %dma_wait3A_1725 = tpu.memref_slice %arg3[%add3A_1721] : memref<26214400xf32, #tpu.memory_space<hbm>> -> memref<2048xf32, #tpu.memory_space<hbm>>
        %dma_wait3A_1726 = arith.constant 8192 : i32
        %dma_wait3A_1727 = tpu.memref_slice %arg7[%dma_wait3A_1726] : memref<16384xf32, #tpu.memory_space<vmem>> -> memref<2048xf32, #tpu.memory_space<vmem>>
        tpu.wait_dma2 semaphore(%arg11 : memref<!tpu.dma_semaphore, #tpu.memory_space<semaphore_mem>>) src(%dma_wait3A_1727 : memref<2048xf32, #tpu.memory_space<vmem>>) dst(%dma_wait3A_1725 : memref<2048xf32, #tpu.memory_space<hbm>>)
        %add3A_1728 = arith.addi %mul3A_2, %add3A_757 : i32
        %jit3A_1729 = arith.constant 16 : i32
        %div3A_1730 = arith.divsi %add3A_1728, %jit3A_1729 : i32
        %sign3A_1731 = arith.constant 0 : i32
        %sign3A_1732 = arith.cmpi sgt, %add3A_1728, %sign3A_1731 : i32
        %sign3A_1733 = arith.extui %sign3A_1732 : i1 to i32
        %sign3A_1734 = arith.constant 0 : i32
        %sign3A_1735 = arith.cmpi slt, %add3A_1728, %sign3A_1734 : i32
        %sign3A_1736 = arith.extui %sign3A_1735 : i1 to i32
        %sign3A_1737 = arith.subi %sign3A_1733, %sign3A_1736 : i32
        %sign3A_1738 = arith.constant 0 : i32
        %sign3A_1739 = arith.cmpi sgt, %jit3A_1729, %sign3A_1738 : i32
        %sign3A_1740 = arith.extui %sign3A_1739 : i1 to i32
        %sign3A_1741 = arith.constant 0 : i32
        %sign3A_1742 = arith.cmpi slt, %jit3A_1729, %sign3A_1741 : i32
        %sign3A_1743 = arith.extui %sign3A_1742 : i1 to i32
        %sign3A_1744 = arith.subi %sign3A_1740, %sign3A_1743 : i32
        %ne3A_1745 = arith.cmpi ne, %sign3A_1737, %sign3A_1744 : i32
        %rem3A_1746 = arith.remsi %add3A_1728, %jit3A_1729 : i32
        %ne3A_1747 = arith.constant 0 : i32
        %ne3A_1748 = arith.cmpi ne, %rem3A_1746, %ne3A_1747 : i32
        %and3A_1749 = arith.andi %ne3A_1745, %ne3A_1748 : i1
        %sub3A_1750 = arith.constant 1 : i32
        %sub3A_1751 = arith.subi %div3A_1730, %sub3A_1750 : i32
        %select_n3A_1752 = arith.select %and3A_1749, %sub3A_1751, %div3A_1730 : i32
        %mul3A_1753 = arith.constant 16 : i32
        %mul3A_1754 = arith.muli %select_n3A_1752, %mul3A_1753 : i32
        %sub3A_1755 = arith.subi %add3A_1728, %mul3A_1754 : i32
        %mul3A_1756 = arith.constant 262144 : i32
        %mul3A_1757 = arith.muli %select_n3A_1752, %mul3A_1756 : i32
        %add3A_1758 = arith.constant 163840 : i32
        %add3A_1759 = arith.addi %mul3A_1757, %add3A_1758 : i32
        %mul3A_1760 = arith.constant 2048 : i32
        %mul3A_1761 = arith.muli %sub3A_1755, %mul3A_1760 : i32
        %add3A_1762 = arith.addi %add3A_1759, %mul3A_1761 : i32
        %dma_wait3A_1763 = arith.constant 10240 : i32
        %dma_wait3A_1764 = tpu.memref_slice %arg7[%dma_wait3A_1763] : memref<16384xf32, #tpu.memory_space<vmem>> -> memref<2048xf32, #tpu.memory_space<vmem>>
        %dma_wait3A_1765 = tpu.memref_slice %arg3[%add3A_1762] : memref<26214400xf32, #tpu.memory_space<hbm>> -> memref<2048xf32, #tpu.memory_space<hbm>>
        %dma_wait3A_1766 = tpu.memref_slice %arg3[%add3A_1762] : memref<26214400xf32, #tpu.memory_space<hbm>> -> memref<2048xf32, #tpu.memory_space<hbm>>
        %dma_wait3A_1767 = arith.constant 10240 : i32
        %dma_wait3A_1768 = tpu.memref_slice %arg7[%dma_wait3A_1767] : memref<16384xf32, #tpu.memory_space<vmem>> -> memref<2048xf32, #tpu.memory_space<vmem>>
        tpu.wait_dma2 semaphore(%arg11 : memref<!tpu.dma_semaphore, #tpu.memory_space<semaphore_mem>>) src(%dma_wait3A_1768 : memref<2048xf32, #tpu.memory_space<vmem>>) dst(%dma_wait3A_1766 : memref<2048xf32, #tpu.memory_space<hbm>>)
        %add3A_1769 = arith.addi %mul3A_2, %add3A_757 : i32
        %jit3A_1770 = arith.constant 16 : i32
        %div3A_1771 = arith.divsi %add3A_1769, %jit3A_1770 : i32
        %sign3A_1772 = arith.constant 0 : i32
        %sign3A_1773 = arith.cmpi sgt, %add3A_1769, %sign3A_1772 : i32
        %sign3A_1774 = arith.extui %sign3A_1773 : i1 to i32
        %sign3A_1775 = arith.constant 0 : i32
        %sign3A_1776 = arith.cmpi slt, %add3A_1769, %sign3A_1775 : i32
        %sign3A_1777 = arith.extui %sign3A_1776 : i1 to i32
        %sign3A_1778 = arith.subi %sign3A_1774, %sign3A_1777 : i32
        %sign3A_1779 = arith.constant 0 : i32
        %sign3A_1780 = arith.cmpi sgt, %jit3A_1770, %sign3A_1779 : i32
        %sign3A_1781 = arith.extui %sign3A_1780 : i1 to i32
        %sign3A_1782 = arith.constant 0 : i32
        %sign3A_1783 = arith.cmpi slt, %jit3A_1770, %sign3A_1782 : i32
        %sign3A_1784 = arith.extui %sign3A_1783 : i1 to i32
        %sign3A_1785 = arith.subi %sign3A_1781, %sign3A_1784 : i32
        %ne3A_1786 = arith.cmpi ne, %sign3A_1778, %sign3A_1785 : i32
        %rem3A_1787 = arith.remsi %add3A_1769, %jit3A_1770 : i32
        %ne3A_1788 = arith.constant 0 : i32
        %ne3A_1789 = arith.cmpi ne, %rem3A_1787, %ne3A_1788 : i32
        %and3A_1790 = arith.andi %ne3A_1786, %ne3A_1789 : i1
        %sub3A_1791 = arith.constant 1 : i32
        %sub3A_1792 = arith.subi %div3A_1771, %sub3A_1791 : i32
        %select_n3A_1793 = arith.select %and3A_1790, %sub3A_1792, %div3A_1771 : i32
        %mul3A_1794 = arith.constant 16 : i32
        %mul3A_1795 = arith.muli %select_n3A_1793, %mul3A_1794 : i32
        %sub3A_1796 = arith.subi %add3A_1769, %mul3A_1795 : i32
        %mul3A_1797 = arith.constant 262144 : i32
        %mul3A_1798 = arith.muli %select_n3A_1793, %mul3A_1797 : i32
        %add3A_1799 = arith.constant 196608 : i32
        %add3A_1800 = arith.addi %mul3A_1798, %add3A_1799 : i32
        %mul3A_1801 = arith.constant 2048 : i32
        %mul3A_1802 = arith.muli %sub3A_1796, %mul3A_1801 : i32
        %add3A_1803 = arith.addi %add3A_1800, %mul3A_1802 : i32
        %dma_wait3A_1804 = arith.constant 12288 : i32
        %dma_wait3A_1805 = tpu.memref_slice %arg7[%dma_wait3A_1804] : memref<16384xf32, #tpu.memory_space<vmem>> -> memref<2048xf32, #tpu.memory_space<vmem>>
        %dma_wait3A_1806 = tpu.memref_slice %arg3[%add3A_1803] : memref<26214400xf32, #tpu.memory_space<hbm>> -> memref<2048xf32, #tpu.memory_space<hbm>>
        %dma_wait3A_1807 = tpu.memref_slice %arg3[%add3A_1803] : memref<26214400xf32, #tpu.memory_space<hbm>> -> memref<2048xf32, #tpu.memory_space<hbm>>
        %dma_wait3A_1808 = arith.constant 12288 : i32
        %dma_wait3A_1809 = tpu.memref_slice %arg7[%dma_wait3A_1808] : memref<16384xf32, #tpu.memory_space<vmem>> -> memref<2048xf32, #tpu.memory_space<vmem>>
        tpu.wait_dma2 semaphore(%arg11 : memref<!tpu.dma_semaphore, #tpu.memory_space<semaphore_mem>>) src(%dma_wait3A_1809 : memref<2048xf32, #tpu.memory_space<vmem>>) dst(%dma_wait3A_1807 : memref<2048xf32, #tpu.memory_space<hbm>>)
        %add3A_1810 = arith.addi %mul3A_2, %add3A_757 : i32
        %jit3A_1811 = arith.constant 16 : i32
        %div3A_1812 = arith.divsi %add3A_1810, %jit3A_1811 : i32
        %sign3A_1813 = arith.constant 0 : i32
        %sign3A_1814 = arith.cmpi sgt, %add3A_1810, %sign3A_1813 : i32
        %sign3A_1815 = arith.extui %sign3A_1814 : i1 to i32
        %sign3A_1816 = arith.constant 0 : i32
        %sign3A_1817 = arith.cmpi slt, %add3A_1810, %sign3A_1816 : i32
        %sign3A_1818 = arith.extui %sign3A_1817 : i1 to i32
        %sign3A_1819 = arith.subi %sign3A_1815, %sign3A_1818 : i32
        %sign3A_1820 = arith.constant 0 : i32
        %sign3A_1821 = arith.cmpi sgt, %jit3A_1811, %sign3A_1820 : i32
        %sign3A_1822 = arith.extui %sign3A_1821 : i1 to i32
        %sign3A_1823 = arith.constant 0 : i32
        %sign3A_1824 = arith.cmpi slt, %jit3A_1811, %sign3A_1823 : i32
        %sign3A_1825 = arith.extui %sign3A_1824 : i1 to i32
        %sign3A_1826 = arith.subi %sign3A_1822, %sign3A_1825 : i32
        %ne3A_1827 = arith.cmpi ne, %sign3A_1819, %sign3A_1826 : i32
        %rem3A_1828 = arith.remsi %add3A_1810, %jit3A_1811 : i32
        %ne3A_1829 = arith.constant 0 : i32
        %ne3A_1830 = arith.cmpi ne, %rem3A_1828, %ne3A_1829 : i32
        %and3A_1831 = arith.andi %ne3A_1827, %ne3A_1830 : i1
        %sub3A_1832 = arith.constant 1 : i32
        %sub3A_1833 = arith.subi %div3A_1812, %sub3A_1832 : i32
        %select_n3A_1834 = arith.select %and3A_1831, %sub3A_1833, %div3A_1812 : i32
        %mul3A_1835 = arith.constant 16 : i32
        %mul3A_1836 = arith.muli %select_n3A_1834, %mul3A_1835 : i32
        %sub3A_1837 = arith.subi %add3A_1810, %mul3A_1836 : i32
        %mul3A_1838 = arith.constant 262144 : i32
        %mul3A_1839 = arith.muli %select_n3A_1834, %mul3A_1838 : i32
        %add3A_1840 = arith.constant 229376 : i32
        %add3A_1841 = arith.addi %mul3A_1839, %add3A_1840 : i32
        %mul3A_1842 = arith.constant 2048 : i32
        %mul3A_1843 = arith.muli %sub3A_1837, %mul3A_1842 : i32
        %add3A_1844 = arith.addi %add3A_1841, %mul3A_1843 : i32
        %dma_wait3A_1845 = arith.constant 14336 : i32
        %dma_wait3A_1846 = tpu.memref_slice %arg7[%dma_wait3A_1845] : memref<16384xf32, #tpu.memory_space<vmem>> -> memref<2048xf32, #tpu.memory_space<vmem>>
        %dma_wait3A_1847 = tpu.memref_slice %arg3[%add3A_1844] : memref<26214400xf32, #tpu.memory_space<hbm>> -> memref<2048xf32, #tpu.memory_space<hbm>>
        %dma_wait3A_1848 = tpu.memref_slice %arg3[%add3A_1844] : memref<26214400xf32, #tpu.memory_space<hbm>> -> memref<2048xf32, #tpu.memory_space<hbm>>
        %dma_wait3A_1849 = arith.constant 14336 : i32
        %dma_wait3A_1850 = tpu.memref_slice %arg7[%dma_wait3A_1849] : memref<16384xf32, #tpu.memory_space<vmem>> -> memref<2048xf32, #tpu.memory_space<vmem>>
        tpu.wait_dma2 semaphore(%arg11 : memref<!tpu.dma_semaphore, #tpu.memory_space<semaphore_mem>>) src(%dma_wait3A_1850 : memref<2048xf32, #tpu.memory_space<vmem>>) dst(%dma_wait3A_1848 : memref<2048xf32, #tpu.memory_space<hbm>>)
      } else {
      }
      %parallel_loop3A = arith.constant 0 : i32
      %parallel_loop3A_797 = arith.constant 128 : i32
      %parallel_loop3A_798 = arith.constant 1 : i32
      scf.for %parallel_loop3A_1523 = %parallel_loop3A to %parallel_loop3A_797 step %parallel_loop3A_798  : i32 {
        %parallel_loop3A_1524 = arith.constant 256 : i32
        %parallel_loop3A_1525 = arith.muli %parallel_loop3A_1523, %parallel_loop3A_1524 : i32
        %parallel_loop3A_1526 = arith.constant 138 : i32
        %parallel_loop3A_1527 = arith.muli %parallel_loop3A_1523, %parallel_loop3A_1526 : i32
        %parallel_loop3A_1528 = arith.constant 0 : i32
        %parallel_loop3A_1529 = arith.addi %parallel_loop3A_1525, %parallel_loop3A_1528 : i32
        %parallel_loop3A_1530 = vector.broadcast %parallel_loop3A_1529 : i32 to vector<16xi32>
        %parallel_loop3A_1531 = arith.addi %mul3A_5, %parallel_loop3A_1530 : vector<16xi32>
        %parallel_loop3A_1532 = tpu.vector_load_idx %arg4[%parallel_loop3A_1531] : memref<32768xf32, #tpu.memory_space<vmem>>[vector<16xi32>], vector<16xf32>,
        %parallel_loop3A_1533 = arith.constant 32 : i32
        %parallel_loop3A_1534 = arith.addi %parallel_loop3A_1525, %parallel_loop3A_1533 : i32
        %parallel_loop3A_1535 = vector.broadcast %parallel_loop3A_1534 : i32 to vector<16xi32>
        %parallel_loop3A_1536 = arith.addi %mul3A_5, %parallel_loop3A_1535 : vector<16xi32>
        %parallel_loop3A_1537 = tpu.vector_load_idx %arg4[%parallel_loop3A_1536] : memref<32768xf32, #tpu.memory_space<vmem>>[vector<16xi32>], vector<16xf32>,
        %parallel_loop3A_1538 = arith.constant 64 : i32
        %parallel_loop3A_1539 = arith.addi %parallel_loop3A_1525, %parallel_loop3A_1538 : i32
        %parallel_loop3A_1540 = vector.broadcast %parallel_loop3A_1539 : i32 to vector<16xi32>
        %parallel_loop3A_1541 = arith.addi %mul3A_5, %parallel_loop3A_1540 : vector<16xi32>
        %parallel_loop3A_1542 = tpu.vector_load_idx %arg4[%parallel_loop3A_1541] : memref<32768xf32, #tpu.memory_space<vmem>>[vector<16xi32>], vector<16xf32>,
        %parallel_loop3A_1543 = arith.constant 96 : i32
        %parallel_loop3A_1544 = arith.addi %parallel_loop3A_1525, %parallel_loop3A_1543 : i32
        %parallel_loop3A_1545 = vector.broadcast %parallel_loop3A_1544 : i32 to vector<16xi32>
        %parallel_loop3A_1546 = arith.addi %mul3A_5, %parallel_loop3A_1545 : vector<16xi32>
        %parallel_loop3A_1547 = tpu.vector_load_idx %arg4[%parallel_loop3A_1546] : memref<32768xf32, #tpu.memory_space<vmem>>[vector<16xi32>], vector<16xf32>,
        %parallel_loop3A_1548 = arith.constant 128 : i32
        %parallel_loop3A_1549 = arith.addi %parallel_loop3A_1525, %parallel_loop3A_1548 : i32
        %parallel_loop3A_1550 = vector.broadcast %parallel_loop3A_1549 : i32 to vector<16xi32>
        %parallel_loop3A_1551 = arith.addi %mul3A_5, %parallel_loop3A_1550 : vector<16xi32>
        %parallel_loop3A_1552 = tpu.vector_load_idx %arg4[%parallel_loop3A_1551] : memref<32768xf32, #tpu.memory_space<vmem>>[vector<16xi32>], vector<16xf32>,
        %parallel_loop3A_1553 = arith.constant 160 : i32
        %parallel_loop3A_1554 = arith.addi %parallel_loop3A_1525, %parallel_loop3A_1553 : i32
        %parallel_loop3A_1555 = vector.broadcast %parallel_loop3A_1554 : i32 to vector<16xi32>
        %parallel_loop3A_1556 = arith.addi %mul3A_5, %parallel_loop3A_1555 : vector<16xi32>
        %parallel_loop3A_1557 = tpu.vector_load_idx %arg4[%parallel_loop3A_1556] : memref<32768xf32, #tpu.memory_space<vmem>>[vector<16xi32>], vector<16xf32>,
        %parallel_loop3A_1558 = arith.constant 192 : i32
        %parallel_loop3A_1559 = arith.addi %parallel_loop3A_1525, %parallel_loop3A_1558 : i32
        %parallel_loop3A_1560 = vector.broadcast %parallel_loop3A_1559 : i32 to vector<16xi32>
        %parallel_loop3A_1561 = arith.addi %mul3A_5, %parallel_loop3A_1560 : vector<16xi32>
        %parallel_loop3A_1562 = tpu.vector_load_idx %arg4[%parallel_loop3A_1561] : memref<32768xf32, #tpu.memory_space<vmem>>[vector<16xi32>], vector<16xf32>,
        %parallel_loop3A_1563 = arith.constant 224 : i32
        %parallel_loop3A_1564 = arith.addi %parallel_loop3A_1525, %parallel_loop3A_1563 : i32
        %parallel_loop3A_1565 = vector.broadcast %parallel_loop3A_1564 : i32 to vector<16xi32>
        %parallel_loop3A_1566 = arith.addi %mul3A_5, %parallel_loop3A_1565 : vector<16xi32>
        %parallel_loop3A_1567 = tpu.vector_load_idx %arg4[%parallel_loop3A_1566] : memref<32768xf32, #tpu.memory_space<vmem>>[vector<16xi32>], vector<16xf32>,
        %parallel_loop3A_1568 = arith.constant 0 : i32
        %parallel_loop3A_1569 = arith.addi %parallel_loop3A_1527, %parallel_loop3A_1568 : i32
        %parallel_loop3A_1570 = arith.constant 0 : i32
        %parallel_loop3A_1571 = arith.addi %parallel_loop3A_1569, %parallel_loop3A_1570 : i32
        %parallel_loop3A_1572 = arith.index_cast %parallel_loop3A_1571 : i32 to index
        %parallel_loop3A_1573 = tpu.vector_load %arg6[%parallel_loop3A_1572] {strides = array<i32>} : memref<17664xf32, #tpu.memory_space<vmem>>, vector<16xf32>,
        tpu.vector_store %arg6[%parallel_loop3A_1572], %parallel_loop3A_1532 {strides = array<i32>} : memref<17664xf32, #tpu.memory_space<vmem>>, vector<16xf32>,
        %parallel_loop3A_1574 = arith.constant 0 : i32
        %parallel_loop3A_1575 = arith.addi %parallel_loop3A_1527, %parallel_loop3A_1574 : i32
        %parallel_loop3A_1576 = arith.constant 16 : i32
        %parallel_loop3A_1577 = arith.addi %parallel_loop3A_1575, %parallel_loop3A_1576 : i32
        %parallel_loop3A_1578 = arith.index_cast %parallel_loop3A_1577 : i32 to index
        %parallel_loop3A_1579 = tpu.vector_load %arg6[%parallel_loop3A_1578] {strides = array<i32>} : memref<17664xf32, #tpu.memory_space<vmem>>, vector<16xf32>,
        tpu.vector_store %arg6[%parallel_loop3A_1578], %parallel_loop3A_1537 {strides = array<i32>} : memref<17664xf32, #tpu.memory_space<vmem>>, vector<16xf32>,
        %parallel_loop3A_1580 = arith.constant 0 : i32
        %parallel_loop3A_1581 = arith.addi %parallel_loop3A_1527, %parallel_loop3A_1580 : i32
        %parallel_loop3A_1582 = arith.constant 32 : i32
        %parallel_loop3A_1583 = arith.addi %parallel_loop3A_1581, %parallel_loop3A_1582 : i32
        %parallel_loop3A_1584 = arith.index_cast %parallel_loop3A_1583 : i32 to index
        %parallel_loop3A_1585 = tpu.vector_load %arg6[%parallel_loop3A_1584] {strides = array<i32>} : memref<17664xf32, #tpu.memory_space<vmem>>, vector<16xf32>,
        tpu.vector_store %arg6[%parallel_loop3A_1584], %parallel_loop3A_1542 {strides = array<i32>} : memref<17664xf32, #tpu.memory_space<vmem>>, vector<16xf32>,
        %parallel_loop3A_1586 = arith.constant 0 : i32
        %parallel_loop3A_1587 = arith.addi %parallel_loop3A_1527, %parallel_loop3A_1586 : i32
        %parallel_loop3A_1588 = arith.constant 48 : i32
        %parallel_loop3A_1589 = arith.addi %parallel_loop3A_1587, %parallel_loop3A_1588 : i32
        %parallel_loop3A_1590 = arith.index_cast %parallel_loop3A_1589 : i32 to index
        %parallel_loop3A_1591 = tpu.vector_load %arg6[%parallel_loop3A_1590] {strides = array<i32>} : memref<17664xf32, #tpu.memory_space<vmem>>, vector<16xf32>,
        tpu.vector_store %arg6[%parallel_loop3A_1590], %parallel_loop3A_1547 {strides = array<i32>} : memref<17664xf32, #tpu.memory_space<vmem>>, vector<16xf32>,
        %parallel_loop3A_1592 = arith.constant 69 : i32
        %parallel_loop3A_1593 = arith.addi %parallel_loop3A_1527, %parallel_loop3A_1592 : i32
        %parallel_loop3A_1594 = arith.constant 0 : i32
        %parallel_loop3A_1595 = arith.addi %parallel_loop3A_1593, %parallel_loop3A_1594 : i32
        %parallel_loop3A_1596 = arith.index_cast %parallel_loop3A_1595 : i32 to index
        %parallel_loop3A_1597 = tpu.vector_load %arg6[%parallel_loop3A_1596] {strides = array<i32>} : memref<17664xf32, #tpu.memory_space<vmem>>, vector<16xf32>,
        tpu.vector_store %arg6[%parallel_loop3A_1596], %parallel_loop3A_1552 {strides = array<i32>} : memref<17664xf32, #tpu.memory_space<vmem>>, vector<16xf32>,
        %parallel_loop3A_1598 = arith.constant 69 : i32
        %parallel_loop3A_1599 = arith.addi %parallel_loop3A_1527, %parallel_loop3A_1598 : i32
        %parallel_loop3A_1600 = arith.constant 16 : i32
        %parallel_loop3A_1601 = arith.addi %parallel_loop3A_1599, %parallel_loop3A_1600 : i32
        %parallel_loop3A_1602 = arith.index_cast %parallel_loop3A_1601 : i32 to index
        %parallel_loop3A_1603 = tpu.vector_load %arg6[%parallel_loop3A_1602] {strides = array<i32>} : memref<17664xf32, #tpu.memory_space<vmem>>, vector<16xf32>,
        tpu.vector_store %arg6[%parallel_loop3A_1602], %parallel_loop3A_1557 {strides = array<i32>} : memref<17664xf32, #tpu.memory_space<vmem>>, vector<16xf32>,
        %parallel_loop3A_1604 = arith.constant 69 : i32
        %parallel_loop3A_1605 = arith.addi %parallel_loop3A_1527, %parallel_loop3A_1604 : i32
        %parallel_loop3A_1606 = arith.constant 32 : i32
        %parallel_loop3A_1607 = arith.addi %parallel_loop3A_1605, %parallel_loop3A_1606 : i32
        %parallel_loop3A_1608 = arith.index_cast %parallel_loop3A_1607 : i32 to index
        %parallel_loop3A_1609 = tpu.vector_load %arg6[%parallel_loop3A_1608] {strides = array<i32>} : memref<17664xf32, #tpu.memory_space<vmem>>, vector<16xf32>,
        tpu.vector_store %arg6[%parallel_loop3A_1608], %parallel_loop3A_1562 {strides = array<i32>} : memref<17664xf32, #tpu.memory_space<vmem>>, vector<16xf32>,
        %parallel_loop3A_1610 = arith.constant 69 : i32
        %parallel_loop3A_1611 = arith.addi %parallel_loop3A_1527, %parallel_loop3A_1610 : i32
        %parallel_loop3A_1612 = arith.constant 48 : i32
        %parallel_loop3A_1613 = arith.addi %parallel_loop3A_1611, %parallel_loop3A_1612 : i32
        %parallel_loop3A_1614 = arith.index_cast %parallel_loop3A_1613 : i32 to index
        %parallel_loop3A_1615 = tpu.vector_load %arg6[%parallel_loop3A_1614] {strides = array<i32>} : memref<17664xf32, #tpu.memory_space<vmem>>, vector<16xf32>,
        tpu.vector_store %arg6[%parallel_loop3A_1614], %parallel_loop3A_1567 {strides = array<i32>} : memref<17664xf32, #tpu.memory_space<vmem>>, vector<16xf32>,
      } {sc.loop_unroll_factor = 2 : i64, sc.parallel_access}
      %parallel_loop3A_799 = arith.constant 0 : i32
      %parallel_loop3A_800 = arith.constant 128 : i32
      %parallel_loop3A_801 = arith.constant 1 : i32
      scf.for %parallel_loop3A_1523 = %parallel_loop3A_799 to %parallel_loop3A_800 step %parallel_loop3A_801  : i32 {
        %parallel_loop3A_1524 = arith.constant 8 : i32
        %parallel_loop3A_1525 = arith.divsi %parallel_loop3A_1523, %parallel_loop3A_1524 : i32
        %parallel_loop3A_1526 = arith.constant 0 : i32
        %parallel_loop3A_1527 = arith.cmpi sgt, %parallel_loop3A_1523, %parallel_loop3A_1526 : i32
        %parallel_loop3A_1528 = arith.extui %parallel_loop3A_1527 : i1 to i32
        %parallel_loop3A_1529 = arith.constant 0 : i32
        %parallel_loop3A_1530 = arith.cmpi slt, %parallel_loop3A_1523, %parallel_loop3A_1529 : i32
        %parallel_loop3A_1531 = arith.extui %parallel_loop3A_1530 : i1 to i32
        %parallel_loop3A_1532 = arith.subi %parallel_loop3A_1528, %parallel_loop3A_1531 : i32
        %parallel_loop3A_1533 = arith.constant 0 : i32
        %parallel_loop3A_1534 = arith.cmpi sgt, %parallel_loop3A_1524, %parallel_loop3A_1533 : i32
        %parallel_loop3A_1535 = arith.extui %parallel_loop3A_1534 : i1 to i32
        %parallel_loop3A_1536 = arith.constant 0 : i32
        %parallel_loop3A_1537 = arith.cmpi slt, %parallel_loop3A_1524, %parallel_loop3A_1536 : i32
        %parallel_loop3A_1538 = arith.extui %parallel_loop3A_1537 : i1 to i32
        %parallel_loop3A_1539 = arith.subi %parallel_loop3A_1535, %parallel_loop3A_1538 : i32
        %parallel_loop3A_1540 = arith.cmpi ne, %parallel_loop3A_1532, %parallel_loop3A_1539 : i32
        %parallel_loop3A_1541 = arith.remsi %parallel_loop3A_1523, %parallel_loop3A_1524 : i32
        %parallel_loop3A_1542 = arith.constant 0 : i32
        %parallel_loop3A_1543 = arith.cmpi ne, %parallel_loop3A_1541, %parallel_loop3A_1542 : i32
        %parallel_loop3A_1544 = arith.andi %parallel_loop3A_1540, %parallel_loop3A_1543 : i1
        %parallel_loop3A_1545 = arith.constant 1 : i32
        %parallel_loop3A_1546 = arith.subi %parallel_loop3A_1525, %parallel_loop3A_1545 : i32
        %parallel_loop3A_1547 = arith.select %parallel_loop3A_1544, %parallel_loop3A_1546, %parallel_loop3A_1525 : i32
        %parallel_loop3A_1548 = arith.constant 8 : i32
        %parallel_loop3A_1549 = arith.muli %parallel_loop3A_1547, %parallel_loop3A_1548 : i32
        %parallel_loop3A_1550 = arith.subi %parallel_loop3A_1523, %parallel_loop3A_1549 : i32
        %parallel_loop3A_1551 = arith.constant 8 : i32
        %parallel_loop3A_1552 = arith.divsi %parallel_loop3A_1547, %parallel_loop3A_1551 : i32
        %parallel_loop3A_1553 = arith.constant 0 : i32
        %parallel_loop3A_1554 = arith.cmpi sgt, %parallel_loop3A_1547, %parallel_loop3A_1553 : i32
        %parallel_loop3A_1555 = arith.extui %parallel_loop3A_1554 : i1 to i32
        %parallel_loop3A_1556 = arith.constant 0 : i32
        %parallel_loop3A_1557 = arith.cmpi slt, %parallel_loop3A_1547, %parallel_loop3A_1556 : i32
        %parallel_loop3A_1558 = arith.extui %parallel_loop3A_1557 : i1 to i32
        %parallel_loop3A_1559 = arith.subi %parallel_loop3A_1555, %parallel_loop3A_1558 : i32
        %parallel_loop3A_1560 = arith.constant 0 : i32
        %parallel_loop3A_1561 = arith.cmpi sgt, %parallel_loop3A_1551, %parallel_loop3A_1560 : i32
        %parallel_loop3A_1562 = arith.extui %parallel_loop3A_1561 : i1 to i32
        %parallel_loop3A_1563 = arith.constant 0 : i32
        %parallel_loop3A_1564 = arith.cmpi slt, %parallel_loop3A_1551, %parallel_loop3A_1563 : i32
        %parallel_loop3A_1565 = arith.extui %parallel_loop3A_1564 : i1 to i32
        %parallel_loop3A_1566 = arith.subi %parallel_loop3A_1562, %parallel_loop3A_1565 : i32
        %parallel_loop3A_1567 = arith.cmpi ne, %parallel_loop3A_1559, %parallel_loop3A_1566 : i32
        %parallel_loop3A_1568 = arith.remsi %parallel_loop3A_1547, %parallel_loop3A_1551 : i32
        %parallel_loop3A_1569 = arith.constant 0 : i32
        %parallel_loop3A_1570 = arith.cmpi ne, %parallel_loop3A_1568, %parallel_loop3A_1569 : i32
        %parallel_loop3A_1571 = arith.andi %parallel_loop3A_1567, %parallel_loop3A_1570 : i1
        %parallel_loop3A_1572 = arith.constant 1 : i32
        %parallel_loop3A_1573 = arith.subi %parallel_loop3A_1552, %parallel_loop3A_1572 : i32
        %parallel_loop3A_1574 = arith.select %parallel_loop3A_1571, %parallel_loop3A_1573, %parallel_loop3A_1552 : i32
        %parallel_loop3A_1575 = arith.constant 8 : i32
        %parallel_loop3A_1576 = arith.muli %parallel_loop3A_1574, %parallel_loop3A_1575 : i32
        %parallel_loop3A_1577 = arith.subi %parallel_loop3A_1547, %parallel_loop3A_1576 : i32
        %parallel_loop3A_1578 = arith.constant 1104 : i32
        %parallel_loop3A_1579 = arith.muli %parallel_loop3A_1547, %parallel_loop3A_1578 : i32
        %parallel_loop3A_1580 = arith.constant 8 : i32
        %parallel_loop3A_1581 = arith.muli %parallel_loop3A_1550, %parallel_loop3A_1580 : i32
        %parallel_loop3A_1582 = arith.addi %parallel_loop3A_1579, %parallel_loop3A_1581 : i32
        %parallel_loop3A_1583 = arith.constant 2048 : i32
        %parallel_loop3A_1584 = arith.muli %parallel_loop3A_1550, %parallel_loop3A_1583 : i32
        %parallel_loop3A_1585 = arith.constant 1024 : i32
        %parallel_loop3A_1586 = arith.muli %parallel_loop3A_1574, %parallel_loop3A_1585 : i32
        %parallel_loop3A_1587 = arith.addi %parallel_loop3A_1584, %parallel_loop3A_1586 : i32
        %parallel_loop3A_1588 = arith.constant 16 : i32
        %parallel_loop3A_1589 = arith.muli %parallel_loop3A_1577, %parallel_loop3A_1588 : i32
        %parallel_loop3A_1590 = arith.addi %parallel_loop3A_1587, %parallel_loop3A_1589 : i32
        %parallel_loop3A_1591 = arith.constant 0 : i32
        %parallel_loop3A_1592 = arith.addi %parallel_loop3A_1582, %parallel_loop3A_1591 : i32
        %parallel_loop3A_1593 = vector.broadcast %parallel_loop3A_1592 : i32 to vector<16xi32>
        %parallel_loop3A_1594 = arith.addi %mul3A_9, %parallel_loop3A_1593 : vector<16xi32>
        %parallel_loop3A_1595 = tpu.vector_load_idx %arg6[%parallel_loop3A_1594] : memref<17664xf32, #tpu.memory_space<vmem>>[vector<16xi32>], vector<16xf32>,
        %parallel_loop3A_1596 = arith.constant 1 : i32
        %parallel_loop3A_1597 = arith.addi %parallel_loop3A_1582, %parallel_loop3A_1596 : i32
        %parallel_loop3A_1598 = vector.broadcast %parallel_loop3A_1597 : i32 to vector<16xi32>
        %parallel_loop3A_1599 = arith.addi %mul3A_9, %parallel_loop3A_1598 : vector<16xi32>
        %parallel_loop3A_1600 = tpu.vector_load_idx %arg6[%parallel_loop3A_1599] : memref<17664xf32, #tpu.memory_space<vmem>>[vector<16xi32>], vector<16xf32>,
        %parallel_loop3A_1601 = arith.constant 2 : i32
        %parallel_loop3A_1602 = arith.addi %parallel_loop3A_1582, %parallel_loop3A_1601 : i32
        %parallel_loop3A_1603 = vector.broadcast %parallel_loop3A_1602 : i32 to vector<16xi32>
        %parallel_loop3A_1604 = arith.addi %mul3A_9, %parallel_loop3A_1603 : vector<16xi32>
        %parallel_loop3A_1605 = tpu.vector_load_idx %arg6[%parallel_loop3A_1604] : memref<17664xf32, #tpu.memory_space<vmem>>[vector<16xi32>], vector<16xf32>,
        %parallel_loop3A_1606 = arith.constant 3 : i32
        %parallel_loop3A_1607 = arith.addi %parallel_loop3A_1582, %parallel_loop3A_1606 : i32
        %parallel_loop3A_1608 = vector.broadcast %parallel_loop3A_1607 : i32 to vector<16xi32>
        %parallel_loop3A_1609 = arith.addi %mul3A_9, %parallel_loop3A_1608 : vector<16xi32>
        %parallel_loop3A_1610 = tpu.vector_load_idx %arg6[%parallel_loop3A_1609] : memref<17664xf32, #tpu.memory_space<vmem>>[vector<16xi32>], vector<16xf32>,
        %parallel_loop3A_1611 = arith.constant 4 : i32
        %parallel_loop3A_1612 = arith.addi %parallel_loop3A_1582, %parallel_loop3A_1611 : i32
        %parallel_loop3A_1613 = vector.broadcast %parallel_loop3A_1612 : i32 to vector<16xi32>
        %parallel_loop3A_1614 = arith.addi %mul3A_9, %parallel_loop3A_1613 : vector<16xi32>
        %parallel_loop3A_1615 = tpu.vector_load_idx %arg6[%parallel_loop3A_1614] : memref<17664xf32, #tpu.memory_space<vmem>>[vector<16xi32>], vector<16xf32>,
        %parallel_loop3A_1616 = arith.constant 5 : i32
        %parallel_loop3A_1617 = arith.addi %parallel_loop3A_1582, %parallel_loop3A_1616 : i32
        %parallel_loop3A_1618 = vector.broadcast %parallel_loop3A_1617 : i32 to vector<16xi32>
        %parallel_loop3A_1619 = arith.addi %mul3A_9, %parallel_loop3A_1618 : vector<16xi32>
        %parallel_loop3A_1620 = tpu.vector_load_idx %arg6[%parallel_loop3A_1619] : memref<17664xf32, #tpu.memory_space<vmem>>[vector<16xi32>], vector<16xf32>,
        %parallel_loop3A_1621 = arith.constant 6 : i32
        %parallel_loop3A_1622 = arith.addi %parallel_loop3A_1582, %parallel_loop3A_1621 : i32
        %parallel_loop3A_1623 = vector.broadcast %parallel_loop3A_1622 : i32 to vector<16xi32>
        %parallel_loop3A_1624 = arith.addi %mul3A_9, %parallel_loop3A_1623 : vector<16xi32>
        %parallel_loop3A_1625 = tpu.vector_load_idx %arg6[%parallel_loop3A_1624] : memref<17664xf32, #tpu.memory_space<vmem>>[vector<16xi32>], vector<16xf32>,
        %parallel_loop3A_1626 = arith.constant 7 : i32
        %parallel_loop3A_1627 = arith.addi %parallel_loop3A_1582, %parallel_loop3A_1626 : i32
        %parallel_loop3A_1628 = vector.broadcast %parallel_loop3A_1627 : i32 to vector<16xi32>
        %parallel_loop3A_1629 = arith.addi %mul3A_9, %parallel_loop3A_1628 : vector<16xi32>
        %parallel_loop3A_1630 = tpu.vector_load_idx %arg6[%parallel_loop3A_1629] : memref<17664xf32, #tpu.memory_space<vmem>>[vector<16xi32>], vector<16xf32>,
        %parallel_loop3A_1631 = arith.constant 0 : i32
        %parallel_loop3A_1632 = arith.addi %parallel_loop3A_1590, %parallel_loop3A_1631 : i32
        %parallel_loop3A_1633 = arith.index_cast %parallel_loop3A_1632 : i32 to index
        %parallel_loop3A_1634 = tpu.vector_load %arg7[%parallel_loop3A_1633] {strides = array<i32>} : memref<16384xf32, #tpu.memory_space<vmem>>, vector<16xf32>,
        tpu.vector_store %arg7[%parallel_loop3A_1633], %parallel_loop3A_1595 {strides = array<i32>} : memref<16384xf32, #tpu.memory_space<vmem>>, vector<16xf32>,
        %parallel_loop3A_1635 = arith.constant 128 : i32
        %parallel_loop3A_1636 = arith.addi %parallel_loop3A_1590, %parallel_loop3A_1635 : i32
        %parallel_loop3A_1637 = arith.index_cast %parallel_loop3A_1636 : i32 to index
        %parallel_loop3A_1638 = tpu.vector_load %arg7[%parallel_loop3A_1637] {strides = array<i32>} : memref<16384xf32, #tpu.memory_space<vmem>>, vector<16xf32>,
        tpu.vector_store %arg7[%parallel_loop3A_1637], %parallel_loop3A_1600 {strides = array<i32>} : memref<16384xf32, #tpu.memory_space<vmem>>, vector<16xf32>,
        %parallel_loop3A_1639 = arith.constant 256 : i32
        %parallel_loop3A_1640 = arith.addi %parallel_loop3A_1590, %parallel_loop3A_1639 : i32
        %parallel_loop3A_1641 = arith.index_cast %parallel_loop3A_1640 : i32 to index
        %parallel_loop3A_1642 = tpu.vector_load %arg7[%parallel_loop3A_1641] {strides = array<i32>} : memref<16384xf32, #tpu.memory_space<vmem>>, vector<16xf32>,
        tpu.vector_store %arg7[%parallel_loop3A_1641], %parallel_loop3A_1605 {strides = array<i32>} : memref<16384xf32, #tpu.memory_space<vmem>>, vector<16xf32>,
        %parallel_loop3A_1643 = arith.constant 384 : i32
        %parallel_loop3A_1644 = arith.addi %parallel_loop3A_1590, %parallel_loop3A_1643 : i32
        %parallel_loop3A_1645 = arith.index_cast %parallel_loop3A_1644 : i32 to index
        %parallel_loop3A_1646 = tpu.vector_load %arg7[%parallel_loop3A_1645] {strides = array<i32>} : memref<16384xf32, #tpu.memory_space<vmem>>, vector<16xf32>,
        tpu.vector_store %arg7[%parallel_loop3A_1645], %parallel_loop3A_1610 {strides = array<i32>} : memref<16384xf32, #tpu.memory_space<vmem>>, vector<16xf32>,
        %parallel_loop3A_1647 = arith.constant 512 : i32
        %parallel_loop3A_1648 = arith.addi %parallel_loop3A_1590, %parallel_loop3A_1647 : i32
        %parallel_loop3A_1649 = arith.index_cast %parallel_loop3A_1648 : i32 to index
        %parallel_loop3A_1650 = tpu.vector_load %arg7[%parallel_loop3A_1649] {strides = array<i32>} : memref<16384xf32, #tpu.memory_space<vmem>>, vector<16xf32>,
        tpu.vector_store %arg7[%parallel_loop3A_1649], %parallel_loop3A_1615 {strides = array<i32>} : memref<16384xf32, #tpu.memory_space<vmem>>, vector<16xf32>,
        %parallel_loop3A_1651 = arith.constant 640 : i32
        %parallel_loop3A_1652 = arith.addi %parallel_loop3A_1590, %parallel_loop3A_1651 : i32
        %parallel_loop3A_1653 = arith.index_cast %parallel_loop3A_1652 : i32 to index
        %parallel_loop3A_1654 = tpu.vector_load %arg7[%parallel_loop3A_1653] {strides = array<i32>} : memref<16384xf32, #tpu.memory_space<vmem>>, vector<16xf32>,
        tpu.vector_store %arg7[%parallel_loop3A_1653], %parallel_loop3A_1620 {strides = array<i32>} : memref<16384xf32, #tpu.memory_space<vmem>>, vector<16xf32>,
        %parallel_loop3A_1655 = arith.constant 768 : i32
        %parallel_loop3A_1656 = arith.addi %parallel_loop3A_1590, %parallel_loop3A_1655 : i32
        %parallel_loop3A_1657 = arith.index_cast %parallel_loop3A_1656 : i32 to index
        %parallel_loop3A_1658 = tpu.vector_load %arg7[%parallel_loop3A_1657] {strides = array<i32>} : memref<16384xf32, #tpu.memory_space<vmem>>, vector<16xf32>,
        tpu.vector_store %arg7[%parallel_loop3A_1657], %parallel_loop3A_1625 {strides = array<i32>} : memref<16384xf32, #tpu.memory_space<vmem>>, vector<16xf32>,
        %parallel_loop3A_1659 = arith.constant 896 : i32
        %parallel_loop3A_1660 = arith.addi %parallel_loop3A_1590, %parallel_loop3A_1659 : i32
        %parallel_loop3A_1661 = arith.index_cast %parallel_loop3A_1660 : i32 to index
        %parallel_loop3A_1662 = tpu.vector_load %arg7[%parallel_loop3A_1661] {strides = array<i32>} : memref<16384xf32, #tpu.memory_space<vmem>>, vector<16xf32>,
        tpu.vector_store %arg7[%parallel_loop3A_1661], %parallel_loop3A_1630 {strides = array<i32>} : memref<16384xf32, #tpu.memory_space<vmem>>, vector<16xf32>,
      } {sc.loop_unroll_factor = 2 : i64, sc.parallel_access}
      %add3A_802 = arith.addi %mul3A_2, %add3A_757 : i32
      %jit3A_803 = arith.constant 16 : i32
      %div3A_804 = arith.divsi %add3A_802, %jit3A_803 : i32
      %sign3A_805 = arith.constant 0 : i32
      %sign3A_806 = arith.cmpi sgt, %add3A_802, %sign3A_805 : i32
      %sign3A_807 = arith.extui %sign3A_806 : i1 to i32
      %sign3A_808 = arith.constant 0 : i32
      %sign3A_809 = arith.cmpi slt, %add3A_802, %sign3A_808 : i32
      %sign3A_810 = arith.extui %sign3A_809 : i1 to i32
      %sign3A_811 = arith.subi %sign3A_807, %sign3A_810 : i32
      %sign3A_812 = arith.constant 0 : i32
      %sign3A_813 = arith.cmpi sgt, %jit3A_803, %sign3A_812 : i32
      %sign3A_814 = arith.extui %sign3A_813 : i1 to i32
      %sign3A_815 = arith.constant 0 : i32
      %sign3A_816 = arith.cmpi slt, %jit3A_803, %sign3A_815 : i32
      %sign3A_817 = arith.extui %sign3A_816 : i1 to i32
      %sign3A_818 = arith.subi %sign3A_814, %sign3A_817 : i32
      %ne3A_819 = arith.cmpi ne, %sign3A_811, %sign3A_818 : i32
      %rem3A_820 = arith.remsi %add3A_802, %jit3A_803 : i32
      %ne3A_821 = arith.constant 0 : i32
      %ne3A_822 = arith.cmpi ne, %rem3A_820, %ne3A_821 : i32
      %and3A_823 = arith.andi %ne3A_819, %ne3A_822 : i1
      %sub3A_824 = arith.constant 1 : i32
      %sub3A_825 = arith.subi %div3A_804, %sub3A_824 : i32
      %select_n3A_826 = arith.select %and3A_823, %sub3A_825, %div3A_804 : i32
      %mul3A_827 = arith.constant 16 : i32
      %mul3A_828 = arith.muli %select_n3A_826, %mul3A_827 : i32
      %sub3A_829 = arith.subi %add3A_802, %mul3A_828 : i32
      %mul3A_830 = arith.constant 262144 : i32
      %mul3A_831 = arith.muli %select_n3A_826, %mul3A_830 : i32
      %add3A_832 = arith.constant 0 : i32
      %add3A_833 = arith.addi %mul3A_831, %add3A_832 : i32
      %mul3A_834 = arith.constant 2048 : i32
      %mul3A_835 = arith.muli %sub3A_829, %mul3A_834 : i32
      %add3A_836 = arith.addi %add3A_833, %mul3A_835 : i32
      %dma_start3A_837 = arith.constant 0 : i32
      %dma_start3A_838 = tpu.memref_slice %arg7[%dma_start3A_837] : memref<16384xf32, #tpu.memory_space<vmem>> -> memref<2048xf32, #tpu.memory_space<vmem>>
      %dma_start3A_839 = tpu.memref_slice %arg3[%add3A_836] : memref<26214400xf32, #tpu.memory_space<hbm>> -> memref<2048xf32, #tpu.memory_space<hbm>>
      %dma_start3A_840 = tpu.memref_slice %arg3[%add3A_836] : memref<26214400xf32, #tpu.memory_space<hbm>> -> memref<2048xf32, #tpu.memory_space<hbm>>
      %dma_start3A_841 = arith.constant 0 : i32
      %dma_start3A_842 = tpu.memref_slice %arg7[%dma_start3A_841] : memref<16384xf32, #tpu.memory_space<vmem>> -> memref<2048xf32, #tpu.memory_space<vmem>>
      tpu.enqueue_dma source(%dma_start3A_842 : memref<2048xf32, #tpu.memory_space<vmem>>) target(%dma_start3A_840 : memref<2048xf32, #tpu.memory_space<hbm>>) target_semaphore(%arg11 : memref<!tpu.dma_semaphore, #tpu.memory_space<semaphore_mem>>)
      %add3A_843 = arith.addi %mul3A_2, %add3A_757 : i32
      %jit3A_844 = arith.constant 16 : i32
      %div3A_845 = arith.divsi %add3A_843, %jit3A_844 : i32
      %sign3A_846 = arith.constant 0 : i32
      %sign3A_847 = arith.cmpi sgt, %add3A_843, %sign3A_846 : i32
      %sign3A_848 = arith.extui %sign3A_847 : i1 to i32
      %sign3A_849 = arith.constant 0 : i32
      %sign3A_850 = arith.cmpi slt, %add3A_843, %sign3A_849 : i32
      %sign3A_851 = arith.extui %sign3A_850 : i1 to i32
      %sign3A_852 = arith.subi %sign3A_848, %sign3A_851 : i32
      %sign3A_853 = arith.constant 0 : i32
      %sign3A_854 = arith.cmpi sgt, %jit3A_844, %sign3A_853 : i32
      %sign3A_855 = arith.extui %sign3A_854 : i1 to i32
      %sign3A_856 = arith.constant 0 : i32
      %sign3A_857 = arith.cmpi slt, %jit3A_844, %sign3A_856 : i32
      %sign3A_858 = arith.extui %sign3A_857 : i1 to i32
      %sign3A_859 = arith.subi %sign3A_855, %sign3A_858 : i32
      %ne3A_860 = arith.cmpi ne, %sign3A_852, %sign3A_859 : i32
      %rem3A_861 = arith.remsi %add3A_843, %jit3A_844 : i32
      %ne3A_862 = arith.constant 0 : i32
      %ne3A_863 = arith.cmpi ne, %rem3A_861, %ne3A_862 : i32
      %and3A_864 = arith.andi %ne3A_860, %ne3A_863 : i1
      %sub3A_865 = arith.constant 1 : i32
      %sub3A_866 = arith.subi %div3A_845, %sub3A_865 : i32
      %select_n3A_867 = arith.select %and3A_864, %sub3A_866, %div3A_845 : i32
      %mul3A_868 = arith.constant 16 : i32
      %mul3A_869 = arith.muli %select_n3A_867, %mul3A_868 : i32
      %sub3A_870 = arith.subi %add3A_843, %mul3A_869 : i32
      %mul3A_871 = arith.constant 262144 : i32
      %mul3A_872 = arith.muli %select_n3A_867, %mul3A_871 : i32
      %add3A_873 = arith.constant 32768 : i32
      %add3A_874 = arith.addi %mul3A_872, %add3A_873 : i32
      %mul3A_875 = arith.constant 2048 : i32
      %mul3A_876 = arith.muli %sub3A_870, %mul3A_875 : i32
      %add3A_877 = arith.addi %add3A_874, %mul3A_876 : i32
      %dma_start3A_878 = arith.constant 2048 : i32
      %dma_start3A_879 = tpu.memref_slice %arg7[%dma_start3A_878] : memref<16384xf32, #tpu.memory_space<vmem>> -> memref<2048xf32, #tpu.memory_space<vmem>>
      %dma_start3A_880 = tpu.memref_slice %arg3[%add3A_877] : memref<26214400xf32, #tpu.memory_space<hbm>> -> memref<2048xf32, #tpu.memory_space<hbm>>
      %dma_start3A_881 = tpu.memref_slice %arg3[%add3A_877] : memref<26214400xf32, #tpu.memory_space<hbm>> -> memref<2048xf32, #tpu.memory_space<hbm>>
      %dma_start3A_882 = arith.constant 2048 : i32
      %dma_start3A_883 = tpu.memref_slice %arg7[%dma_start3A_882] : memref<16384xf32, #tpu.memory_space<vmem>> -> memref<2048xf32, #tpu.memory_space<vmem>>
      tpu.enqueue_dma source(%dma_start3A_883 : memref<2048xf32, #tpu.memory_space<vmem>>) target(%dma_start3A_881 : memref<2048xf32, #tpu.memory_space<hbm>>) target_semaphore(%arg11 : memref<!tpu.dma_semaphore, #tpu.memory_space<semaphore_mem>>)
      %add3A_884 = arith.addi %mul3A_2, %add3A_757 : i32
      %jit3A_885 = arith.constant 16 : i32
      %div3A_886 = arith.divsi %add3A_884, %jit3A_885 : i32
      %sign3A_887 = arith.constant 0 : i32
      %sign3A_888 = arith.cmpi sgt, %add3A_884, %sign3A_887 : i32
      %sign3A_889 = arith.extui %sign3A_888 : i1 to i32
      %sign3A_890 = arith.constant 0 : i32
      %sign3A_891 = arith.cmpi slt, %add3A_884, %sign3A_890 : i32
      %sign3A_892 = arith.extui %sign3A_891 : i1 to i32
      %sign3A_893 = arith.subi %sign3A_889, %sign3A_892 : i32
      %sign3A_894 = arith.constant 0 : i32
      %sign3A_895 = arith.cmpi sgt, %jit3A_885, %sign3A_894 : i32
      %sign3A_896 = arith.extui %sign3A_895 : i1 to i32
      %sign3A_897 = arith.constant 0 : i32
      %sign3A_898 = arith.cmpi slt, %jit3A_885, %sign3A_897 : i32
      %sign3A_899 = arith.extui %sign3A_898 : i1 to i32
      %sign3A_900 = arith.subi %sign3A_896, %sign3A_899 : i32
      %ne3A_901 = arith.cmpi ne, %sign3A_893, %sign3A_900 : i32
      %rem3A_902 = arith.remsi %add3A_884, %jit3A_885 : i32
      %ne3A_903 = arith.constant 0 : i32
      %ne3A_904 = arith.cmpi ne, %rem3A_902, %ne3A_903 : i32
      %and3A_905 = arith.andi %ne3A_901, %ne3A_904 : i1
      %sub3A_906 = arith.constant 1 : i32
      %sub3A_907 = arith.subi %div3A_886, %sub3A_906 : i32
      %select_n3A_908 = arith.select %and3A_905, %sub3A_907, %div3A_886 : i32
      %mul3A_909 = arith.constant 16 : i32
      %mul3A_910 = arith.muli %select_n3A_908, %mul3A_909 : i32
      %sub3A_911 = arith.subi %add3A_884, %mul3A_910 : i32
      %mul3A_912 = arith.constant 262144 : i32
      %mul3A_913 = arith.muli %select_n3A_908, %mul3A_912 : i32
      %add3A_914 = arith.constant 65536 : i32
      %add3A_915 = arith.addi %mul3A_913, %add3A_914 : i32
      %mul3A_916 = arith.constant 2048 : i32
      %mul3A_917 = arith.muli %sub3A_911, %mul3A_916 : i32
      %add3A_918 = arith.addi %add3A_915, %mul3A_917 : i32
      %dma_start3A_919 = arith.constant 4096 : i32
      %dma_start3A_920 = tpu.memref_slice %arg7[%dma_start3A_919] : memref<16384xf32, #tpu.memory_space<vmem>> -> memref<2048xf32, #tpu.memory_space<vmem>>
      %dma_start3A_921 = tpu.memref_slice %arg3[%add3A_918] : memref<26214400xf32, #tpu.memory_space<hbm>> -> memref<2048xf32, #tpu.memory_space<hbm>>
      %dma_start3A_922 = tpu.memref_slice %arg3[%add3A_918] : memref<26214400xf32, #tpu.memory_space<hbm>> -> memref<2048xf32, #tpu.memory_space<hbm>>
      %dma_start3A_923 = arith.constant 4096 : i32
      %dma_start3A_924 = tpu.memref_slice %arg7[%dma_start3A_923] : memref<16384xf32, #tpu.memory_space<vmem>> -> memref<2048xf32, #tpu.memory_space<vmem>>
      tpu.enqueue_dma source(%dma_start3A_924 : memref<2048xf32, #tpu.memory_space<vmem>>) target(%dma_start3A_922 : memref<2048xf32, #tpu.memory_space<hbm>>) target_semaphore(%arg11 : memref<!tpu.dma_semaphore, #tpu.memory_space<semaphore_mem>>)
      %add3A_925 = arith.addi %mul3A_2, %add3A_757 : i32
      %jit3A_926 = arith.constant 16 : i32
      %div3A_927 = arith.divsi %add3A_925, %jit3A_926 : i32
      %sign3A_928 = arith.constant 0 : i32
      %sign3A_929 = arith.cmpi sgt, %add3A_925, %sign3A_928 : i32
      %sign3A_930 = arith.extui %sign3A_929 : i1 to i32
      %sign3A_931 = arith.constant 0 : i32
      %sign3A_932 = arith.cmpi slt, %add3A_925, %sign3A_931 : i32
      %sign3A_933 = arith.extui %sign3A_932 : i1 to i32
      %sign3A_934 = arith.subi %sign3A_930, %sign3A_933 : i32
      %sign3A_935 = arith.constant 0 : i32
      %sign3A_936 = arith.cmpi sgt, %jit3A_926, %sign3A_935 : i32
      %sign3A_937 = arith.extui %sign3A_936 : i1 to i32
      %sign3A_938 = arith.constant 0 : i32
      %sign3A_939 = arith.cmpi slt, %jit3A_926, %sign3A_938 : i32
      %sign3A_940 = arith.extui %sign3A_939 : i1 to i32
      %sign3A_941 = arith.subi %sign3A_937, %sign3A_940 : i32
      %ne3A_942 = arith.cmpi ne, %sign3A_934, %sign3A_941 : i32
      %rem3A_943 = arith.remsi %add3A_925, %jit3A_926 : i32
      %ne3A_944 = arith.constant 0 : i32
      %ne3A_945 = arith.cmpi ne, %rem3A_943, %ne3A_944 : i32
      %and3A_946 = arith.andi %ne3A_942, %ne3A_945 : i1
      %sub3A_947 = arith.constant 1 : i32
      %sub3A_948 = arith.subi %div3A_927, %sub3A_947 : i32
      %select_n3A_949 = arith.select %and3A_946, %sub3A_948, %div3A_927 : i32
      %mul3A_950 = arith.constant 16 : i32
      %mul3A_951 = arith.muli %select_n3A_949, %mul3A_950 : i32
      %sub3A_952 = arith.subi %add3A_925, %mul3A_951 : i32
      %mul3A_953 = arith.constant 262144 : i32
      %mul3A_954 = arith.muli %select_n3A_949, %mul3A_953 : i32
      %add3A_955 = arith.constant 98304 : i32
      %add3A_956 = arith.addi %mul3A_954, %add3A_955 : i32
      %mul3A_957 = arith.constant 2048 : i32
      %mul3A_958 = arith.muli %sub3A_952, %mul3A_957 : i32
      %add3A_959 = arith.addi %add3A_956, %mul3A_958 : i32
      %dma_start3A_960 = arith.constant 6144 : i32
      %dma_start3A_961 = tpu.memref_slice %arg7[%dma_start3A_960] : memref<16384xf32, #tpu.memory_space<vmem>> -> memref<2048xf32, #tpu.memory_space<vmem>>
      %dma_start3A_962 = tpu.memref_slice %arg3[%add3A_959] : memref<26214400xf32, #tpu.memory_space<hbm>> -> memref<2048xf32, #tpu.memory_space<hbm>>
      %dma_start3A_963 = tpu.memref_slice %arg3[%add3A_959] : memref<26214400xf32, #tpu.memory_space<hbm>> -> memref<2048xf32, #tpu.memory_space<hbm>>
      %dma_start3A_964 = arith.constant 6144 : i32
      %dma_start3A_965 = tpu.memref_slice %arg7[%dma_start3A_964] : memref<16384xf32, #tpu.memory_space<vmem>> -> memref<2048xf32, #tpu.memory_space<vmem>>
      tpu.enqueue_dma source(%dma_start3A_965 : memref<2048xf32, #tpu.memory_space<vmem>>) target(%dma_start3A_963 : memref<2048xf32, #tpu.memory_space<hbm>>) target_semaphore(%arg11 : memref<!tpu.dma_semaphore, #tpu.memory_space<semaphore_mem>>)
      %add3A_966 = arith.addi %mul3A_2, %add3A_757 : i32
      %jit3A_967 = arith.constant 16 : i32
      %div3A_968 = arith.divsi %add3A_966, %jit3A_967 : i32
      %sign3A_969 = arith.constant 0 : i32
      %sign3A_970 = arith.cmpi sgt, %add3A_966, %sign3A_969 : i32
      %sign3A_971 = arith.extui %sign3A_970 : i1 to i32
      %sign3A_972 = arith.constant 0 : i32
      %sign3A_973 = arith.cmpi slt, %add3A_966, %sign3A_972 : i32
      %sign3A_974 = arith.extui %sign3A_973 : i1 to i32
      %sign3A_975 = arith.subi %sign3A_971, %sign3A_974 : i32
      %sign3A_976 = arith.constant 0 : i32
      %sign3A_977 = arith.cmpi sgt, %jit3A_967, %sign3A_976 : i32
      %sign3A_978 = arith.extui %sign3A_977 : i1 to i32
      %sign3A_979 = arith.constant 0 : i32
      %sign3A_980 = arith.cmpi slt, %jit3A_967, %sign3A_979 : i32
      %sign3A_981 = arith.extui %sign3A_980 : i1 to i32
      %sign3A_982 = arith.subi %sign3A_978, %sign3A_981 : i32
      %ne3A_983 = arith.cmpi ne, %sign3A_975, %sign3A_982 : i32
      %rem3A_984 = arith.remsi %add3A_966, %jit3A_967 : i32
      %ne3A_985 = arith.constant 0 : i32
      %ne3A_986 = arith.cmpi ne, %rem3A_984, %ne3A_985 : i32
      %and3A_987 = arith.andi %ne3A_983, %ne3A_986 : i1
      %sub3A_988 = arith.constant 1 : i32
      %sub3A_989 = arith.subi %div3A_968, %sub3A_988 : i32
      %select_n3A_990 = arith.select %and3A_987, %sub3A_989, %div3A_968 : i32
      %mul3A_991 = arith.constant 16 : i32
      %mul3A_992 = arith.muli %select_n3A_990, %mul3A_991 : i32
      %sub3A_993 = arith.subi %add3A_966, %mul3A_992 : i32
      %mul3A_994 = arith.constant 262144 : i32
      %mul3A_995 = arith.muli %select_n3A_990, %mul3A_994 : i32
      %add3A_996 = arith.constant 131072 : i32
      %add3A_997 = arith.addi %mul3A_995, %add3A_996 : i32
      %mul3A_998 = arith.constant 2048 : i32
      %mul3A_999 = arith.muli %sub3A_993, %mul3A_998 : i32
      %add3A_1000 = arith.addi %add3A_997, %mul3A_999 : i32
      %dma_start3A_1001 = arith.constant 8192 : i32
      %dma_start3A_1002 = tpu.memref_slice %arg7[%dma_start3A_1001] : memref<16384xf32, #tpu.memory_space<vmem>> -> memref<2048xf32, #tpu.memory_space<vmem>>
      %dma_start3A_1003 = tpu.memref_slice %arg3[%add3A_1000] : memref<26214400xf32, #tpu.memory_space<hbm>> -> memref<2048xf32, #tpu.memory_space<hbm>>
      %dma_start3A_1004 = tpu.memref_slice %arg3[%add3A_1000] : memref<26214400xf32, #tpu.memory_space<hbm>> -> memref<2048xf32, #tpu.memory_space<hbm>>
      %dma_start3A_1005 = arith.constant 8192 : i32
      %dma_start3A_1006 = tpu.memref_slice %arg7[%dma_start3A_1005] : memref<16384xf32, #tpu.memory_space<vmem>> -> memref<2048xf32, #tpu.memory_space<vmem>>
      tpu.enqueue_dma source(%dma_start3A_1006 : memref<2048xf32, #tpu.memory_space<vmem>>) target(%dma_start3A_1004 : memref<2048xf32, #tpu.memory_space<hbm>>) target_semaphore(%arg11 : memref<!tpu.dma_semaphore, #tpu.memory_space<semaphore_mem>>)
      %add3A_1007 = arith.addi %mul3A_2, %add3A_757 : i32
      %jit3A_1008 = arith.constant 16 : i32
      %div3A_1009 = arith.divsi %add3A_1007, %jit3A_1008 : i32
      %sign3A_1010 = arith.constant 0 : i32
      %sign3A_1011 = arith.cmpi sgt, %add3A_1007, %sign3A_1010 : i32
      %sign3A_1012 = arith.extui %sign3A_1011 : i1 to i32
      %sign3A_1013 = arith.constant 0 : i32
      %sign3A_1014 = arith.cmpi slt, %add3A_1007, %sign3A_1013 : i32
      %sign3A_1015 = arith.extui %sign3A_1014 : i1 to i32
      %sign3A_1016 = arith.subi %sign3A_1012, %sign3A_1015 : i32
      %sign3A_1017 = arith.constant 0 : i32
      %sign3A_1018 = arith.cmpi sgt, %jit3A_1008, %sign3A_1017 : i32
      %sign3A_1019 = arith.extui %sign3A_1018 : i1 to i32
      %sign3A_1020 = arith.constant 0 : i32
      %sign3A_1021 = arith.cmpi slt, %jit3A_1008, %sign3A_1020 : i32
      %sign3A_1022 = arith.extui %sign3A_1021 : i1 to i32
      %sign3A_1023 = arith.subi %sign3A_1019, %sign3A_1022 : i32
      %ne3A_1024 = arith.cmpi ne, %sign3A_1016, %sign3A_1023 : i32
      %rem3A_1025 = arith.remsi %add3A_1007, %jit3A_1008 : i32
      %ne3A_1026 = arith.constant 0 : i32
      %ne3A_1027 = arith.cmpi ne, %rem3A_1025, %ne3A_1026 : i32
      %and3A_1028 = arith.andi %ne3A_1024, %ne3A_1027 : i1
      %sub3A_1029 = arith.constant 1 : i32
      %sub3A_1030 = arith.subi %div3A_1009, %sub3A_1029 : i32
      %select_n3A_1031 = arith.select %and3A_1028, %sub3A_1030, %div3A_1009 : i32
      %mul3A_1032 = arith.constant 16 : i32
      %mul3A_1033 = arith.muli %select_n3A_1031, %mul3A_1032 : i32
      %sub3A_1034 = arith.subi %add3A_1007, %mul3A_1033 : i32
      %mul3A_1035 = arith.constant 262144 : i32
      %mul3A_1036 = arith.muli %select_n3A_1031, %mul3A_1035 : i32
      %add3A_1037 = arith.constant 163840 : i32
      %add3A_1038 = arith.addi %mul3A_1036, %add3A_1037 : i32
      %mul3A_1039 = arith.constant 2048 : i32
      %mul3A_1040 = arith.muli %sub3A_1034, %mul3A_1039 : i32
      %add3A_1041 = arith.addi %add3A_1038, %mul3A_1040 : i32
      %dma_start3A_1042 = arith.constant 10240 : i32
      %dma_start3A_1043 = tpu.memref_slice %arg7[%dma_start3A_1042] : memref<16384xf32, #tpu.memory_space<vmem>> -> memref<2048xf32, #tpu.memory_space<vmem>>
      %dma_start3A_1044 = tpu.memref_slice %arg3[%add3A_1041] : memref<26214400xf32, #tpu.memory_space<hbm>> -> memref<2048xf32, #tpu.memory_space<hbm>>
      %dma_start3A_1045 = tpu.memref_slice %arg3[%add3A_1041] : memref<26214400xf32, #tpu.memory_space<hbm>> -> memref<2048xf32, #tpu.memory_space<hbm>>
      %dma_start3A_1046 = arith.constant 10240 : i32
      %dma_start3A_1047 = tpu.memref_slice %arg7[%dma_start3A_1046] : memref<16384xf32, #tpu.memory_space<vmem>> -> memref<2048xf32, #tpu.memory_space<vmem>>
      tpu.enqueue_dma source(%dma_start3A_1047 : memref<2048xf32, #tpu.memory_space<vmem>>) target(%dma_start3A_1045 : memref<2048xf32, #tpu.memory_space<hbm>>) target_semaphore(%arg11 : memref<!tpu.dma_semaphore, #tpu.memory_space<semaphore_mem>>)
      %add3A_1048 = arith.addi %mul3A_2, %add3A_757 : i32
      %jit3A_1049 = arith.constant 16 : i32
      %div3A_1050 = arith.divsi %add3A_1048, %jit3A_1049 : i32
      %sign3A_1051 = arith.constant 0 : i32
      %sign3A_1052 = arith.cmpi sgt, %add3A_1048, %sign3A_1051 : i32
      %sign3A_1053 = arith.extui %sign3A_1052 : i1 to i32
      %sign3A_1054 = arith.constant 0 : i32
      %sign3A_1055 = arith.cmpi slt, %add3A_1048, %sign3A_1054 : i32
      %sign3A_1056 = arith.extui %sign3A_1055 : i1 to i32
      %sign3A_1057 = arith.subi %sign3A_1053, %sign3A_1056 : i32
      %sign3A_1058 = arith.constant 0 : i32
      %sign3A_1059 = arith.cmpi sgt, %jit3A_1049, %sign3A_1058 : i32
      %sign3A_1060 = arith.extui %sign3A_1059 : i1 to i32
      %sign3A_1061 = arith.constant 0 : i32
      %sign3A_1062 = arith.cmpi slt, %jit3A_1049, %sign3A_1061 : i32
      %sign3A_1063 = arith.extui %sign3A_1062 : i1 to i32
      %sign3A_1064 = arith.subi %sign3A_1060, %sign3A_1063 : i32
      %ne3A_1065 = arith.cmpi ne, %sign3A_1057, %sign3A_1064 : i32
      %rem3A_1066 = arith.remsi %add3A_1048, %jit3A_1049 : i32
      %ne3A_1067 = arith.constant 0 : i32
      %ne3A_1068 = arith.cmpi ne, %rem3A_1066, %ne3A_1067 : i32
      %and3A_1069 = arith.andi %ne3A_1065, %ne3A_1068 : i1
      %sub3A_1070 = arith.constant 1 : i32
      %sub3A_1071 = arith.subi %div3A_1050, %sub3A_1070 : i32
      %select_n3A_1072 = arith.select %and3A_1069, %sub3A_1071, %div3A_1050 : i32
      %mul3A_1073 = arith.constant 16 : i32
      %mul3A_1074 = arith.muli %select_n3A_1072, %mul3A_1073 : i32
      %sub3A_1075 = arith.subi %add3A_1048, %mul3A_1074 : i32
      %mul3A_1076 = arith.constant 262144 : i32
      %mul3A_1077 = arith.muli %select_n3A_1072, %mul3A_1076 : i32
      %add3A_1078 = arith.constant 196608 : i32
      %add3A_1079 = arith.addi %mul3A_1077, %add3A_1078 : i32
      %mul3A_1080 = arith.constant 2048 : i32
      %mul3A_1081 = arith.muli %sub3A_1075, %mul3A_1080 : i32
      %add3A_1082 = arith.addi %add3A_1079, %mul3A_1081 : i32
      %dma_start3A_1083 = arith.constant 12288 : i32
      %dma_start3A_1084 = tpu.memref_slice %arg7[%dma_start3A_1083] : memref<16384xf32, #tpu.memory_space<vmem>> -> memref<2048xf32, #tpu.memory_space<vmem>>
      %dma_start3A_1085 = tpu.memref_slice %arg3[%add3A_1082] : memref<26214400xf32, #tpu.memory_space<hbm>> -> memref<2048xf32, #tpu.memory_space<hbm>>
      %dma_start3A_1086 = tpu.memref_slice %arg3[%add3A_1082] : memref<26214400xf32, #tpu.memory_space<hbm>> -> memref<2048xf32, #tpu.memory_space<hbm>>
      %dma_start3A_1087 = arith.constant 12288 : i32
      %dma_start3A_1088 = tpu.memref_slice %arg7[%dma_start3A_1087] : memref<16384xf32, #tpu.memory_space<vmem>> -> memref<2048xf32, #tpu.memory_space<vmem>>
      tpu.enqueue_dma source(%dma_start3A_1088 : memref<2048xf32, #tpu.memory_space<vmem>>) target(%dma_start3A_1086 : memref<2048xf32, #tpu.memory_space<hbm>>) target_semaphore(%arg11 : memref<!tpu.dma_semaphore, #tpu.memory_space<semaphore_mem>>)
      %add3A_1089 = arith.addi %mul3A_2, %add3A_757 : i32
      %jit3A_1090 = arith.constant 16 : i32
      %div3A_1091 = arith.divsi %add3A_1089, %jit3A_1090 : i32
      %sign3A_1092 = arith.constant 0 : i32
      %sign3A_1093 = arith.cmpi sgt, %add3A_1089, %sign3A_1092 : i32
      %sign3A_1094 = arith.extui %sign3A_1093 : i1 to i32
      %sign3A_1095 = arith.constant 0 : i32
      %sign3A_1096 = arith.cmpi slt, %add3A_1089, %sign3A_1095 : i32
      %sign3A_1097 = arith.extui %sign3A_1096 : i1 to i32
      %sign3A_1098 = arith.subi %sign3A_1094, %sign3A_1097 : i32
      %sign3A_1099 = arith.constant 0 : i32
      %sign3A_1100 = arith.cmpi sgt, %jit3A_1090, %sign3A_1099 : i32
      %sign3A_1101 = arith.extui %sign3A_1100 : i1 to i32
      %sign3A_1102 = arith.constant 0 : i32
      %sign3A_1103 = arith.cmpi slt, %jit3A_1090, %sign3A_1102 : i32
      %sign3A_1104 = arith.extui %sign3A_1103 : i1 to i32
      %sign3A_1105 = arith.subi %sign3A_1101, %sign3A_1104 : i32
      %ne3A_1106 = arith.cmpi ne, %sign3A_1098, %sign3A_1105 : i32
      %rem3A_1107 = arith.remsi %add3A_1089, %jit3A_1090 : i32
      %ne3A_1108 = arith.constant 0 : i32
      %ne3A_1109 = arith.cmpi ne, %rem3A_1107, %ne3A_1108 : i32
      %and3A_1110 = arith.andi %ne3A_1106, %ne3A_1109 : i1
      %sub3A_1111 = arith.constant 1 : i32
      %sub3A_1112 = arith.subi %div3A_1091, %sub3A_1111 : i32
      %select_n3A_1113 = arith.select %and3A_1110, %sub3A_1112, %div3A_1091 : i32
      %mul3A_1114 = arith.constant 16 : i32
      %mul3A_1115 = arith.muli %select_n3A_1113, %mul3A_1114 : i32
      %sub3A_1116 = arith.subi %add3A_1089, %mul3A_1115 : i32
      %mul3A_1117 = arith.constant 262144 : i32
      %mul3A_1118 = arith.muli %select_n3A_1113, %mul3A_1117 : i32
      %add3A_1119 = arith.constant 229376 : i32
      %add3A_1120 = arith.addi %mul3A_1118, %add3A_1119 : i32
      %mul3A_1121 = arith.constant 2048 : i32
      %mul3A_1122 = arith.muli %sub3A_1116, %mul3A_1121 : i32
      %add3A_1123 = arith.addi %add3A_1120, %mul3A_1122 : i32
      %dma_start3A_1124 = arith.constant 14336 : i32
      %dma_start3A_1125 = tpu.memref_slice %arg7[%dma_start3A_1124] : memref<16384xf32, #tpu.memory_space<vmem>> -> memref<2048xf32, #tpu.memory_space<vmem>>
      %dma_start3A_1126 = tpu.memref_slice %arg3[%add3A_1123] : memref<26214400xf32, #tpu.memory_space<hbm>> -> memref<2048xf32, #tpu.memory_space<hbm>>
      %dma_start3A_1127 = tpu.memref_slice %arg3[%add3A_1123] : memref<26214400xf32, #tpu.memory_space<hbm>> -> memref<2048xf32, #tpu.memory_space<hbm>>
      %dma_start3A_1128 = arith.constant 14336 : i32
      %dma_start3A_1129 = tpu.memref_slice %arg7[%dma_start3A_1128] : memref<16384xf32, #tpu.memory_space<vmem>> -> memref<2048xf32, #tpu.memory_space<vmem>>
      tpu.enqueue_dma source(%dma_start3A_1129 : memref<2048xf32, #tpu.memory_space<vmem>>) target(%dma_start3A_1127 : memref<2048xf32, #tpu.memory_space<hbm>>) target_semaphore(%arg11 : memref<!tpu.dma_semaphore, #tpu.memory_space<semaphore_mem>>)
      %add3A_1130 = arith.constant 2 : i32
      %add3A_1131 = arith.addi %add3A_757, %add3A_1130 : i32
      %lt3A = arith.constant 50 : i32
      %lt3A_1132 = arith.cmpi slt, %add3A_1131, %lt3A : i32
      %convert_element_type3A_1133 = arith.extui %lt3A_1132 : i1 to i32
      %cond3A_1134 = arith.constant 0 : i32
      %cond3A_1135 = arith.cmpi ne, %convert_element_type3A_1133, %cond3A_1134 : i32
      scf.if %cond3A_1135 {
        %add3A_1523 = arith.constant 2 : i32
        %add3A_1524 = arith.addi %add3A_757, %add3A_1523 : i32
        %add3A_1525 = arith.addi %mul3A_2, %add3A_1524 : i32
        %jit3A_1526 = arith.constant 16 : i32
        %div3A_1527 = arith.divsi %add3A_1525, %jit3A_1526 : i32
        %sign3A_1528 = arith.constant 0 : i32
        %sign3A_1529 = arith.cmpi sgt, %add3A_1525, %sign3A_1528 : i32
        %sign3A_1530 = arith.extui %sign3A_1529 : i1 to i32
        %sign3A_1531 = arith.constant 0 : i32
        %sign3A_1532 = arith.cmpi slt, %add3A_1525, %sign3A_1531 : i32
        %sign3A_1533 = arith.extui %sign3A_1532 : i1 to i32
        %sign3A_1534 = arith.subi %sign3A_1530, %sign3A_1533 : i32
        %sign3A_1535 = arith.constant 0 : i32
        %sign3A_1536 = arith.cmpi sgt, %jit3A_1526, %sign3A_1535 : i32
        %sign3A_1537 = arith.extui %sign3A_1536 : i1 to i32
        %sign3A_1538 = arith.constant 0 : i32
        %sign3A_1539 = arith.cmpi slt, %jit3A_1526, %sign3A_1538 : i32
        %sign3A_1540 = arith.extui %sign3A_1539 : i1 to i32
        %sign3A_1541 = arith.subi %sign3A_1537, %sign3A_1540 : i32
        %ne3A_1542 = arith.cmpi ne, %sign3A_1534, %sign3A_1541 : i32
        %rem3A_1543 = arith.remsi %add3A_1525, %jit3A_1526 : i32
        %ne3A_1544 = arith.constant 0 : i32
        %ne3A_1545 = arith.cmpi ne, %rem3A_1543, %ne3A_1544 : i32
        %and3A_1546 = arith.andi %ne3A_1542, %ne3A_1545 : i1
        %sub3A_1547 = arith.constant 1 : i32
        %sub3A_1548 = arith.subi %div3A_1527, %sub3A_1547 : i32
        %select_n3A_1549 = arith.select %and3A_1546, %sub3A_1548, %div3A_1527 : i32
        %mul3A_1550 = arith.constant 16 : i32
        %mul3A_1551 = arith.muli %select_n3A_1549, %mul3A_1550 : i32
        %sub3A_1552 = arith.subi %add3A_1525, %mul3A_1551 : i32
        %mul3A_1553 = arith.constant 4096 : i32
        %mul3A_1554 = arith.muli %select_n3A_1549, %mul3A_1553 : i32
        %mul3A_1555 = arith.constant 256 : i32
        %mul3A_1556 = arith.muli %sub3A_1552, %mul3A_1555 : i32
        %add3A_1557 = arith.addi %mul3A_1554, %mul3A_1556 : i32
        %mul3A_1558 = arith.constant 128 : i32
        %mul3A_1559 = arith.muli %add3A_1557, %mul3A_1558 : i32
        %dma_start3A_1560 = tpu.memref_slice %arg2[%mul3A_1559] : memref<52428800xf32, #tpu.memory_space<hbm>> -> memref<32768xf32, #tpu.memory_space<hbm>>
        %dma_start3A_1561 = tpu.memref_slice %arg2[%mul3A_1559] : memref<52428800xf32, #tpu.memory_space<hbm>> -> memref<32768xf32, #tpu.memory_space<hbm>>
        tpu.enqueue_dma source(%dma_start3A_1561 : memref<32768xf32, #tpu.memory_space<hbm>>) target(%arg4 : memref<32768xf32, #tpu.memory_space<vmem>>) target_semaphore(%arg9 : memref<!tpu.dma_semaphore, #tpu.memory_space<semaphore_mem>>)
      } else {
      }
      %mul3A_1136 = arith.constant 2 : i32
      %mul3A_1137 = arith.muli %scan3A_753, %mul3A_1136 : i32
      %add3A_1138 = arith.constant 1 : i32
      %add3A_1139 = arith.addi %mul3A_1137, %add3A_1138 : i32
      %add3A_1140 = arith.addi %mul3A_2, %add3A_1139 : i32
      %jit3A_1141 = arith.constant 16 : i32
      %div3A_1142 = arith.divsi %add3A_1140, %jit3A_1141 : i32
      %sign3A_1143 = arith.constant 0 : i32
      %sign3A_1144 = arith.cmpi sgt, %add3A_1140, %sign3A_1143 : i32
      %sign3A_1145 = arith.extui %sign3A_1144 : i1 to i32
      %sign3A_1146 = arith.constant 0 : i32
      %sign3A_1147 = arith.cmpi slt, %add3A_1140, %sign3A_1146 : i32
      %sign3A_1148 = arith.extui %sign3A_1147 : i1 to i32
      %sign3A_1149 = arith.subi %sign3A_1145, %sign3A_1148 : i32
      %sign3A_1150 = arith.constant 0 : i32
      %sign3A_1151 = arith.cmpi sgt, %jit3A_1141, %sign3A_1150 : i32
      %sign3A_1152 = arith.extui %sign3A_1151 : i1 to i32
      %sign3A_1153 = arith.constant 0 : i32
      %sign3A_1154 = arith.cmpi slt, %jit3A_1141, %sign3A_1153 : i32
      %sign3A_1155 = arith.extui %sign3A_1154 : i1 to i32
      %sign3A_1156 = arith.subi %sign3A_1152, %sign3A_1155 : i32
      %ne3A_1157 = arith.cmpi ne, %sign3A_1149, %sign3A_1156 : i32
      %rem3A_1158 = arith.remsi %add3A_1140, %jit3A_1141 : i32
      %ne3A_1159 = arith.constant 0 : i32
      %ne3A_1160 = arith.cmpi ne, %rem3A_1158, %ne3A_1159 : i32
      %and3A_1161 = arith.andi %ne3A_1157, %ne3A_1160 : i1
      %sub3A_1162 = arith.constant 1 : i32
      %sub3A_1163 = arith.subi %div3A_1142, %sub3A_1162 : i32
      %select_n3A_1164 = arith.select %and3A_1161, %sub3A_1163, %div3A_1142 : i32
      %mul3A_1165 = arith.constant 16 : i32
      %mul3A_1166 = arith.muli %select_n3A_1164, %mul3A_1165 : i32
      %sub3A_1167 = arith.subi %add3A_1140, %mul3A_1166 : i32
      %mul3A_1168 = arith.constant 4096 : i32
      %mul3A_1169 = arith.muli %select_n3A_1164, %mul3A_1168 : i32
      %mul3A_1170 = arith.constant 256 : i32
      %mul3A_1171 = arith.muli %sub3A_1167, %mul3A_1170 : i32
      %add3A_1172 = arith.addi %mul3A_1169, %mul3A_1171 : i32
      %mul3A_1173 = arith.constant 128 : i32
      %mul3A_1174 = arith.muli %add3A_1172, %mul3A_1173 : i32
      %dma_wait3A_1175 = tpu.memref_slice %arg2[%mul3A_1174] : memref<52428800xf32, #tpu.memory_space<hbm>> -> memref<32768xf32, #tpu.memory_space<hbm>>
      %dma_wait3A_1176 = tpu.memref_slice %arg2[%mul3A_1174] : memref<52428800xf32, #tpu.memory_space<hbm>> -> memref<32768xf32, #tpu.memory_space<hbm>>
      tpu.wait_dma2 semaphore(%arg10 : memref<!tpu.dma_semaphore, #tpu.memory_space<semaphore_mem>>) src(%dma_wait3A_1176 : memref<32768xf32, #tpu.memory_space<hbm>>) dst(%arg5 : memref<32768xf32, #tpu.memory_space<vmem>>)
      %ge3A_1177 = arith.constant 2 : i32
      %ge3A_1178 = arith.cmpi sge, %add3A_1139, %ge3A_1177 : i32
      %convert_element_type3A_1179 = arith.extui %ge3A_1178 : i1 to i32
      %cond3A_1180 = arith.constant 0 : i32
      %cond3A_1181 = arith.cmpi ne, %convert_element_type3A_1179, %cond3A_1180 : i32
      scf.if %cond3A_1181 {
        %add3A_1523 = arith.addi %mul3A_2, %add3A_1139 : i32
        %jit3A_1524 = arith.constant 16 : i32
        %div3A_1525 = arith.divsi %add3A_1523, %jit3A_1524 : i32
        %sign3A_1526 = arith.constant 0 : i32
        %sign3A_1527 = arith.cmpi sgt, %add3A_1523, %sign3A_1526 : i32
        %sign3A_1528 = arith.extui %sign3A_1527 : i1 to i32
        %sign3A_1529 = arith.constant 0 : i32
        %sign3A_1530 = arith.cmpi slt, %add3A_1523, %sign3A_1529 : i32
        %sign3A_1531 = arith.extui %sign3A_1530 : i1 to i32
        %sign3A_1532 = arith.subi %sign3A_1528, %sign3A_1531 : i32
        %sign3A_1533 = arith.constant 0 : i32
        %sign3A_1534 = arith.cmpi sgt, %jit3A_1524, %sign3A_1533 : i32
        %sign3A_1535 = arith.extui %sign3A_1534 : i1 to i32
        %sign3A_1536 = arith.constant 0 : i32
        %sign3A_1537 = arith.cmpi slt, %jit3A_1524, %sign3A_1536 : i32
        %sign3A_1538 = arith.extui %sign3A_1537 : i1 to i32
        %sign3A_1539 = arith.subi %sign3A_1535, %sign3A_1538 : i32
        %ne3A_1540 = arith.cmpi ne, %sign3A_1532, %sign3A_1539 : i32
        %rem3A_1541 = arith.remsi %add3A_1523, %jit3A_1524 : i32
        %ne3A_1542 = arith.constant 0 : i32
        %ne3A_1543 = arith.cmpi ne, %rem3A_1541, %ne3A_1542 : i32
        %and3A_1544 = arith.andi %ne3A_1540, %ne3A_1543 : i1
        %sub3A_1545 = arith.constant 1 : i32
        %sub3A_1546 = arith.subi %div3A_1525, %sub3A_1545 : i32
        %select_n3A_1547 = arith.select %and3A_1544, %sub3A_1546, %div3A_1525 : i32
        %mul3A_1548 = arith.constant 16 : i32
        %mul3A_1549 = arith.muli %select_n3A_1547, %mul3A_1548 : i32
        %sub3A_1550 = arith.subi %add3A_1523, %mul3A_1549 : i32
        %mul3A_1551 = arith.constant 262144 : i32
        %mul3A_1552 = arith.muli %select_n3A_1547, %mul3A_1551 : i32
        %add3A_1553 = arith.constant 0 : i32
        %add3A_1554 = arith.addi %mul3A_1552, %add3A_1553 : i32
        %mul3A_1555 = arith.constant 2048 : i32
        %mul3A_1556 = arith.muli %sub3A_1550, %mul3A_1555 : i32
        %add3A_1557 = arith.addi %add3A_1554, %mul3A_1556 : i32
        %dma_wait3A_1558 = arith.constant 0 : i32
        %dma_wait3A_1559 = tpu.memref_slice %arg8[%dma_wait3A_1558] : memref<16384xf32, #tpu.memory_space<vmem>> -> memref<2048xf32, #tpu.memory_space<vmem>>
        %dma_wait3A_1560 = tpu.memref_slice %arg3[%add3A_1557] : memref<26214400xf32, #tpu.memory_space<hbm>> -> memref<2048xf32, #tpu.memory_space<hbm>>
        %dma_wait3A_1561 = tpu.memref_slice %arg3[%add3A_1557] : memref<26214400xf32, #tpu.memory_space<hbm>> -> memref<2048xf32, #tpu.memory_space<hbm>>
        %dma_wait3A_1562 = arith.constant 0 : i32
        %dma_wait3A_1563 = tpu.memref_slice %arg8[%dma_wait3A_1562] : memref<16384xf32, #tpu.memory_space<vmem>> -> memref<2048xf32, #tpu.memory_space<vmem>>
        tpu.wait_dma2 semaphore(%arg12 : memref<!tpu.dma_semaphore, #tpu.memory_space<semaphore_mem>>) src(%dma_wait3A_1563 : memref<2048xf32, #tpu.memory_space<vmem>>) dst(%dma_wait3A_1561 : memref<2048xf32, #tpu.memory_space<hbm>>)
        %add3A_1564 = arith.addi %mul3A_2, %add3A_1139 : i32
        %jit3A_1565 = arith.constant 16 : i32
        %div3A_1566 = arith.divsi %add3A_1564, %jit3A_1565 : i32
        %sign3A_1567 = arith.constant 0 : i32
        %sign3A_1568 = arith.cmpi sgt, %add3A_1564, %sign3A_1567 : i32
        %sign3A_1569 = arith.extui %sign3A_1568 : i1 to i32
        %sign3A_1570 = arith.constant 0 : i32
        %sign3A_1571 = arith.cmpi slt, %add3A_1564, %sign3A_1570 : i32
        %sign3A_1572 = arith.extui %sign3A_1571 : i1 to i32
        %sign3A_1573 = arith.subi %sign3A_1569, %sign3A_1572 : i32
        %sign3A_1574 = arith.constant 0 : i32
        %sign3A_1575 = arith.cmpi sgt, %jit3A_1565, %sign3A_1574 : i32
        %sign3A_1576 = arith.extui %sign3A_1575 : i1 to i32
        %sign3A_1577 = arith.constant 0 : i32
        %sign3A_1578 = arith.cmpi slt, %jit3A_1565, %sign3A_1577 : i32
        %sign3A_1579 = arith.extui %sign3A_1578 : i1 to i32
        %sign3A_1580 = arith.subi %sign3A_1576, %sign3A_1579 : i32
        %ne3A_1581 = arith.cmpi ne, %sign3A_1573, %sign3A_1580 : i32
        %rem3A_1582 = arith.remsi %add3A_1564, %jit3A_1565 : i32
        %ne3A_1583 = arith.constant 0 : i32
        %ne3A_1584 = arith.cmpi ne, %rem3A_1582, %ne3A_1583 : i32
        %and3A_1585 = arith.andi %ne3A_1581, %ne3A_1584 : i1
        %sub3A_1586 = arith.constant 1 : i32
        %sub3A_1587 = arith.subi %div3A_1566, %sub3A_1586 : i32
        %select_n3A_1588 = arith.select %and3A_1585, %sub3A_1587, %div3A_1566 : i32
        %mul3A_1589 = arith.constant 16 : i32
        %mul3A_1590 = arith.muli %select_n3A_1588, %mul3A_1589 : i32
        %sub3A_1591 = arith.subi %add3A_1564, %mul3A_1590 : i32
        %mul3A_1592 = arith.constant 262144 : i32
        %mul3A_1593 = arith.muli %select_n3A_1588, %mul3A_1592 : i32
        %add3A_1594 = arith.constant 32768 : i32
        %add3A_1595 = arith.addi %mul3A_1593, %add3A_1594 : i32
        %mul3A_1596 = arith.constant 2048 : i32
        %mul3A_1597 = arith.muli %sub3A_1591, %mul3A_1596 : i32
        %add3A_1598 = arith.addi %add3A_1595, %mul3A_1597 : i32
        %dma_wait3A_1599 = arith.constant 2048 : i32
        %dma_wait3A_1600 = tpu.memref_slice %arg8[%dma_wait3A_1599] : memref<16384xf32, #tpu.memory_space<vmem>> -> memref<2048xf32, #tpu.memory_space<vmem>>
        %dma_wait3A_1601 = tpu.memref_slice %arg3[%add3A_1598] : memref<26214400xf32, #tpu.memory_space<hbm>> -> memref<2048xf32, #tpu.memory_space<hbm>>
        %dma_wait3A_1602 = tpu.memref_slice %arg3[%add3A_1598] : memref<26214400xf32, #tpu.memory_space<hbm>> -> memref<2048xf32, #tpu.memory_space<hbm>>
        %dma_wait3A_1603 = arith.constant 2048 : i32
        %dma_wait3A_1604 = tpu.memref_slice %arg8[%dma_wait3A_1603] : memref<16384xf32, #tpu.memory_space<vmem>> -> memref<2048xf32, #tpu.memory_space<vmem>>
        tpu.wait_dma2 semaphore(%arg12 : memref<!tpu.dma_semaphore, #tpu.memory_space<semaphore_mem>>) src(%dma_wait3A_1604 : memref<2048xf32, #tpu.memory_space<vmem>>) dst(%dma_wait3A_1602 : memref<2048xf32, #tpu.memory_space<hbm>>)
        %add3A_1605 = arith.addi %mul3A_2, %add3A_1139 : i32
        %jit3A_1606 = arith.constant 16 : i32
        %div3A_1607 = arith.divsi %add3A_1605, %jit3A_1606 : i32
        %sign3A_1608 = arith.constant 0 : i32
        %sign3A_1609 = arith.cmpi sgt, %add3A_1605, %sign3A_1608 : i32
        %sign3A_1610 = arith.extui %sign3A_1609 : i1 to i32
        %sign3A_1611 = arith.constant 0 : i32
        %sign3A_1612 = arith.cmpi slt, %add3A_1605, %sign3A_1611 : i32
        %sign3A_1613 = arith.extui %sign3A_1612 : i1 to i32
        %sign3A_1614 = arith.subi %sign3A_1610, %sign3A_1613 : i32
        %sign3A_1615 = arith.constant 0 : i32
        %sign3A_1616 = arith.cmpi sgt, %jit3A_1606, %sign3A_1615 : i32
        %sign3A_1617 = arith.extui %sign3A_1616 : i1 to i32
        %sign3A_1618 = arith.constant 0 : i32
        %sign3A_1619 = arith.cmpi slt, %jit3A_1606, %sign3A_1618 : i32
        %sign3A_1620 = arith.extui %sign3A_1619 : i1 to i32
        %sign3A_1621 = arith.subi %sign3A_1617, %sign3A_1620 : i32
        %ne3A_1622 = arith.cmpi ne, %sign3A_1614, %sign3A_1621 : i32
        %rem3A_1623 = arith.remsi %add3A_1605, %jit3A_1606 : i32
        %ne3A_1624 = arith.constant 0 : i32
        %ne3A_1625 = arith.cmpi ne, %rem3A_1623, %ne3A_1624 : i32
        %and3A_1626 = arith.andi %ne3A_1622, %ne3A_1625 : i1
        %sub3A_1627 = arith.constant 1 : i32
        %sub3A_1628 = arith.subi %div3A_1607, %sub3A_1627 : i32
        %select_n3A_1629 = arith.select %and3A_1626, %sub3A_1628, %div3A_1607 : i32
        %mul3A_1630 = arith.constant 16 : i32
        %mul3A_1631 = arith.muli %select_n3A_1629, %mul3A_1630 : i32
        %sub3A_1632 = arith.subi %add3A_1605, %mul3A_1631 : i32
        %mul3A_1633 = arith.constant 262144 : i32
        %mul3A_1634 = arith.muli %select_n3A_1629, %mul3A_1633 : i32
        %add3A_1635 = arith.constant 65536 : i32
        %add3A_1636 = arith.addi %mul3A_1634, %add3A_1635 : i32
        %mul3A_1637 = arith.constant 2048 : i32
        %mul3A_1638 = arith.muli %sub3A_1632, %mul3A_1637 : i32
        %add3A_1639 = arith.addi %add3A_1636, %mul3A_1638 : i32
        %dma_wait3A_1640 = arith.constant 4096 : i32
        %dma_wait3A_1641 = tpu.memref_slice %arg8[%dma_wait3A_1640] : memref<16384xf32, #tpu.memory_space<vmem>> -> memref<2048xf32, #tpu.memory_space<vmem>>
        %dma_wait3A_1642 = tpu.memref_slice %arg3[%add3A_1639] : memref<26214400xf32, #tpu.memory_space<hbm>> -> memref<2048xf32, #tpu.memory_space<hbm>>
        %dma_wait3A_1643 = tpu.memref_slice %arg3[%add3A_1639] : memref<26214400xf32, #tpu.memory_space<hbm>> -> memref<2048xf32, #tpu.memory_space<hbm>>
        %dma_wait3A_1644 = arith.constant 4096 : i32
        %dma_wait3A_1645 = tpu.memref_slice %arg8[%dma_wait3A_1644] : memref<16384xf32, #tpu.memory_space<vmem>> -> memref<2048xf32, #tpu.memory_space<vmem>>
        tpu.wait_dma2 semaphore(%arg12 : memref<!tpu.dma_semaphore, #tpu.memory_space<semaphore_mem>>) src(%dma_wait3A_1645 : memref<2048xf32, #tpu.memory_space<vmem>>) dst(%dma_wait3A_1643 : memref<2048xf32, #tpu.memory_space<hbm>>)
        %add3A_1646 = arith.addi %mul3A_2, %add3A_1139 : i32
        %jit3A_1647 = arith.constant 16 : i32
        %div3A_1648 = arith.divsi %add3A_1646, %jit3A_1647 : i32
        %sign3A_1649 = arith.constant 0 : i32
        %sign3A_1650 = arith.cmpi sgt, %add3A_1646, %sign3A_1649 : i32
        %sign3A_1651 = arith.extui %sign3A_1650 : i1 to i32
        %sign3A_1652 = arith.constant 0 : i32
        %sign3A_1653 = arith.cmpi slt, %add3A_1646, %sign3A_1652 : i32
        %sign3A_1654 = arith.extui %sign3A_1653 : i1 to i32
        %sign3A_1655 = arith.subi %sign3A_1651, %sign3A_1654 : i32
        %sign3A_1656 = arith.constant 0 : i32
        %sign3A_1657 = arith.cmpi sgt, %jit3A_1647, %sign3A_1656 : i32
        %sign3A_1658 = arith.extui %sign3A_1657 : i1 to i32
        %sign3A_1659 = arith.constant 0 : i32
        %sign3A_1660 = arith.cmpi slt, %jit3A_1647, %sign3A_1659 : i32
        %sign3A_1661 = arith.extui %sign3A_1660 : i1 to i32
        %sign3A_1662 = arith.subi %sign3A_1658, %sign3A_1661 : i32
        %ne3A_1663 = arith.cmpi ne, %sign3A_1655, %sign3A_1662 : i32
        %rem3A_1664 = arith.remsi %add3A_1646, %jit3A_1647 : i32
        %ne3A_1665 = arith.constant 0 : i32
        %ne3A_1666 = arith.cmpi ne, %rem3A_1664, %ne3A_1665 : i32
        %and3A_1667 = arith.andi %ne3A_1663, %ne3A_1666 : i1
        %sub3A_1668 = arith.constant 1 : i32
        %sub3A_1669 = arith.subi %div3A_1648, %sub3A_1668 : i32
        %select_n3A_1670 = arith.select %and3A_1667, %sub3A_1669, %div3A_1648 : i32
        %mul3A_1671 = arith.constant 16 : i32
        %mul3A_1672 = arith.muli %select_n3A_1670, %mul3A_1671 : i32
        %sub3A_1673 = arith.subi %add3A_1646, %mul3A_1672 : i32
        %mul3A_1674 = arith.constant 262144 : i32
        %mul3A_1675 = arith.muli %select_n3A_1670, %mul3A_1674 : i32
        %add3A_1676 = arith.constant 98304 : i32
        %add3A_1677 = arith.addi %mul3A_1675, %add3A_1676 : i32
        %mul3A_1678 = arith.constant 2048 : i32
        %mul3A_1679 = arith.muli %sub3A_1673, %mul3A_1678 : i32
        %add3A_1680 = arith.addi %add3A_1677, %mul3A_1679 : i32
        %dma_wait3A_1681 = arith.constant 6144 : i32
        %dma_wait3A_1682 = tpu.memref_slice %arg8[%dma_wait3A_1681] : memref<16384xf32, #tpu.memory_space<vmem>> -> memref<2048xf32, #tpu.memory_space<vmem>>
        %dma_wait3A_1683 = tpu.memref_slice %arg3[%add3A_1680] : memref<26214400xf32, #tpu.memory_space<hbm>> -> memref<2048xf32, #tpu.memory_space<hbm>>
        %dma_wait3A_1684 = tpu.memref_slice %arg3[%add3A_1680] : memref<26214400xf32, #tpu.memory_space<hbm>> -> memref<2048xf32, #tpu.memory_space<hbm>>
        %dma_wait3A_1685 = arith.constant 6144 : i32
        %dma_wait3A_1686 = tpu.memref_slice %arg8[%dma_wait3A_1685] : memref<16384xf32, #tpu.memory_space<vmem>> -> memref<2048xf32, #tpu.memory_space<vmem>>
        tpu.wait_dma2 semaphore(%arg12 : memref<!tpu.dma_semaphore, #tpu.memory_space<semaphore_mem>>) src(%dma_wait3A_1686 : memref<2048xf32, #tpu.memory_space<vmem>>) dst(%dma_wait3A_1684 : memref<2048xf32, #tpu.memory_space<hbm>>)
        %add3A_1687 = arith.addi %mul3A_2, %add3A_1139 : i32
        %jit3A_1688 = arith.constant 16 : i32
        %div3A_1689 = arith.divsi %add3A_1687, %jit3A_1688 : i32
        %sign3A_1690 = arith.constant 0 : i32
        %sign3A_1691 = arith.cmpi sgt, %add3A_1687, %sign3A_1690 : i32
        %sign3A_1692 = arith.extui %sign3A_1691 : i1 to i32
        %sign3A_1693 = arith.constant 0 : i32
        %sign3A_1694 = arith.cmpi slt, %add3A_1687, %sign3A_1693 : i32
        %sign3A_1695 = arith.extui %sign3A_1694 : i1 to i32
        %sign3A_1696 = arith.subi %sign3A_1692, %sign3A_1695 : i32
        %sign3A_1697 = arith.constant 0 : i32
        %sign3A_1698 = arith.cmpi sgt, %jit3A_1688, %sign3A_1697 : i32
        %sign3A_1699 = arith.extui %sign3A_1698 : i1 to i32
        %sign3A_1700 = arith.constant 0 : i32
        %sign3A_1701 = arith.cmpi slt, %jit3A_1688, %sign3A_1700 : i32
        %sign3A_1702 = arith.extui %sign3A_1701 : i1 to i32
        %sign3A_1703 = arith.subi %sign3A_1699, %sign3A_1702 : i32
        %ne3A_1704 = arith.cmpi ne, %sign3A_1696, %sign3A_1703 : i32
        %rem3A_1705 = arith.remsi %add3A_1687, %jit3A_1688 : i32
        %ne3A_1706 = arith.constant 0 : i32
        %ne3A_1707 = arith.cmpi ne, %rem3A_1705, %ne3A_1706 : i32
        %and3A_1708 = arith.andi %ne3A_1704, %ne3A_1707 : i1
        %sub3A_1709 = arith.constant 1 : i32
        %sub3A_1710 = arith.subi %div3A_1689, %sub3A_1709 : i32
        %select_n3A_1711 = arith.select %and3A_1708, %sub3A_1710, %div3A_1689 : i32
        %mul3A_1712 = arith.constant 16 : i32
        %mul3A_1713 = arith.muli %select_n3A_1711, %mul3A_1712 : i32
        %sub3A_1714 = arith.subi %add3A_1687, %mul3A_1713 : i32
        %mul3A_1715 = arith.constant 262144 : i32
        %mul3A_1716 = arith.muli %select_n3A_1711, %mul3A_1715 : i32
        %add3A_1717 = arith.constant 131072 : i32
        %add3A_1718 = arith.addi %mul3A_1716, %add3A_1717 : i32
        %mul3A_1719 = arith.constant 2048 : i32
        %mul3A_1720 = arith.muli %sub3A_1714, %mul3A_1719 : i32
        %add3A_1721 = arith.addi %add3A_1718, %mul3A_1720 : i32
        %dma_wait3A_1722 = arith.constant 8192 : i32
        %dma_wait3A_1723 = tpu.memref_slice %arg8[%dma_wait3A_1722] : memref<16384xf32, #tpu.memory_space<vmem>> -> memref<2048xf32, #tpu.memory_space<vmem>>
        %dma_wait3A_1724 = tpu.memref_slice %arg3[%add3A_1721] : memref<26214400xf32, #tpu.memory_space<hbm>> -> memref<2048xf32, #tpu.memory_space<hbm>>
        %dma_wait3A_1725 = tpu.memref_slice %arg3[%add3A_1721] : memref<26214400xf32, #tpu.memory_space<hbm>> -> memref<2048xf32, #tpu.memory_space<hbm>>
        %dma_wait3A_1726 = arith.constant 8192 : i32
        %dma_wait3A_1727 = tpu.memref_slice %arg8[%dma_wait3A_1726] : memref<16384xf32, #tpu.memory_space<vmem>> -> memref<2048xf32, #tpu.memory_space<vmem>>
        tpu.wait_dma2 semaphore(%arg12 : memref<!tpu.dma_semaphore, #tpu.memory_space<semaphore_mem>>) src(%dma_wait3A_1727 : memref<2048xf32, #tpu.memory_space<vmem>>) dst(%dma_wait3A_1725 : memref<2048xf32, #tpu.memory_space<hbm>>)
        %add3A_1728 = arith.addi %mul3A_2, %add3A_1139 : i32
        %jit3A_1729 = arith.constant 16 : i32
        %div3A_1730 = arith.divsi %add3A_1728, %jit3A_1729 : i32
        %sign3A_1731 = arith.constant 0 : i32
        %sign3A_1732 = arith.cmpi sgt, %add3A_1728, %sign3A_1731 : i32
        %sign3A_1733 = arith.extui %sign3A_1732 : i1 to i32
        %sign3A_1734 = arith.constant 0 : i32
        %sign3A_1735 = arith.cmpi slt, %add3A_1728, %sign3A_1734 : i32
        %sign3A_1736 = arith.extui %sign3A_1735 : i1 to i32
        %sign3A_1737 = arith.subi %sign3A_1733, %sign3A_1736 : i32
        %sign3A_1738 = arith.constant 0 : i32
        %sign3A_1739 = arith.cmpi sgt, %jit3A_1729, %sign3A_1738 : i32
        %sign3A_1740 = arith.extui %sign3A_1739 : i1 to i32
        %sign3A_1741 = arith.constant 0 : i32
        %sign3A_1742 = arith.cmpi slt, %jit3A_1729, %sign3A_1741 : i32
        %sign3A_1743 = arith.extui %sign3A_1742 : i1 to i32
        %sign3A_1744 = arith.subi %sign3A_1740, %sign3A_1743 : i32
        %ne3A_1745 = arith.cmpi ne, %sign3A_1737, %sign3A_1744 : i32
        %rem3A_1746 = arith.remsi %add3A_1728, %jit3A_1729 : i32
        %ne3A_1747 = arith.constant 0 : i32
        %ne3A_1748 = arith.cmpi ne, %rem3A_1746, %ne3A_1747 : i32
        %and3A_1749 = arith.andi %ne3A_1745, %ne3A_1748 : i1
        %sub3A_1750 = arith.constant 1 : i32
        %sub3A_1751 = arith.subi %div3A_1730, %sub3A_1750 : i32
        %select_n3A_1752 = arith.select %and3A_1749, %sub3A_1751, %div3A_1730 : i32
        %mul3A_1753 = arith.constant 16 : i32
        %mul3A_1754 = arith.muli %select_n3A_1752, %mul3A_1753 : i32
        %sub3A_1755 = arith.subi %add3A_1728, %mul3A_1754 : i32
        %mul3A_1756 = arith.constant 262144 : i32
        %mul3A_1757 = arith.muli %select_n3A_1752, %mul3A_1756 : i32
        %add3A_1758 = arith.constant 163840 : i32
        %add3A_1759 = arith.addi %mul3A_1757, %add3A_1758 : i32
        %mul3A_1760 = arith.constant 2048 : i32
        %mul3A_1761 = arith.muli %sub3A_1755, %mul3A_1760 : i32
        %add3A_1762 = arith.addi %add3A_1759, %mul3A_1761 : i32
        %dma_wait3A_1763 = arith.constant 10240 : i32
        %dma_wait3A_1764 = tpu.memref_slice %arg8[%dma_wait3A_1763] : memref<16384xf32, #tpu.memory_space<vmem>> -> memref<2048xf32, #tpu.memory_space<vmem>>
        %dma_wait3A_1765 = tpu.memref_slice %arg3[%add3A_1762] : memref<26214400xf32, #tpu.memory_space<hbm>> -> memref<2048xf32, #tpu.memory_space<hbm>>
        %dma_wait3A_1766 = tpu.memref_slice %arg3[%add3A_1762] : memref<26214400xf32, #tpu.memory_space<hbm>> -> memref<2048xf32, #tpu.memory_space<hbm>>
        %dma_wait3A_1767 = arith.constant 10240 : i32
        %dma_wait3A_1768 = tpu.memref_slice %arg8[%dma_wait3A_1767] : memref<16384xf32, #tpu.memory_space<vmem>> -> memref<2048xf32, #tpu.memory_space<vmem>>
        tpu.wait_dma2 semaphore(%arg12 : memref<!tpu.dma_semaphore, #tpu.memory_space<semaphore_mem>>) src(%dma_wait3A_1768 : memref<2048xf32, #tpu.memory_space<vmem>>) dst(%dma_wait3A_1766 : memref<2048xf32, #tpu.memory_space<hbm>>)
        %add3A_1769 = arith.addi %mul3A_2, %add3A_1139 : i32
        %jit3A_1770 = arith.constant 16 : i32
        %div3A_1771 = arith.divsi %add3A_1769, %jit3A_1770 : i32
        %sign3A_1772 = arith.constant 0 : i32
        %sign3A_1773 = arith.cmpi sgt, %add3A_1769, %sign3A_1772 : i32
        %sign3A_1774 = arith.extui %sign3A_1773 : i1 to i32
        %sign3A_1775 = arith.constant 0 : i32
        %sign3A_1776 = arith.cmpi slt, %add3A_1769, %sign3A_1775 : i32
        %sign3A_1777 = arith.extui %sign3A_1776 : i1 to i32
        %sign3A_1778 = arith.subi %sign3A_1774, %sign3A_1777 : i32
        %sign3A_1779 = arith.constant 0 : i32
        %sign3A_1780 = arith.cmpi sgt, %jit3A_1770, %sign3A_1779 : i32
        %sign3A_1781 = arith.extui %sign3A_1780 : i1 to i32
        %sign3A_1782 = arith.constant 0 : i32
        %sign3A_1783 = arith.cmpi slt, %jit3A_1770, %sign3A_1782 : i32
        %sign3A_1784 = arith.extui %sign3A_1783 : i1 to i32
        %sign3A_1785 = arith.subi %sign3A_1781, %sign3A_1784 : i32
        %ne3A_1786 = arith.cmpi ne, %sign3A_1778, %sign3A_1785 : i32
        %rem3A_1787 = arith.remsi %add3A_1769, %jit3A_1770 : i32
        %ne3A_1788 = arith.constant 0 : i32
        %ne3A_1789 = arith.cmpi ne, %rem3A_1787, %ne3A_1788 : i32
        %and3A_1790 = arith.andi %ne3A_1786, %ne3A_1789 : i1
        %sub3A_1791 = arith.constant 1 : i32
        %sub3A_1792 = arith.subi %div3A_1771, %sub3A_1791 : i32
        %select_n3A_1793 = arith.select %and3A_1790, %sub3A_1792, %div3A_1771 : i32
        %mul3A_1794 = arith.constant 16 : i32
        %mul3A_1795 = arith.muli %select_n3A_1793, %mul3A_1794 : i32
        %sub3A_1796 = arith.subi %add3A_1769, %mul3A_1795 : i32
        %mul3A_1797 = arith.constant 262144 : i32
        %mul3A_1798 = arith.muli %select_n3A_1793, %mul3A_1797 : i32
        %add3A_1799 = arith.constant 196608 : i32
        %add3A_1800 = arith.addi %mul3A_1798, %add3A_1799 : i32
        %mul3A_1801 = arith.constant 2048 : i32
        %mul3A_1802 = arith.muli %sub3A_1796, %mul3A_1801 : i32
        %add3A_1803 = arith.addi %add3A_1800, %mul3A_1802 : i32
        %dma_wait3A_1804 = arith.constant 12288 : i32
        %dma_wait3A_1805 = tpu.memref_slice %arg8[%dma_wait3A_1804] : memref<16384xf32, #tpu.memory_space<vmem>> -> memref<2048xf32, #tpu.memory_space<vmem>>
        %dma_wait3A_1806 = tpu.memref_slice %arg3[%add3A_1803] : memref<26214400xf32, #tpu.memory_space<hbm>> -> memref<2048xf32, #tpu.memory_space<hbm>>
        %dma_wait3A_1807 = tpu.memref_slice %arg3[%add3A_1803] : memref<26214400xf32, #tpu.memory_space<hbm>> -> memref<2048xf32, #tpu.memory_space<hbm>>
        %dma_wait3A_1808 = arith.constant 12288 : i32
        %dma_wait3A_1809 = tpu.memref_slice %arg8[%dma_wait3A_1808] : memref<16384xf32, #tpu.memory_space<vmem>> -> memref<2048xf32, #tpu.memory_space<vmem>>
        tpu.wait_dma2 semaphore(%arg12 : memref<!tpu.dma_semaphore, #tpu.memory_space<semaphore_mem>>) src(%dma_wait3A_1809 : memref<2048xf32, #tpu.memory_space<vmem>>) dst(%dma_wait3A_1807 : memref<2048xf32, #tpu.memory_space<hbm>>)
        %add3A_1810 = arith.addi %mul3A_2, %add3A_1139 : i32
        %jit3A_1811 = arith.constant 16 : i32
        %div3A_1812 = arith.divsi %add3A_1810, %jit3A_1811 : i32
        %sign3A_1813 = arith.constant 0 : i32
        %sign3A_1814 = arith.cmpi sgt, %add3A_1810, %sign3A_1813 : i32
        %sign3A_1815 = arith.extui %sign3A_1814 : i1 to i32
        %sign3A_1816 = arith.constant 0 : i32
        %sign3A_1817 = arith.cmpi slt, %add3A_1810, %sign3A_1816 : i32
        %sign3A_1818 = arith.extui %sign3A_1817 : i1 to i32
        %sign3A_1819 = arith.subi %sign3A_1815, %sign3A_1818 : i32
        %sign3A_1820 = arith.constant 0 : i32
        %sign3A_1821 = arith.cmpi sgt, %jit3A_1811, %sign3A_1820 : i32
        %sign3A_1822 = arith.extui %sign3A_1821 : i1 to i32
        %sign3A_1823 = arith.constant 0 : i32
        %sign3A_1824 = arith.cmpi slt, %jit3A_1811, %sign3A_1823 : i32
        %sign3A_1825 = arith.extui %sign3A_1824 : i1 to i32
        %sign3A_1826 = arith.subi %sign3A_1822, %sign3A_1825 : i32
        %ne3A_1827 = arith.cmpi ne, %sign3A_1819, %sign3A_1826 : i32
        %rem3A_1828 = arith.remsi %add3A_1810, %jit3A_1811 : i32
        %ne3A_1829 = arith.constant 0 : i32
        %ne3A_1830 = arith.cmpi ne, %rem3A_1828, %ne3A_1829 : i32
        %and3A_1831 = arith.andi %ne3A_1827, %ne3A_1830 : i1
        %sub3A_1832 = arith.constant 1 : i32
        %sub3A_1833 = arith.subi %div3A_1812, %sub3A_1832 : i32
        %select_n3A_1834 = arith.select %and3A_1831, %sub3A_1833, %div3A_1812 : i32
        %mul3A_1835 = arith.constant 16 : i32
        %mul3A_1836 = arith.muli %select_n3A_1834, %mul3A_1835 : i32
        %sub3A_1837 = arith.subi %add3A_1810, %mul3A_1836 : i32
        %mul3A_1838 = arith.constant 262144 : i32
        %mul3A_1839 = arith.muli %select_n3A_1834, %mul3A_1838 : i32
        %add3A_1840 = arith.constant 229376 : i32
        %add3A_1841 = arith.addi %mul3A_1839, %add3A_1840 : i32
        %mul3A_1842 = arith.constant 2048 : i32
        %mul3A_1843 = arith.muli %sub3A_1837, %mul3A_1842 : i32
        %add3A_1844 = arith.addi %add3A_1841, %mul3A_1843 : i32
        %dma_wait3A_1845 = arith.constant 14336 : i32
        %dma_wait3A_1846 = tpu.memref_slice %arg8[%dma_wait3A_1845] : memref<16384xf32, #tpu.memory_space<vmem>> -> memref<2048xf32, #tpu.memory_space<vmem>>
        %dma_wait3A_1847 = tpu.memref_slice %arg3[%add3A_1844] : memref<26214400xf32, #tpu.memory_space<hbm>> -> memref<2048xf32, #tpu.memory_space<hbm>>
        %dma_wait3A_1848 = tpu.memref_slice %arg3[%add3A_1844] : memref<26214400xf32, #tpu.memory_space<hbm>> -> memref<2048xf32, #tpu.memory_space<hbm>>
        %dma_wait3A_1849 = arith.constant 14336 : i32
        %dma_wait3A_1850 = tpu.memref_slice %arg8[%dma_wait3A_1849] : memref<16384xf32, #tpu.memory_space<vmem>> -> memref<2048xf32, #tpu.memory_space<vmem>>
        tpu.wait_dma2 semaphore(%arg12 : memref<!tpu.dma_semaphore, #tpu.memory_space<semaphore_mem>>) src(%dma_wait3A_1850 : memref<2048xf32, #tpu.memory_space<vmem>>) dst(%dma_wait3A_1848 : memref<2048xf32, #tpu.memory_space<hbm>>)
      } else {
      }
      %parallel_loop3A_1182 = arith.constant 0 : i32
      %parallel_loop3A_1183 = arith.constant 128 : i32
      %parallel_loop3A_1184 = arith.constant 1 : i32
      scf.for %parallel_loop3A_1523 = %parallel_loop3A_1182 to %parallel_loop3A_1183 step %parallel_loop3A_1184  : i32 {
        %parallel_loop3A_1524 = arith.constant 256 : i32
        %parallel_loop3A_1525 = arith.muli %parallel_loop3A_1523, %parallel_loop3A_1524 : i32
        %parallel_loop3A_1526 = arith.constant 138 : i32
        %parallel_loop3A_1527 = arith.muli %parallel_loop3A_1523, %parallel_loop3A_1526 : i32
        %parallel_loop3A_1528 = arith.constant 0 : i32
        %parallel_loop3A_1529 = arith.addi %parallel_loop3A_1525, %parallel_loop3A_1528 : i32
        %parallel_loop3A_1530 = vector.broadcast %parallel_loop3A_1529 : i32 to vector<16xi32>
        %parallel_loop3A_1531 = arith.addi %mul3A_5, %parallel_loop3A_1530 : vector<16xi32>
        %parallel_loop3A_1532 = tpu.vector_load_idx %arg5[%parallel_loop3A_1531] : memref<32768xf32, #tpu.memory_space<vmem>>[vector<16xi32>], vector<16xf32>,
        %parallel_loop3A_1533 = arith.constant 32 : i32
        %parallel_loop3A_1534 = arith.addi %parallel_loop3A_1525, %parallel_loop3A_1533 : i32
        %parallel_loop3A_1535 = vector.broadcast %parallel_loop3A_1534 : i32 to vector<16xi32>
        %parallel_loop3A_1536 = arith.addi %mul3A_5, %parallel_loop3A_1535 : vector<16xi32>
        %parallel_loop3A_1537 = tpu.vector_load_idx %arg5[%parallel_loop3A_1536] : memref<32768xf32, #tpu.memory_space<vmem>>[vector<16xi32>], vector<16xf32>,
        %parallel_loop3A_1538 = arith.constant 64 : i32
        %parallel_loop3A_1539 = arith.addi %parallel_loop3A_1525, %parallel_loop3A_1538 : i32
        %parallel_loop3A_1540 = vector.broadcast %parallel_loop3A_1539 : i32 to vector<16xi32>
        %parallel_loop3A_1541 = arith.addi %mul3A_5, %parallel_loop3A_1540 : vector<16xi32>
        %parallel_loop3A_1542 = tpu.vector_load_idx %arg5[%parallel_loop3A_1541] : memref<32768xf32, #tpu.memory_space<vmem>>[vector<16xi32>], vector<16xf32>,
        %parallel_loop3A_1543 = arith.constant 96 : i32
        %parallel_loop3A_1544 = arith.addi %parallel_loop3A_1525, %parallel_loop3A_1543 : i32
        %parallel_loop3A_1545 = vector.broadcast %parallel_loop3A_1544 : i32 to vector<16xi32>
        %parallel_loop3A_1546 = arith.addi %mul3A_5, %parallel_loop3A_1545 : vector<16xi32>
        %parallel_loop3A_1547 = tpu.vector_load_idx %arg5[%parallel_loop3A_1546] : memref<32768xf32, #tpu.memory_space<vmem>>[vector<16xi32>], vector<16xf32>,
        %parallel_loop3A_1548 = arith.constant 128 : i32
        %parallel_loop3A_1549 = arith.addi %parallel_loop3A_1525, %parallel_loop3A_1548 : i32
        %parallel_loop3A_1550 = vector.broadcast %parallel_loop3A_1549 : i32 to vector<16xi32>
        %parallel_loop3A_1551 = arith.addi %mul3A_5, %parallel_loop3A_1550 : vector<16xi32>
        %parallel_loop3A_1552 = tpu.vector_load_idx %arg5[%parallel_loop3A_1551] : memref<32768xf32, #tpu.memory_space<vmem>>[vector<16xi32>], vector<16xf32>,
        %parallel_loop3A_1553 = arith.constant 160 : i32
        %parallel_loop3A_1554 = arith.addi %parallel_loop3A_1525, %parallel_loop3A_1553 : i32
        %parallel_loop3A_1555 = vector.broadcast %parallel_loop3A_1554 : i32 to vector<16xi32>
        %parallel_loop3A_1556 = arith.addi %mul3A_5, %parallel_loop3A_1555 : vector<16xi32>
        %parallel_loop3A_1557 = tpu.vector_load_idx %arg5[%parallel_loop3A_1556] : memref<32768xf32, #tpu.memory_space<vmem>>[vector<16xi32>], vector<16xf32>,
        %parallel_loop3A_1558 = arith.constant 192 : i32
        %parallel_loop3A_1559 = arith.addi %parallel_loop3A_1525, %parallel_loop3A_1558 : i32
        %parallel_loop3A_1560 = vector.broadcast %parallel_loop3A_1559 : i32 to vector<16xi32>
        %parallel_loop3A_1561 = arith.addi %mul3A_5, %parallel_loop3A_1560 : vector<16xi32>
        %parallel_loop3A_1562 = tpu.vector_load_idx %arg5[%parallel_loop3A_1561] : memref<32768xf32, #tpu.memory_space<vmem>>[vector<16xi32>], vector<16xf32>,
        %parallel_loop3A_1563 = arith.constant 224 : i32
        %parallel_loop3A_1564 = arith.addi %parallel_loop3A_1525, %parallel_loop3A_1563 : i32
        %parallel_loop3A_1565 = vector.broadcast %parallel_loop3A_1564 : i32 to vector<16xi32>
        %parallel_loop3A_1566 = arith.addi %mul3A_5, %parallel_loop3A_1565 : vector<16xi32>
        %parallel_loop3A_1567 = tpu.vector_load_idx %arg5[%parallel_loop3A_1566] : memref<32768xf32, #tpu.memory_space<vmem>>[vector<16xi32>], vector<16xf32>,
        %parallel_loop3A_1568 = arith.constant 0 : i32
        %parallel_loop3A_1569 = arith.addi %parallel_loop3A_1527, %parallel_loop3A_1568 : i32
        %parallel_loop3A_1570 = arith.constant 0 : i32
        %parallel_loop3A_1571 = arith.addi %parallel_loop3A_1569, %parallel_loop3A_1570 : i32
        %parallel_loop3A_1572 = arith.index_cast %parallel_loop3A_1571 : i32 to index
        %parallel_loop3A_1573 = tpu.vector_load %arg6[%parallel_loop3A_1572] {strides = array<i32>} : memref<17664xf32, #tpu.memory_space<vmem>>, vector<16xf32>,
        tpu.vector_store %arg6[%parallel_loop3A_1572], %parallel_loop3A_1532 {strides = array<i32>} : memref<17664xf32, #tpu.memory_space<vmem>>, vector<16xf32>,
        %parallel_loop3A_1574 = arith.constant 0 : i32
        %parallel_loop3A_1575 = arith.addi %parallel_loop3A_1527, %parallel_loop3A_1574 : i32
        %parallel_loop3A_1576 = arith.constant 16 : i32
        %parallel_loop3A_1577 = arith.addi %parallel_loop3A_1575, %parallel_loop3A_1576 : i32
        %parallel_loop3A_1578 = arith.index_cast %parallel_loop3A_1577 : i32 to index
        %parallel_loop3A_1579 = tpu.vector_load %arg6[%parallel_loop3A_1578] {strides = array<i32>} : memref<17664xf32, #tpu.memory_space<vmem>>, vector<16xf32>,
        tpu.vector_store %arg6[%parallel_loop3A_1578], %parallel_loop3A_1537 {strides = array<i32>} : memref<17664xf32, #tpu.memory_space<vmem>>, vector<16xf32>,
        %parallel_loop3A_1580 = arith.constant 0 : i32
        %parallel_loop3A_1581 = arith.addi %parallel_loop3A_1527, %parallel_loop3A_1580 : i32
        %parallel_loop3A_1582 = arith.constant 32 : i32
        %parallel_loop3A_1583 = arith.addi %parallel_loop3A_1581, %parallel_loop3A_1582 : i32
        %parallel_loop3A_1584 = arith.index_cast %parallel_loop3A_1583 : i32 to index
        %parallel_loop3A_1585 = tpu.vector_load %arg6[%parallel_loop3A_1584] {strides = array<i32>} : memref<17664xf32, #tpu.memory_space<vmem>>, vector<16xf32>,
        tpu.vector_store %arg6[%parallel_loop3A_1584], %parallel_loop3A_1542 {strides = array<i32>} : memref<17664xf32, #tpu.memory_space<vmem>>, vector<16xf32>,
        %parallel_loop3A_1586 = arith.constant 0 : i32
        %parallel_loop3A_1587 = arith.addi %parallel_loop3A_1527, %parallel_loop3A_1586 : i32
        %parallel_loop3A_1588 = arith.constant 48 : i32
        %parallel_loop3A_1589 = arith.addi %parallel_loop3A_1587, %parallel_loop3A_1588 : i32
        %parallel_loop3A_1590 = arith.index_cast %parallel_loop3A_1589 : i32 to index
        %parallel_loop3A_1591 = tpu.vector_load %arg6[%parallel_loop3A_1590] {strides = array<i32>} : memref<17664xf32, #tpu.memory_space<vmem>>, vector<16xf32>,
        tpu.vector_store %arg6[%parallel_loop3A_1590], %parallel_loop3A_1547 {strides = array<i32>} : memref<17664xf32, #tpu.memory_space<vmem>>, vector<16xf32>,
        %parallel_loop3A_1592 = arith.constant 69 : i32
        %parallel_loop3A_1593 = arith.addi %parallel_loop3A_1527, %parallel_loop3A_1592 : i32
        %parallel_loop3A_1594 = arith.constant 0 : i32
        %parallel_loop3A_1595 = arith.addi %parallel_loop3A_1593, %parallel_loop3A_1594 : i32
        %parallel_loop3A_1596 = arith.index_cast %parallel_loop3A_1595 : i32 to index
        %parallel_loop3A_1597 = tpu.vector_load %arg6[%parallel_loop3A_1596] {strides = array<i32>} : memref<17664xf32, #tpu.memory_space<vmem>>, vector<16xf32>,
        tpu.vector_store %arg6[%parallel_loop3A_1596], %parallel_loop3A_1552 {strides = array<i32>} : memref<17664xf32, #tpu.memory_space<vmem>>, vector<16xf32>,
        %parallel_loop3A_1598 = arith.constant 69 : i32
        %parallel_loop3A_1599 = arith.addi %parallel_loop3A_1527, %parallel_loop3A_1598 : i32
        %parallel_loop3A_1600 = arith.constant 16 : i32
        %parallel_loop3A_1601 = arith.addi %parallel_loop3A_1599, %parallel_loop3A_1600 : i32
        %parallel_loop3A_1602 = arith.index_cast %parallel_loop3A_1601 : i32 to index
        %parallel_loop3A_1603 = tpu.vector_load %arg6[%parallel_loop3A_1602] {strides = array<i32>} : memref<17664xf32, #tpu.memory_space<vmem>>, vector<16xf32>,
        tpu.vector_store %arg6[%parallel_loop3A_1602], %parallel_loop3A_1557 {strides = array<i32>} : memref<17664xf32, #tpu.memory_space<vmem>>, vector<16xf32>,
        %parallel_loop3A_1604 = arith.constant 69 : i32
        %parallel_loop3A_1605 = arith.addi %parallel_loop3A_1527, %parallel_loop3A_1604 : i32
        %parallel_loop3A_1606 = arith.constant 32 : i32
        %parallel_loop3A_1607 = arith.addi %parallel_loop3A_1605, %parallel_loop3A_1606 : i32
        %parallel_loop3A_1608 = arith.index_cast %parallel_loop3A_1607 : i32 to index
        %parallel_loop3A_1609 = tpu.vector_load %arg6[%parallel_loop3A_1608] {strides = array<i32>} : memref<17664xf32, #tpu.memory_space<vmem>>, vector<16xf32>,
        tpu.vector_store %arg6[%parallel_loop3A_1608], %parallel_loop3A_1562 {strides = array<i32>} : memref<17664xf32, #tpu.memory_space<vmem>>, vector<16xf32>,
        %parallel_loop3A_1610 = arith.constant 69 : i32
        %parallel_loop3A_1611 = arith.addi %parallel_loop3A_1527, %parallel_loop3A_1610 : i32
        %parallel_loop3A_1612 = arith.constant 48 : i32
        %parallel_loop3A_1613 = arith.addi %parallel_loop3A_1611, %parallel_loop3A_1612 : i32
        %parallel_loop3A_1614 = arith.index_cast %parallel_loop3A_1613 : i32 to index
        %parallel_loop3A_1615 = tpu.vector_load %arg6[%parallel_loop3A_1614] {strides = array<i32>} : memref<17664xf32, #tpu.memory_space<vmem>>, vector<16xf32>,
        tpu.vector_store %arg6[%parallel_loop3A_1614], %parallel_loop3A_1567 {strides = array<i32>} : memref<17664xf32, #tpu.memory_space<vmem>>, vector<16xf32>,
      } {sc.loop_unroll_factor = 2 : i64, sc.parallel_access}
      %parallel_loop3A_1185 = arith.constant 0 : i32
      %parallel_loop3A_1186 = arith.constant 128 : i32
      %parallel_loop3A_1187 = arith.constant 1 : i32
      scf.for %parallel_loop3A_1523 = %parallel_loop3A_1185 to %parallel_loop3A_1186 step %parallel_loop3A_1187  : i32 {
        %parallel_loop3A_1524 = arith.constant 8 : i32
        %parallel_loop3A_1525 = arith.divsi %parallel_loop3A_1523, %parallel_loop3A_1524 : i32
        %parallel_loop3A_1526 = arith.constant 0 : i32
        %parallel_loop3A_1527 = arith.cmpi sgt, %parallel_loop3A_1523, %parallel_loop3A_1526 : i32
        %parallel_loop3A_1528 = arith.extui %parallel_loop3A_1527 : i1 to i32
        %parallel_loop3A_1529 = arith.constant 0 : i32
        %parallel_loop3A_1530 = arith.cmpi slt, %parallel_loop3A_1523, %parallel_loop3A_1529 : i32
        %parallel_loop3A_1531 = arith.extui %parallel_loop3A_1530 : i1 to i32
        %parallel_loop3A_1532 = arith.subi %parallel_loop3A_1528, %parallel_loop3A_1531 : i32
        %parallel_loop3A_1533 = arith.constant 0 : i32
        %parallel_loop3A_1534 = arith.cmpi sgt, %parallel_loop3A_1524, %parallel_loop3A_1533 : i32
        %parallel_loop3A_1535 = arith.extui %parallel_loop3A_1534 : i1 to i32
        %parallel_loop3A_1536 = arith.constant 0 : i32
        %parallel_loop3A_1537 = arith.cmpi slt, %parallel_loop3A_1524, %parallel_loop3A_1536 : i32
        %parallel_loop3A_1538 = arith.extui %parallel_loop3A_1537 : i1 to i32
        %parallel_loop3A_1539 = arith.subi %parallel_loop3A_1535, %parallel_loop3A_1538 : i32
        %parallel_loop3A_1540 = arith.cmpi ne, %parallel_loop3A_1532, %parallel_loop3A_1539 : i32
        %parallel_loop3A_1541 = arith.remsi %parallel_loop3A_1523, %parallel_loop3A_1524 : i32
        %parallel_loop3A_1542 = arith.constant 0 : i32
        %parallel_loop3A_1543 = arith.cmpi ne, %parallel_loop3A_1541, %parallel_loop3A_1542 : i32
        %parallel_loop3A_1544 = arith.andi %parallel_loop3A_1540, %parallel_loop3A_1543 : i1
        %parallel_loop3A_1545 = arith.constant 1 : i32
        %parallel_loop3A_1546 = arith.subi %parallel_loop3A_1525, %parallel_loop3A_1545 : i32
        %parallel_loop3A_1547 = arith.select %parallel_loop3A_1544, %parallel_loop3A_1546, %parallel_loop3A_1525 : i32
        %parallel_loop3A_1548 = arith.constant 8 : i32
        %parallel_loop3A_1549 = arith.muli %parallel_loop3A_1547, %parallel_loop3A_1548 : i32
        %parallel_loop3A_1550 = arith.subi %parallel_loop3A_1523, %parallel_loop3A_1549 : i32
        %parallel_loop3A_1551 = arith.constant 8 : i32
        %parallel_loop3A_1552 = arith.divsi %parallel_loop3A_1547, %parallel_loop3A_1551 : i32
        %parallel_loop3A_1553 = arith.constant 0 : i32
        %parallel_loop3A_1554 = arith.cmpi sgt, %parallel_loop3A_1547, %parallel_loop3A_1553 : i32
        %parallel_loop3A_1555 = arith.extui %parallel_loop3A_1554 : i1 to i32
        %parallel_loop3A_1556 = arith.constant 0 : i32
        %parallel_loop3A_1557 = arith.cmpi slt, %parallel_loop3A_1547, %parallel_loop3A_1556 : i32
        %parallel_loop3A_1558 = arith.extui %parallel_loop3A_1557 : i1 to i32
        %parallel_loop3A_1559 = arith.subi %parallel_loop3A_1555, %parallel_loop3A_1558 : i32
        %parallel_loop3A_1560 = arith.constant 0 : i32
        %parallel_loop3A_1561 = arith.cmpi sgt, %parallel_loop3A_1551, %parallel_loop3A_1560 : i32
        %parallel_loop3A_1562 = arith.extui %parallel_loop3A_1561 : i1 to i32
        %parallel_loop3A_1563 = arith.constant 0 : i32
        %parallel_loop3A_1564 = arith.cmpi slt, %parallel_loop3A_1551, %parallel_loop3A_1563 : i32
        %parallel_loop3A_1565 = arith.extui %parallel_loop3A_1564 : i1 to i32
        %parallel_loop3A_1566 = arith.subi %parallel_loop3A_1562, %parallel_loop3A_1565 : i32
        %parallel_loop3A_1567 = arith.cmpi ne, %parallel_loop3A_1559, %parallel_loop3A_1566 : i32
        %parallel_loop3A_1568 = arith.remsi %parallel_loop3A_1547, %parallel_loop3A_1551 : i32
        %parallel_loop3A_1569 = arith.constant 0 : i32
        %parallel_loop3A_1570 = arith.cmpi ne, %parallel_loop3A_1568, %parallel_loop3A_1569 : i32
        %parallel_loop3A_1571 = arith.andi %parallel_loop3A_1567, %parallel_loop3A_1570 : i1
        %parallel_loop3A_1572 = arith.constant 1 : i32
        %parallel_loop3A_1573 = arith.subi %parallel_loop3A_1552, %parallel_loop3A_1572 : i32
        %parallel_loop3A_1574 = arith.select %parallel_loop3A_1571, %parallel_loop3A_1573, %parallel_loop3A_1552 : i32
        %parallel_loop3A_1575 = arith.constant 8 : i32
        %parallel_loop3A_1576 = arith.muli %parallel_loop3A_1574, %parallel_loop3A_1575 : i32
        %parallel_loop3A_1577 = arith.subi %parallel_loop3A_1547, %parallel_loop3A_1576 : i32
        %parallel_loop3A_1578 = arith.constant 1104 : i32
        %parallel_loop3A_1579 = arith.muli %parallel_loop3A_1547, %parallel_loop3A_1578 : i32
        %parallel_loop3A_1580 = arith.constant 8 : i32
        %parallel_loop3A_1581 = arith.muli %parallel_loop3A_1550, %parallel_loop3A_1580 : i32
        %parallel_loop3A_1582 = arith.addi %parallel_loop3A_1579, %parallel_loop3A_1581 : i32
        %parallel_loop3A_1583 = arith.constant 2048 : i32
        %parallel_loop3A_1584 = arith.muli %parallel_loop3A_1550, %parallel_loop3A_1583 : i32
        %parallel_loop3A_1585 = arith.constant 1024 : i32
        %parallel_loop3A_1586 = arith.muli %parallel_loop3A_1574, %parallel_loop3A_1585 : i32
        %parallel_loop3A_1587 = arith.addi %parallel_loop3A_1584, %parallel_loop3A_1586 : i32
        %parallel_loop3A_1588 = arith.constant 16 : i32
        %parallel_loop3A_1589 = arith.muli %parallel_loop3A_1577, %parallel_loop3A_1588 : i32
        %parallel_loop3A_1590 = arith.addi %parallel_loop3A_1587, %parallel_loop3A_1589 : i32
        %parallel_loop3A_1591 = arith.constant 0 : i32
        %parallel_loop3A_1592 = arith.addi %parallel_loop3A_1582, %parallel_loop3A_1591 : i32
        %parallel_loop3A_1593 = vector.broadcast %parallel_loop3A_1592 : i32 to vector<16xi32>
        %parallel_loop3A_1594 = arith.addi %mul3A_9, %parallel_loop3A_1593 : vector<16xi32>
        %parallel_loop3A_1595 = tpu.vector_load_idx %arg6[%parallel_loop3A_1594] : memref<17664xf32, #tpu.memory_space<vmem>>[vector<16xi32>], vector<16xf32>,
        %parallel_loop3A_1596 = arith.constant 1 : i32
        %parallel_loop3A_1597 = arith.addi %parallel_loop3A_1582, %parallel_loop3A_1596 : i32
        %parallel_loop3A_1598 = vector.broadcast %parallel_loop3A_1597 : i32 to vector<16xi32>
        %parallel_loop3A_1599 = arith.addi %mul3A_9, %parallel_loop3A_1598 : vector<16xi32>
        %parallel_loop3A_1600 = tpu.vector_load_idx %arg6[%parallel_loop3A_1599] : memref<17664xf32, #tpu.memory_space<vmem>>[vector<16xi32>], vector<16xf32>,
        %parallel_loop3A_1601 = arith.constant 2 : i32
        %parallel_loop3A_1602 = arith.addi %parallel_loop3A_1582, %parallel_loop3A_1601 : i32
        %parallel_loop3A_1603 = vector.broadcast %parallel_loop3A_1602 : i32 to vector<16xi32>
        %parallel_loop3A_1604 = arith.addi %mul3A_9, %parallel_loop3A_1603 : vector<16xi32>
        %parallel_loop3A_1605 = tpu.vector_load_idx %arg6[%parallel_loop3A_1604] : memref<17664xf32, #tpu.memory_space<vmem>>[vector<16xi32>], vector<16xf32>,
        %parallel_loop3A_1606 = arith.constant 3 : i32
        %parallel_loop3A_1607 = arith.addi %parallel_loop3A_1582, %parallel_loop3A_1606 : i32
        %parallel_loop3A_1608 = vector.broadcast %parallel_loop3A_1607 : i32 to vector<16xi32>
        %parallel_loop3A_1609 = arith.addi %mul3A_9, %parallel_loop3A_1608 : vector<16xi32>
        %parallel_loop3A_1610 = tpu.vector_load_idx %arg6[%parallel_loop3A_1609] : memref<17664xf32, #tpu.memory_space<vmem>>[vector<16xi32>], vector<16xf32>,
        %parallel_loop3A_1611 = arith.constant 4 : i32
        %parallel_loop3A_1612 = arith.addi %parallel_loop3A_1582, %parallel_loop3A_1611 : i32
        %parallel_loop3A_1613 = vector.broadcast %parallel_loop3A_1612 : i32 to vector<16xi32>
        %parallel_loop3A_1614 = arith.addi %mul3A_9, %parallel_loop3A_1613 : vector<16xi32>
        %parallel_loop3A_1615 = tpu.vector_load_idx %arg6[%parallel_loop3A_1614] : memref<17664xf32, #tpu.memory_space<vmem>>[vector<16xi32>], vector<16xf32>,
        %parallel_loop3A_1616 = arith.constant 5 : i32
        %parallel_loop3A_1617 = arith.addi %parallel_loop3A_1582, %parallel_loop3A_1616 : i32
        %parallel_loop3A_1618 = vector.broadcast %parallel_loop3A_1617 : i32 to vector<16xi32>
        %parallel_loop3A_1619 = arith.addi %mul3A_9, %parallel_loop3A_1618 : vector<16xi32>
        %parallel_loop3A_1620 = tpu.vector_load_idx %arg6[%parallel_loop3A_1619] : memref<17664xf32, #tpu.memory_space<vmem>>[vector<16xi32>], vector<16xf32>,
        %parallel_loop3A_1621 = arith.constant 6 : i32
        %parallel_loop3A_1622 = arith.addi %parallel_loop3A_1582, %parallel_loop3A_1621 : i32
        %parallel_loop3A_1623 = vector.broadcast %parallel_loop3A_1622 : i32 to vector<16xi32>
        %parallel_loop3A_1624 = arith.addi %mul3A_9, %parallel_loop3A_1623 : vector<16xi32>
        %parallel_loop3A_1625 = tpu.vector_load_idx %arg6[%parallel_loop3A_1624] : memref<17664xf32, #tpu.memory_space<vmem>>[vector<16xi32>], vector<16xf32>,
        %parallel_loop3A_1626 = arith.constant 7 : i32
        %parallel_loop3A_1627 = arith.addi %parallel_loop3A_1582, %parallel_loop3A_1626 : i32
        %parallel_loop3A_1628 = vector.broadcast %parallel_loop3A_1627 : i32 to vector<16xi32>
        %parallel_loop3A_1629 = arith.addi %mul3A_9, %parallel_loop3A_1628 : vector<16xi32>
        %parallel_loop3A_1630 = tpu.vector_load_idx %arg6[%parallel_loop3A_1629] : memref<17664xf32, #tpu.memory_space<vmem>>[vector<16xi32>], vector<16xf32>,
        %parallel_loop3A_1631 = arith.constant 0 : i32
        %parallel_loop3A_1632 = arith.addi %parallel_loop3A_1590, %parallel_loop3A_1631 : i32
        %parallel_loop3A_1633 = arith.index_cast %parallel_loop3A_1632 : i32 to index
        %parallel_loop3A_1634 = tpu.vector_load %arg8[%parallel_loop3A_1633] {strides = array<i32>} : memref<16384xf32, #tpu.memory_space<vmem>>, vector<16xf32>,
        tpu.vector_store %arg8[%parallel_loop3A_1633], %parallel_loop3A_1595 {strides = array<i32>} : memref<16384xf32, #tpu.memory_space<vmem>>, vector<16xf32>,
        %parallel_loop3A_1635 = arith.constant 128 : i32
        %parallel_loop3A_1636 = arith.addi %parallel_loop3A_1590, %parallel_loop3A_1635 : i32
        %parallel_loop3A_1637 = arith.index_cast %parallel_loop3A_1636 : i32 to index
        %parallel_loop3A_1638 = tpu.vector_load %arg8[%parallel_loop3A_1637] {strides = array<i32>} : memref<16384xf32, #tpu.memory_space<vmem>>, vector<16xf32>,
        tpu.vector_store %arg8[%parallel_loop3A_1637], %parallel_loop3A_1600 {strides = array<i32>} : memref<16384xf32, #tpu.memory_space<vmem>>, vector<16xf32>,
        %parallel_loop3A_1639 = arith.constant 256 : i32
        %parallel_loop3A_1640 = arith.addi %parallel_loop3A_1590, %parallel_loop3A_1639 : i32
        %parallel_loop3A_1641 = arith.index_cast %parallel_loop3A_1640 : i32 to index
        %parallel_loop3A_1642 = tpu.vector_load %arg8[%parallel_loop3A_1641] {strides = array<i32>} : memref<16384xf32, #tpu.memory_space<vmem>>, vector<16xf32>,
        tpu.vector_store %arg8[%parallel_loop3A_1641], %parallel_loop3A_1605 {strides = array<i32>} : memref<16384xf32, #tpu.memory_space<vmem>>, vector<16xf32>,
        %parallel_loop3A_1643 = arith.constant 384 : i32
        %parallel_loop3A_1644 = arith.addi %parallel_loop3A_1590, %parallel_loop3A_1643 : i32
        %parallel_loop3A_1645 = arith.index_cast %parallel_loop3A_1644 : i32 to index
        %parallel_loop3A_1646 = tpu.vector_load %arg8[%parallel_loop3A_1645] {strides = array<i32>} : memref<16384xf32, #tpu.memory_space<vmem>>, vector<16xf32>,
        tpu.vector_store %arg8[%parallel_loop3A_1645], %parallel_loop3A_1610 {strides = array<i32>} : memref<16384xf32, #tpu.memory_space<vmem>>, vector<16xf32>,
        %parallel_loop3A_1647 = arith.constant 512 : i32
        %parallel_loop3A_1648 = arith.addi %parallel_loop3A_1590, %parallel_loop3A_1647 : i32
        %parallel_loop3A_1649 = arith.index_cast %parallel_loop3A_1648 : i32 to index
        %parallel_loop3A_1650 = tpu.vector_load %arg8[%parallel_loop3A_1649] {strides = array<i32>} : memref<16384xf32, #tpu.memory_space<vmem>>, vector<16xf32>,
        tpu.vector_store %arg8[%parallel_loop3A_1649], %parallel_loop3A_1615 {strides = array<i32>} : memref<16384xf32, #tpu.memory_space<vmem>>, vector<16xf32>,
        %parallel_loop3A_1651 = arith.constant 640 : i32
        %parallel_loop3A_1652 = arith.addi %parallel_loop3A_1590, %parallel_loop3A_1651 : i32
        %parallel_loop3A_1653 = arith.index_cast %parallel_loop3A_1652 : i32 to index
        %parallel_loop3A_1654 = tpu.vector_load %arg8[%parallel_loop3A_1653] {strides = array<i32>} : memref<16384xf32, #tpu.memory_space<vmem>>, vector<16xf32>,
        tpu.vector_store %arg8[%parallel_loop3A_1653], %parallel_loop3A_1620 {strides = array<i32>} : memref<16384xf32, #tpu.memory_space<vmem>>, vector<16xf32>,
        %parallel_loop3A_1655 = arith.constant 768 : i32
        %parallel_loop3A_1656 = arith.addi %parallel_loop3A_1590, %parallel_loop3A_1655 : i32
        %parallel_loop3A_1657 = arith.index_cast %parallel_loop3A_1656 : i32 to index
        %parallel_loop3A_1658 = tpu.vector_load %arg8[%parallel_loop3A_1657] {strides = array<i32>} : memref<16384xf32, #tpu.memory_space<vmem>>, vector<16xf32>,
        tpu.vector_store %arg8[%parallel_loop3A_1657], %parallel_loop3A_1625 {strides = array<i32>} : memref<16384xf32, #tpu.memory_space<vmem>>, vector<16xf32>,
        %parallel_loop3A_1659 = arith.constant 896 : i32
        %parallel_loop3A_1660 = arith.addi %parallel_loop3A_1590, %parallel_loop3A_1659 : i32
        %parallel_loop3A_1661 = arith.index_cast %parallel_loop3A_1660 : i32 to index
        %parallel_loop3A_1662 = tpu.vector_load %arg8[%parallel_loop3A_1661] {strides = array<i32>} : memref<16384xf32, #tpu.memory_space<vmem>>, vector<16xf32>,
        tpu.vector_store %arg8[%parallel_loop3A_1661], %parallel_loop3A_1630 {strides = array<i32>} : memref<16384xf32, #tpu.memory_space<vmem>>, vector<16xf32>,
      } {sc.loop_unroll_factor = 2 : i64, sc.parallel_access}
      %add3A_1188 = arith.addi %mul3A_2, %add3A_1139 : i32
      %jit3A_1189 = arith.constant 16 : i32
      %div3A_1190 = arith.divsi %add3A_1188, %jit3A_1189 : i32
      %sign3A_1191 = arith.constant 0 : i32
      %sign3A_1192 = arith.cmpi sgt, %add3A_1188, %sign3A_1191 : i32
      %sign3A_1193 = arith.extui %sign3A_1192 : i1 to i32
      %sign3A_1194 = arith.constant 0 : i32
      %sign3A_1195 = arith.cmpi slt, %add3A_1188, %sign3A_1194 : i32
      %sign3A_1196 = arith.extui %sign3A_1195 : i1 to i32
      %sign3A_1197 = arith.subi %sign3A_1193, %sign3A_1196 : i32
      %sign3A_1198 = arith.constant 0 : i32
      %sign3A_1199 = arith.cmpi sgt, %jit3A_1189, %sign3A_1198 : i32
      %sign3A_1200 = arith.extui %sign3A_1199 : i1 to i32
      %sign3A_1201 = arith.constant 0 : i32
      %sign3A_1202 = arith.cmpi slt, %jit3A_1189, %sign3A_1201 : i32
      %sign3A_1203 = arith.extui %sign3A_1202 : i1 to i32
      %sign3A_1204 = arith.subi %sign3A_1200, %sign3A_1203 : i32
      %ne3A_1205 = arith.cmpi ne, %sign3A_1197, %sign3A_1204 : i32
      %rem3A_1206 = arith.remsi %add3A_1188, %jit3A_1189 : i32
      %ne3A_1207 = arith.constant 0 : i32
      %ne3A_1208 = arith.cmpi ne, %rem3A_1206, %ne3A_1207 : i32
      %and3A_1209 = arith.andi %ne3A_1205, %ne3A_1208 : i1
      %sub3A_1210 = arith.constant 1 : i32
      %sub3A_1211 = arith.subi %div3A_1190, %sub3A_1210 : i32
      %select_n3A_1212 = arith.select %and3A_1209, %sub3A_1211, %div3A_1190 : i32
      %mul3A_1213 = arith.constant 16 : i32
      %mul3A_1214 = arith.muli %select_n3A_1212, %mul3A_1213 : i32
      %sub3A_1215 = arith.subi %add3A_1188, %mul3A_1214 : i32
      %mul3A_1216 = arith.constant 262144 : i32
      %mul3A_1217 = arith.muli %select_n3A_1212, %mul3A_1216 : i32
      %add3A_1218 = arith.constant 0 : i32
      %add3A_1219 = arith.addi %mul3A_1217, %add3A_1218 : i32
      %mul3A_1220 = arith.constant 2048 : i32
      %mul3A_1221 = arith.muli %sub3A_1215, %mul3A_1220 : i32
      %add3A_1222 = arith.addi %add3A_1219, %mul3A_1221 : i32
      %dma_start3A_1223 = arith.constant 0 : i32
      %dma_start3A_1224 = tpu.memref_slice %arg8[%dma_start3A_1223] : memref<16384xf32, #tpu.memory_space<vmem>> -> memref<2048xf32, #tpu.memory_space<vmem>>
      %dma_start3A_1225 = tpu.memref_slice %arg3[%add3A_1222] : memref<26214400xf32, #tpu.memory_space<hbm>> -> memref<2048xf32, #tpu.memory_space<hbm>>
      %dma_start3A_1226 = tpu.memref_slice %arg3[%add3A_1222] : memref<26214400xf32, #tpu.memory_space<hbm>> -> memref<2048xf32, #tpu.memory_space<hbm>>
      %dma_start3A_1227 = arith.constant 0 : i32
      %dma_start3A_1228 = tpu.memref_slice %arg8[%dma_start3A_1227] : memref<16384xf32, #tpu.memory_space<vmem>> -> memref<2048xf32, #tpu.memory_space<vmem>>
      tpu.enqueue_dma source(%dma_start3A_1228 : memref<2048xf32, #tpu.memory_space<vmem>>) target(%dma_start3A_1226 : memref<2048xf32, #tpu.memory_space<hbm>>) target_semaphore(%arg12 : memref<!tpu.dma_semaphore, #tpu.memory_space<semaphore_mem>>)
      %add3A_1229 = arith.addi %mul3A_2, %add3A_1139 : i32
      %jit3A_1230 = arith.constant 16 : i32
      %div3A_1231 = arith.divsi %add3A_1229, %jit3A_1230 : i32
      %sign3A_1232 = arith.constant 0 : i32
      %sign3A_1233 = arith.cmpi sgt, %add3A_1229, %sign3A_1232 : i32
      %sign3A_1234 = arith.extui %sign3A_1233 : i1 to i32
      %sign3A_1235 = arith.constant 0 : i32
      %sign3A_1236 = arith.cmpi slt, %add3A_1229, %sign3A_1235 : i32
      %sign3A_1237 = arith.extui %sign3A_1236 : i1 to i32
      %sign3A_1238 = arith.subi %sign3A_1234, %sign3A_1237 : i32
      %sign3A_1239 = arith.constant 0 : i32
      %sign3A_1240 = arith.cmpi sgt, %jit3A_1230, %sign3A_1239 : i32
      %sign3A_1241 = arith.extui %sign3A_1240 : i1 to i32
      %sign3A_1242 = arith.constant 0 : i32
      %sign3A_1243 = arith.cmpi slt, %jit3A_1230, %sign3A_1242 : i32
      %sign3A_1244 = arith.extui %sign3A_1243 : i1 to i32
      %sign3A_1245 = arith.subi %sign3A_1241, %sign3A_1244 : i32
      %ne3A_1246 = arith.cmpi ne, %sign3A_1238, %sign3A_1245 : i32
      %rem3A_1247 = arith.remsi %add3A_1229, %jit3A_1230 : i32
      %ne3A_1248 = arith.constant 0 : i32
      %ne3A_1249 = arith.cmpi ne, %rem3A_1247, %ne3A_1248 : i32
      %and3A_1250 = arith.andi %ne3A_1246, %ne3A_1249 : i1
      %sub3A_1251 = arith.constant 1 : i32
      %sub3A_1252 = arith.subi %div3A_1231, %sub3A_1251 : i32
      %select_n3A_1253 = arith.select %and3A_1250, %sub3A_1252, %div3A_1231 : i32
      %mul3A_1254 = arith.constant 16 : i32
      %mul3A_1255 = arith.muli %select_n3A_1253, %mul3A_1254 : i32
      %sub3A_1256 = arith.subi %add3A_1229, %mul3A_1255 : i32
      %mul3A_1257 = arith.constant 262144 : i32
      %mul3A_1258 = arith.muli %select_n3A_1253, %mul3A_1257 : i32
      %add3A_1259 = arith.constant 32768 : i32
      %add3A_1260 = arith.addi %mul3A_1258, %add3A_1259 : i32
      %mul3A_1261 = arith.constant 2048 : i32
      %mul3A_1262 = arith.muli %sub3A_1256, %mul3A_1261 : i32
      %add3A_1263 = arith.addi %add3A_1260, %mul3A_1262 : i32
      %dma_start3A_1264 = arith.constant 2048 : i32
      %dma_start3A_1265 = tpu.memref_slice %arg8[%dma_start3A_1264] : memref<16384xf32, #tpu.memory_space<vmem>> -> memref<2048xf32, #tpu.memory_space<vmem>>
      %dma_start3A_1266 = tpu.memref_slice %arg3[%add3A_1263] : memref<26214400xf32, #tpu.memory_space<hbm>> -> memref<2048xf32, #tpu.memory_space<hbm>>
      %dma_start3A_1267 = tpu.memref_slice %arg3[%add3A_1263] : memref<26214400xf32, #tpu.memory_space<hbm>> -> memref<2048xf32, #tpu.memory_space<hbm>>
      %dma_start3A_1268 = arith.constant 2048 : i32
      %dma_start3A_1269 = tpu.memref_slice %arg8[%dma_start3A_1268] : memref<16384xf32, #tpu.memory_space<vmem>> -> memref<2048xf32, #tpu.memory_space<vmem>>
      tpu.enqueue_dma source(%dma_start3A_1269 : memref<2048xf32, #tpu.memory_space<vmem>>) target(%dma_start3A_1267 : memref<2048xf32, #tpu.memory_space<hbm>>) target_semaphore(%arg12 : memref<!tpu.dma_semaphore, #tpu.memory_space<semaphore_mem>>)
      %add3A_1270 = arith.addi %mul3A_2, %add3A_1139 : i32
      %jit3A_1271 = arith.constant 16 : i32
      %div3A_1272 = arith.divsi %add3A_1270, %jit3A_1271 : i32
      %sign3A_1273 = arith.constant 0 : i32
      %sign3A_1274 = arith.cmpi sgt, %add3A_1270, %sign3A_1273 : i32
      %sign3A_1275 = arith.extui %sign3A_1274 : i1 to i32
      %sign3A_1276 = arith.constant 0 : i32
      %sign3A_1277 = arith.cmpi slt, %add3A_1270, %sign3A_1276 : i32
      %sign3A_1278 = arith.extui %sign3A_1277 : i1 to i32
      %sign3A_1279 = arith.subi %sign3A_1275, %sign3A_1278 : i32
      %sign3A_1280 = arith.constant 0 : i32
      %sign3A_1281 = arith.cmpi sgt, %jit3A_1271, %sign3A_1280 : i32
      %sign3A_1282 = arith.extui %sign3A_1281 : i1 to i32
      %sign3A_1283 = arith.constant 0 : i32
      %sign3A_1284 = arith.cmpi slt, %jit3A_1271, %sign3A_1283 : i32
      %sign3A_1285 = arith.extui %sign3A_1284 : i1 to i32
      %sign3A_1286 = arith.subi %sign3A_1282, %sign3A_1285 : i32
      %ne3A_1287 = arith.cmpi ne, %sign3A_1279, %sign3A_1286 : i32
      %rem3A_1288 = arith.remsi %add3A_1270, %jit3A_1271 : i32
      %ne3A_1289 = arith.constant 0 : i32
      %ne3A_1290 = arith.cmpi ne, %rem3A_1288, %ne3A_1289 : i32
      %and3A_1291 = arith.andi %ne3A_1287, %ne3A_1290 : i1
      %sub3A_1292 = arith.constant 1 : i32
      %sub3A_1293 = arith.subi %div3A_1272, %sub3A_1292 : i32
      %select_n3A_1294 = arith.select %and3A_1291, %sub3A_1293, %div3A_1272 : i32
      %mul3A_1295 = arith.constant 16 : i32
      %mul3A_1296 = arith.muli %select_n3A_1294, %mul3A_1295 : i32
      %sub3A_1297 = arith.subi %add3A_1270, %mul3A_1296 : i32
      %mul3A_1298 = arith.constant 262144 : i32
      %mul3A_1299 = arith.muli %select_n3A_1294, %mul3A_1298 : i32
      %add3A_1300 = arith.constant 65536 : i32
      %add3A_1301 = arith.addi %mul3A_1299, %add3A_1300 : i32
      %mul3A_1302 = arith.constant 2048 : i32
      %mul3A_1303 = arith.muli %sub3A_1297, %mul3A_1302 : i32
      %add3A_1304 = arith.addi %add3A_1301, %mul3A_1303 : i32
      %dma_start3A_1305 = arith.constant 4096 : i32
      %dma_start3A_1306 = tpu.memref_slice %arg8[%dma_start3A_1305] : memref<16384xf32, #tpu.memory_space<vmem>> -> memref<2048xf32, #tpu.memory_space<vmem>>
      %dma_start3A_1307 = tpu.memref_slice %arg3[%add3A_1304] : memref<26214400xf32, #tpu.memory_space<hbm>> -> memref<2048xf32, #tpu.memory_space<hbm>>
      %dma_start3A_1308 = tpu.memref_slice %arg3[%add3A_1304] : memref<26214400xf32, #tpu.memory_space<hbm>> -> memref<2048xf32, #tpu.memory_space<hbm>>
      %dma_start3A_1309 = arith.constant 4096 : i32
      %dma_start3A_1310 = tpu.memref_slice %arg8[%dma_start3A_1309] : memref<16384xf32, #tpu.memory_space<vmem>> -> memref<2048xf32, #tpu.memory_space<vmem>>
      tpu.enqueue_dma source(%dma_start3A_1310 : memref<2048xf32, #tpu.memory_space<vmem>>) target(%dma_start3A_1308 : memref<2048xf32, #tpu.memory_space<hbm>>) target_semaphore(%arg12 : memref<!tpu.dma_semaphore, #tpu.memory_space<semaphore_mem>>)
      %add3A_1311 = arith.addi %mul3A_2, %add3A_1139 : i32
      %jit3A_1312 = arith.constant 16 : i32
      %div3A_1313 = arith.divsi %add3A_1311, %jit3A_1312 : i32
      %sign3A_1314 = arith.constant 0 : i32
      %sign3A_1315 = arith.cmpi sgt, %add3A_1311, %sign3A_1314 : i32
      %sign3A_1316 = arith.extui %sign3A_1315 : i1 to i32
      %sign3A_1317 = arith.constant 0 : i32
      %sign3A_1318 = arith.cmpi slt, %add3A_1311, %sign3A_1317 : i32
      %sign3A_1319 = arith.extui %sign3A_1318 : i1 to i32
      %sign3A_1320 = arith.subi %sign3A_1316, %sign3A_1319 : i32
      %sign3A_1321 = arith.constant 0 : i32
      %sign3A_1322 = arith.cmpi sgt, %jit3A_1312, %sign3A_1321 : i32
      %sign3A_1323 = arith.extui %sign3A_1322 : i1 to i32
      %sign3A_1324 = arith.constant 0 : i32
      %sign3A_1325 = arith.cmpi slt, %jit3A_1312, %sign3A_1324 : i32
      %sign3A_1326 = arith.extui %sign3A_1325 : i1 to i32
      %sign3A_1327 = arith.subi %sign3A_1323, %sign3A_1326 : i32
      %ne3A_1328 = arith.cmpi ne, %sign3A_1320, %sign3A_1327 : i32
      %rem3A_1329 = arith.remsi %add3A_1311, %jit3A_1312 : i32
      %ne3A_1330 = arith.constant 0 : i32
      %ne3A_1331 = arith.cmpi ne, %rem3A_1329, %ne3A_1330 : i32
      %and3A_1332 = arith.andi %ne3A_1328, %ne3A_1331 : i1
      %sub3A_1333 = arith.constant 1 : i32
      %sub3A_1334 = arith.subi %div3A_1313, %sub3A_1333 : i32
      %select_n3A_1335 = arith.select %and3A_1332, %sub3A_1334, %div3A_1313 : i32
      %mul3A_1336 = arith.constant 16 : i32
      %mul3A_1337 = arith.muli %select_n3A_1335, %mul3A_1336 : i32
      %sub3A_1338 = arith.subi %add3A_1311, %mul3A_1337 : i32
      %mul3A_1339 = arith.constant 262144 : i32
      %mul3A_1340 = arith.muli %select_n3A_1335, %mul3A_1339 : i32
      %add3A_1341 = arith.constant 98304 : i32
      %add3A_1342 = arith.addi %mul3A_1340, %add3A_1341 : i32
      %mul3A_1343 = arith.constant 2048 : i32
      %mul3A_1344 = arith.muli %sub3A_1338, %mul3A_1343 : i32
      %add3A_1345 = arith.addi %add3A_1342, %mul3A_1344 : i32
      %dma_start3A_1346 = arith.constant 6144 : i32
      %dma_start3A_1347 = tpu.memref_slice %arg8[%dma_start3A_1346] : memref<16384xf32, #tpu.memory_space<vmem>> -> memref<2048xf32, #tpu.memory_space<vmem>>
      %dma_start3A_1348 = tpu.memref_slice %arg3[%add3A_1345] : memref<26214400xf32, #tpu.memory_space<hbm>> -> memref<2048xf32, #tpu.memory_space<hbm>>
      %dma_start3A_1349 = tpu.memref_slice %arg3[%add3A_1345] : memref<26214400xf32, #tpu.memory_space<hbm>> -> memref<2048xf32, #tpu.memory_space<hbm>>
      %dma_start3A_1350 = arith.constant 6144 : i32
      %dma_start3A_1351 = tpu.memref_slice %arg8[%dma_start3A_1350] : memref<16384xf32, #tpu.memory_space<vmem>> -> memref<2048xf32, #tpu.memory_space<vmem>>
      tpu.enqueue_dma source(%dma_start3A_1351 : memref<2048xf32, #tpu.memory_space<vmem>>) target(%dma_start3A_1349 : memref<2048xf32, #tpu.memory_space<hbm>>) target_semaphore(%arg12 : memref<!tpu.dma_semaphore, #tpu.memory_space<semaphore_mem>>)
      %add3A_1352 = arith.addi %mul3A_2, %add3A_1139 : i32
      %jit3A_1353 = arith.constant 16 : i32
      %div3A_1354 = arith.divsi %add3A_1352, %jit3A_1353 : i32
      %sign3A_1355 = arith.constant 0 : i32
      %sign3A_1356 = arith.cmpi sgt, %add3A_1352, %sign3A_1355 : i32
      %sign3A_1357 = arith.extui %sign3A_1356 : i1 to i32
      %sign3A_1358 = arith.constant 0 : i32
      %sign3A_1359 = arith.cmpi slt, %add3A_1352, %sign3A_1358 : i32
      %sign3A_1360 = arith.extui %sign3A_1359 : i1 to i32
      %sign3A_1361 = arith.subi %sign3A_1357, %sign3A_1360 : i32
      %sign3A_1362 = arith.constant 0 : i32
      %sign3A_1363 = arith.cmpi sgt, %jit3A_1353, %sign3A_1362 : i32
      %sign3A_1364 = arith.extui %sign3A_1363 : i1 to i32
      %sign3A_1365 = arith.constant 0 : i32
      %sign3A_1366 = arith.cmpi slt, %jit3A_1353, %sign3A_1365 : i32
      %sign3A_1367 = arith.extui %sign3A_1366 : i1 to i32
      %sign3A_1368 = arith.subi %sign3A_1364, %sign3A_1367 : i32
      %ne3A_1369 = arith.cmpi ne, %sign3A_1361, %sign3A_1368 : i32
      %rem3A_1370 = arith.remsi %add3A_1352, %jit3A_1353 : i32
      %ne3A_1371 = arith.constant 0 : i32
      %ne3A_1372 = arith.cmpi ne, %rem3A_1370, %ne3A_1371 : i32
      %and3A_1373 = arith.andi %ne3A_1369, %ne3A_1372 : i1
      %sub3A_1374 = arith.constant 1 : i32
      %sub3A_1375 = arith.subi %div3A_1354, %sub3A_1374 : i32
      %select_n3A_1376 = arith.select %and3A_1373, %sub3A_1375, %div3A_1354 : i32
      %mul3A_1377 = arith.constant 16 : i32
      %mul3A_1378 = arith.muli %select_n3A_1376, %mul3A_1377 : i32
      %sub3A_1379 = arith.subi %add3A_1352, %mul3A_1378 : i32
      %mul3A_1380 = arith.constant 262144 : i32
      %mul3A_1381 = arith.muli %select_n3A_1376, %mul3A_1380 : i32
      %add3A_1382 = arith.constant 131072 : i32
      %add3A_1383 = arith.addi %mul3A_1381, %add3A_1382 : i32
      %mul3A_1384 = arith.constant 2048 : i32
      %mul3A_1385 = arith.muli %sub3A_1379, %mul3A_1384 : i32
      %add3A_1386 = arith.addi %add3A_1383, %mul3A_1385 : i32
      %dma_start3A_1387 = arith.constant 8192 : i32
      %dma_start3A_1388 = tpu.memref_slice %arg8[%dma_start3A_1387] : memref<16384xf32, #tpu.memory_space<vmem>> -> memref<2048xf32, #tpu.memory_space<vmem>>
      %dma_start3A_1389 = tpu.memref_slice %arg3[%add3A_1386] : memref<26214400xf32, #tpu.memory_space<hbm>> -> memref<2048xf32, #tpu.memory_space<hbm>>
      %dma_start3A_1390 = tpu.memref_slice %arg3[%add3A_1386] : memref<26214400xf32, #tpu.memory_space<hbm>> -> memref<2048xf32, #tpu.memory_space<hbm>>
      %dma_start3A_1391 = arith.constant 8192 : i32
      %dma_start3A_1392 = tpu.memref_slice %arg8[%dma_start3A_1391] : memref<16384xf32, #tpu.memory_space<vmem>> -> memref<2048xf32, #tpu.memory_space<vmem>>
      tpu.enqueue_dma source(%dma_start3A_1392 : memref<2048xf32, #tpu.memory_space<vmem>>) target(%dma_start3A_1390 : memref<2048xf32, #tpu.memory_space<hbm>>) target_semaphore(%arg12 : memref<!tpu.dma_semaphore, #tpu.memory_space<semaphore_mem>>)
      %add3A_1393 = arith.addi %mul3A_2, %add3A_1139 : i32
      %jit3A_1394 = arith.constant 16 : i32
      %div3A_1395 = arith.divsi %add3A_1393, %jit3A_1394 : i32
      %sign3A_1396 = arith.constant 0 : i32
      %sign3A_1397 = arith.cmpi sgt, %add3A_1393, %sign3A_1396 : i32
      %sign3A_1398 = arith.extui %sign3A_1397 : i1 to i32
      %sign3A_1399 = arith.constant 0 : i32
      %sign3A_1400 = arith.cmpi slt, %add3A_1393, %sign3A_1399 : i32
      %sign3A_1401 = arith.extui %sign3A_1400 : i1 to i32
      %sign3A_1402 = arith.subi %sign3A_1398, %sign3A_1401 : i32
      %sign3A_1403 = arith.constant 0 : i32
      %sign3A_1404 = arith.cmpi sgt, %jit3A_1394, %sign3A_1403 : i32
      %sign3A_1405 = arith.extui %sign3A_1404 : i1 to i32
      %sign3A_1406 = arith.constant 0 : i32
      %sign3A_1407 = arith.cmpi slt, %jit3A_1394, %sign3A_1406 : i32
      %sign3A_1408 = arith.extui %sign3A_1407 : i1 to i32
      %sign3A_1409 = arith.subi %sign3A_1405, %sign3A_1408 : i32
      %ne3A_1410 = arith.cmpi ne, %sign3A_1402, %sign3A_1409 : i32
      %rem3A_1411 = arith.remsi %add3A_1393, %jit3A_1394 : i32
      %ne3A_1412 = arith.constant 0 : i32
      %ne3A_1413 = arith.cmpi ne, %rem3A_1411, %ne3A_1412 : i32
      %and3A_1414 = arith.andi %ne3A_1410, %ne3A_1413 : i1
      %sub3A_1415 = arith.constant 1 : i32
      %sub3A_1416 = arith.subi %div3A_1395, %sub3A_1415 : i32
      %select_n3A_1417 = arith.select %and3A_1414, %sub3A_1416, %div3A_1395 : i32
      %mul3A_1418 = arith.constant 16 : i32
      %mul3A_1419 = arith.muli %select_n3A_1417, %mul3A_1418 : i32
      %sub3A_1420 = arith.subi %add3A_1393, %mul3A_1419 : i32
      %mul3A_1421 = arith.constant 262144 : i32
      %mul3A_1422 = arith.muli %select_n3A_1417, %mul3A_1421 : i32
      %add3A_1423 = arith.constant 163840 : i32
      %add3A_1424 = arith.addi %mul3A_1422, %add3A_1423 : i32
      %mul3A_1425 = arith.constant 2048 : i32
      %mul3A_1426 = arith.muli %sub3A_1420, %mul3A_1425 : i32
      %add3A_1427 = arith.addi %add3A_1424, %mul3A_1426 : i32
      %dma_start3A_1428 = arith.constant 10240 : i32
      %dma_start3A_1429 = tpu.memref_slice %arg8[%dma_start3A_1428] : memref<16384xf32, #tpu.memory_space<vmem>> -> memref<2048xf32, #tpu.memory_space<vmem>>
      %dma_start3A_1430 = tpu.memref_slice %arg3[%add3A_1427] : memref<26214400xf32, #tpu.memory_space<hbm>> -> memref<2048xf32, #tpu.memory_space<hbm>>
      %dma_start3A_1431 = tpu.memref_slice %arg3[%add3A_1427] : memref<26214400xf32, #tpu.memory_space<hbm>> -> memref<2048xf32, #tpu.memory_space<hbm>>
      %dma_start3A_1432 = arith.constant 10240 : i32
      %dma_start3A_1433 = tpu.memref_slice %arg8[%dma_start3A_1432] : memref<16384xf32, #tpu.memory_space<vmem>> -> memref<2048xf32, #tpu.memory_space<vmem>>
      tpu.enqueue_dma source(%dma_start3A_1433 : memref<2048xf32, #tpu.memory_space<vmem>>) target(%dma_start3A_1431 : memref<2048xf32, #tpu.memory_space<hbm>>) target_semaphore(%arg12 : memref<!tpu.dma_semaphore, #tpu.memory_space<semaphore_mem>>)
      %add3A_1434 = arith.addi %mul3A_2, %add3A_1139 : i32
      %jit3A_1435 = arith.constant 16 : i32
      %div3A_1436 = arith.divsi %add3A_1434, %jit3A_1435 : i32
      %sign3A_1437 = arith.constant 0 : i32
      %sign3A_1438 = arith.cmpi sgt, %add3A_1434, %sign3A_1437 : i32
      %sign3A_1439 = arith.extui %sign3A_1438 : i1 to i32
      %sign3A_1440 = arith.constant 0 : i32
      %sign3A_1441 = arith.cmpi slt, %add3A_1434, %sign3A_1440 : i32
      %sign3A_1442 = arith.extui %sign3A_1441 : i1 to i32
      %sign3A_1443 = arith.subi %sign3A_1439, %sign3A_1442 : i32
      %sign3A_1444 = arith.constant 0 : i32
      %sign3A_1445 = arith.cmpi sgt, %jit3A_1435, %sign3A_1444 : i32
      %sign3A_1446 = arith.extui %sign3A_1445 : i1 to i32
      %sign3A_1447 = arith.constant 0 : i32
      %sign3A_1448 = arith.cmpi slt, %jit3A_1435, %sign3A_1447 : i32
      %sign3A_1449 = arith.extui %sign3A_1448 : i1 to i32
      %sign3A_1450 = arith.subi %sign3A_1446, %sign3A_1449 : i32
      %ne3A_1451 = arith.cmpi ne, %sign3A_1443, %sign3A_1450 : i32
      %rem3A_1452 = arith.remsi %add3A_1434, %jit3A_1435 : i32
      %ne3A_1453 = arith.constant 0 : i32
      %ne3A_1454 = arith.cmpi ne, %rem3A_1452, %ne3A_1453 : i32
      %and3A_1455 = arith.andi %ne3A_1451, %ne3A_1454 : i1
      %sub3A_1456 = arith.constant 1 : i32
      %sub3A_1457 = arith.subi %div3A_1436, %sub3A_1456 : i32
      %select_n3A_1458 = arith.select %and3A_1455, %sub3A_1457, %div3A_1436 : i32
      %mul3A_1459 = arith.constant 16 : i32
      %mul3A_1460 = arith.muli %select_n3A_1458, %mul3A_1459 : i32
      %sub3A_1461 = arith.subi %add3A_1434, %mul3A_1460 : i32
      %mul3A_1462 = arith.constant 262144 : i32
      %mul3A_1463 = arith.muli %select_n3A_1458, %mul3A_1462 : i32
      %add3A_1464 = arith.constant 196608 : i32
      %add3A_1465 = arith.addi %mul3A_1463, %add3A_1464 : i32
      %mul3A_1466 = arith.constant 2048 : i32
      %mul3A_1467 = arith.muli %sub3A_1461, %mul3A_1466 : i32
      %add3A_1468 = arith.addi %add3A_1465, %mul3A_1467 : i32
      %dma_start3A_1469 = arith.constant 12288 : i32
      %dma_start3A_1470 = tpu.memref_slice %arg8[%dma_start3A_1469] : memref<16384xf32, #tpu.memory_space<vmem>> -> memref<2048xf32, #tpu.memory_space<vmem>>
      %dma_start3A_1471 = tpu.memref_slice %arg3[%add3A_1468] : memref<26214400xf32, #tpu.memory_space<hbm>> -> memref<2048xf32, #tpu.memory_space<hbm>>
      %dma_start3A_1472 = tpu.memref_slice %arg3[%add3A_1468] : memref<26214400xf32, #tpu.memory_space<hbm>> -> memref<2048xf32, #tpu.memory_space<hbm>>
      %dma_start3A_1473 = arith.constant 12288 : i32
      %dma_start3A_1474 = tpu.memref_slice %arg8[%dma_start3A_1473] : memref<16384xf32, #tpu.memory_space<vmem>> -> memref<2048xf32, #tpu.memory_space<vmem>>
      tpu.enqueue_dma source(%dma_start3A_1474 : memref<2048xf32, #tpu.memory_space<vmem>>) target(%dma_start3A_1472 : memref<2048xf32, #tpu.memory_space<hbm>>) target_semaphore(%arg12 : memref<!tpu.dma_semaphore, #tpu.memory_space<semaphore_mem>>)
      %add3A_1475 = arith.addi %mul3A_2, %add3A_1139 : i32
      %jit3A_1476 = arith.constant 16 : i32
      %div3A_1477 = arith.divsi %add3A_1475, %jit3A_1476 : i32
      %sign3A_1478 = arith.constant 0 : i32
      %sign3A_1479 = arith.cmpi sgt, %add3A_1475, %sign3A_1478 : i32
      %sign3A_1480 = arith.extui %sign3A_1479 : i1 to i32
      %sign3A_1481 = arith.constant 0 : i32
      %sign3A_1482 = arith.cmpi slt, %add3A_1475, %sign3A_1481 : i32
      %sign3A_1483 = arith.extui %sign3A_1482 : i1 to i32
      %sign3A_1484 = arith.subi %sign3A_1480, %sign3A_1483 : i32
      %sign3A_1485 = arith.constant 0 : i32
      %sign3A_1486 = arith.cmpi sgt, %jit3A_1476, %sign3A_1485 : i32
      %sign3A_1487 = arith.extui %sign3A_1486 : i1 to i32
      %sign3A_1488 = arith.constant 0 : i32
      %sign3A_1489 = arith.cmpi slt, %jit3A_1476, %sign3A_1488 : i32
      %sign3A_1490 = arith.extui %sign3A_1489 : i1 to i32
      %sign3A_1491 = arith.subi %sign3A_1487, %sign3A_1490 : i32
      %ne3A_1492 = arith.cmpi ne, %sign3A_1484, %sign3A_1491 : i32
      %rem3A_1493 = arith.remsi %add3A_1475, %jit3A_1476 : i32
      %ne3A_1494 = arith.constant 0 : i32
      %ne3A_1495 = arith.cmpi ne, %rem3A_1493, %ne3A_1494 : i32
      %and3A_1496 = arith.andi %ne3A_1492, %ne3A_1495 : i1
      %sub3A_1497 = arith.constant 1 : i32
      %sub3A_1498 = arith.subi %div3A_1477, %sub3A_1497 : i32
      %select_n3A_1499 = arith.select %and3A_1496, %sub3A_1498, %div3A_1477 : i32
      %mul3A_1500 = arith.constant 16 : i32
      %mul3A_1501 = arith.muli %select_n3A_1499, %mul3A_1500 : i32
      %sub3A_1502 = arith.subi %add3A_1475, %mul3A_1501 : i32
      %mul3A_1503 = arith.constant 262144 : i32
      %mul3A_1504 = arith.muli %select_n3A_1499, %mul3A_1503 : i32
      %add3A_1505 = arith.constant 229376 : i32
      %add3A_1506 = arith.addi %mul3A_1504, %add3A_1505 : i32
      %mul3A_1507 = arith.constant 2048 : i32
      %mul3A_1508 = arith.muli %sub3A_1502, %mul3A_1507 : i32
      %add3A_1509 = arith.addi %add3A_1506, %mul3A_1508 : i32
      %dma_start3A_1510 = arith.constant 14336 : i32
      %dma_start3A_1511 = tpu.memref_slice %arg8[%dma_start3A_1510] : memref<16384xf32, #tpu.memory_space<vmem>> -> memref<2048xf32, #tpu.memory_space<vmem>>
      %dma_start3A_1512 = tpu.memref_slice %arg3[%add3A_1509] : memref<26214400xf32, #tpu.memory_space<hbm>> -> memref<2048xf32, #tpu.memory_space<hbm>>
      %dma_start3A_1513 = tpu.memref_slice %arg3[%add3A_1509] : memref<26214400xf32, #tpu.memory_space<hbm>> -> memref<2048xf32, #tpu.memory_space<hbm>>
      %dma_start3A_1514 = arith.constant 14336 : i32
      %dma_start3A_1515 = tpu.memref_slice %arg8[%dma_start3A_1514] : memref<16384xf32, #tpu.memory_space<vmem>> -> memref<2048xf32, #tpu.memory_space<vmem>>
      tpu.enqueue_dma source(%dma_start3A_1515 : memref<2048xf32, #tpu.memory_space<vmem>>) target(%dma_start3A_1513 : memref<2048xf32, #tpu.memory_space<hbm>>) target_semaphore(%arg12 : memref<!tpu.dma_semaphore, #tpu.memory_space<semaphore_mem>>)
      %add3A_1516 = arith.constant 2 : i32
      %add3A_1517 = arith.addi %add3A_1139, %add3A_1516 : i32
      %lt3A_1518 = arith.constant 50 : i32
      %lt3A_1519 = arith.cmpi slt, %add3A_1517, %lt3A_1518 : i32
      %convert_element_type3A_1520 = arith.extui %lt3A_1519 : i1 to i32
      %cond3A_1521 = arith.constant 0 : i32
      %cond3A_1522 = arith.cmpi ne, %convert_element_type3A_1520, %cond3A_1521 : i32
      scf.if %cond3A_1522 {
        %add3A_1523 = arith.constant 2 : i32
        %add3A_1524 = arith.addi %add3A_1139, %add3A_1523 : i32
        %add3A_1525 = arith.addi %mul3A_2, %add3A_1524 : i32
        %jit3A_1526 = arith.constant 16 : i32
        %div3A_1527 = arith.divsi %add3A_1525, %jit3A_1526 : i32
        %sign3A_1528 = arith.constant 0 : i32
        %sign3A_1529 = arith.cmpi sgt, %add3A_1525, %sign3A_1528 : i32
        %sign3A_1530 = arith.extui %sign3A_1529 : i1 to i32
        %sign3A_1531 = arith.constant 0 : i32
        %sign3A_1532 = arith.cmpi slt, %add3A_1525, %sign3A_1531 : i32
        %sign3A_1533 = arith.extui %sign3A_1532 : i1 to i32
        %sign3A_1534 = arith.subi %sign3A_1530, %sign3A_1533 : i32
        %sign3A_1535 = arith.constant 0 : i32
        %sign3A_1536 = arith.cmpi sgt, %jit3A_1526, %sign3A_1535 : i32
        %sign3A_1537 = arith.extui %sign3A_1536 : i1 to i32
        %sign3A_1538 = arith.constant 0 : i32
        %sign3A_1539 = arith.cmpi slt, %jit3A_1526, %sign3A_1538 : i32
        %sign3A_1540 = arith.extui %sign3A_1539 : i1 to i32
        %sign3A_1541 = arith.subi %sign3A_1537, %sign3A_1540 : i32
        %ne3A_1542 = arith.cmpi ne, %sign3A_1534, %sign3A_1541 : i32
        %rem3A_1543 = arith.remsi %add3A_1525, %jit3A_1526 : i32
        %ne3A_1544 = arith.constant 0 : i32
        %ne3A_1545 = arith.cmpi ne, %rem3A_1543, %ne3A_1544 : i32
        %and3A_1546 = arith.andi %ne3A_1542, %ne3A_1545 : i1
        %sub3A_1547 = arith.constant 1 : i32
        %sub3A_1548 = arith.subi %div3A_1527, %sub3A_1547 : i32
        %select_n3A_1549 = arith.select %and3A_1546, %sub3A_1548, %div3A_1527 : i32
        %mul3A_1550 = arith.constant 16 : i32
        %mul3A_1551 = arith.muli %select_n3A_1549, %mul3A_1550 : i32
        %sub3A_1552 = arith.subi %add3A_1525, %mul3A_1551 : i32
        %mul3A_1553 = arith.constant 4096 : i32
        %mul3A_1554 = arith.muli %select_n3A_1549, %mul3A_1553 : i32
        %mul3A_1555 = arith.constant 256 : i32
        %mul3A_1556 = arith.muli %sub3A_1552, %mul3A_1555 : i32
        %add3A_1557 = arith.addi %mul3A_1554, %mul3A_1556 : i32
        %mul3A_1558 = arith.constant 128 : i32
        %mul3A_1559 = arith.muli %add3A_1557, %mul3A_1558 : i32
        %dma_start3A_1560 = tpu.memref_slice %arg2[%mul3A_1559] : memref<52428800xf32, #tpu.memory_space<hbm>> -> memref<32768xf32, #tpu.memory_space<hbm>>
        %dma_start3A_1561 = tpu.memref_slice %arg2[%mul3A_1559] : memref<52428800xf32, #tpu.memory_space<hbm>> -> memref<32768xf32, #tpu.memory_space<hbm>>
        tpu.enqueue_dma source(%dma_start3A_1561 : memref<32768xf32, #tpu.memory_space<hbm>>) target(%arg5 : memref<32768xf32, #tpu.memory_space<vmem>>) target_semaphore(%arg10 : memref<!tpu.dma_semaphore, #tpu.memory_space<semaphore_mem>>)
      } else {
      }
    }
    %scan3A_81 = arith.constant 25 : i32
    %add3A_82 = arith.constant 48 : i32
    %add3A_83 = arith.addi %mul3A_2, %add3A_82 : i32
    %jit3A_84 = arith.constant 16 : i32
    %div3A_85 = arith.divsi %add3A_83, %jit3A_84 : i32
    %sign3A_86 = arith.constant 0 : i32
    %sign3A_87 = arith.cmpi sgt, %add3A_83, %sign3A_86 : i32
    %sign3A_88 = arith.extui %sign3A_87 : i1 to i32
    %sign3A_89 = arith.constant 0 : i32
    %sign3A_90 = arith.cmpi slt, %add3A_83, %sign3A_89 : i32
    %sign3A_91 = arith.extui %sign3A_90 : i1 to i32
    %sign3A_92 = arith.subi %sign3A_88, %sign3A_91 : i32
    %sign3A_93 = arith.constant 0 : i32
    %sign3A_94 = arith.cmpi sgt, %jit3A_84, %sign3A_93 : i32
    %sign3A_95 = arith.extui %sign3A_94 : i1 to i32
    %sign3A_96 = arith.constant 0 : i32
    %sign3A_97 = arith.cmpi slt, %jit3A_84, %sign3A_96 : i32
    %sign3A_98 = arith.extui %sign3A_97 : i1 to i32
    %sign3A_99 = arith.subi %sign3A_95, %sign3A_98 : i32
    %ne3A_100 = arith.cmpi ne, %sign3A_92, %sign3A_99 : i32
    %rem3A_101 = arith.remsi %add3A_83, %jit3A_84 : i32
    %ne3A_102 = arith.constant 0 : i32
    %ne3A_103 = arith.cmpi ne, %rem3A_101, %ne3A_102 : i32
    %and3A_104 = arith.andi %ne3A_100, %ne3A_103 : i1
    %sub3A_105 = arith.constant 1 : i32
    %sub3A_106 = arith.subi %div3A_85, %sub3A_105 : i32
    %select_n3A_107 = arith.select %and3A_104, %sub3A_106, %div3A_85 : i32
    %mul3A_108 = arith.constant 16 : i32
    %mul3A_109 = arith.muli %select_n3A_107, %mul3A_108 : i32
    %sub3A_110 = arith.subi %add3A_83, %mul3A_109 : i32
    %mul3A_111 = arith.constant 262144 : i32
    %mul3A_112 = arith.muli %select_n3A_107, %mul3A_111 : i32
    %add3A_113 = arith.constant 0 : i32
    %add3A_114 = arith.addi %mul3A_112, %add3A_113 : i32
    %mul3A_115 = arith.constant 2048 : i32
    %mul3A_116 = arith.muli %sub3A_110, %mul3A_115 : i32
    %add3A_117 = arith.addi %add3A_114, %mul3A_116 : i32
    %dma_wait3A = arith.constant 0 : i32
    %dma_wait3A_118 = tpu.memref_slice %arg7[%dma_wait3A] : memref<16384xf32, #tpu.memory_space<vmem>> -> memref<2048xf32, #tpu.memory_space<vmem>>
    %dma_wait3A_119 = tpu.memref_slice %arg3[%add3A_117] : memref<26214400xf32, #tpu.memory_space<hbm>> -> memref<2048xf32, #tpu.memory_space<hbm>>
    %dma_wait3A_120 = tpu.memref_slice %arg3[%add3A_117] : memref<26214400xf32, #tpu.memory_space<hbm>> -> memref<2048xf32, #tpu.memory_space<hbm>>
    %dma_wait3A_121 = arith.constant 0 : i32
    %dma_wait3A_122 = tpu.memref_slice %arg7[%dma_wait3A_121] : memref<16384xf32, #tpu.memory_space<vmem>> -> memref<2048xf32, #tpu.memory_space<vmem>>
    tpu.wait_dma2 semaphore(%arg11 : memref<!tpu.dma_semaphore, #tpu.memory_space<semaphore_mem>>) src(%dma_wait3A_122 : memref<2048xf32, #tpu.memory_space<vmem>>) dst(%dma_wait3A_120 : memref<2048xf32, #tpu.memory_space<hbm>>)
    %add3A_123 = arith.constant 48 : i32
    %add3A_124 = arith.addi %mul3A_2, %add3A_123 : i32
    %jit3A_125 = arith.constant 16 : i32
    %div3A_126 = arith.divsi %add3A_124, %jit3A_125 : i32
    %sign3A_127 = arith.constant 0 : i32
    %sign3A_128 = arith.cmpi sgt, %add3A_124, %sign3A_127 : i32
    %sign3A_129 = arith.extui %sign3A_128 : i1 to i32
    %sign3A_130 = arith.constant 0 : i32
    %sign3A_131 = arith.cmpi slt, %add3A_124, %sign3A_130 : i32
    %sign3A_132 = arith.extui %sign3A_131 : i1 to i32
    %sign3A_133 = arith.subi %sign3A_129, %sign3A_132 : i32
    %sign3A_134 = arith.constant 0 : i32
    %sign3A_135 = arith.cmpi sgt, %jit3A_125, %sign3A_134 : i32
    %sign3A_136 = arith.extui %sign3A_135 : i1 to i32
    %sign3A_137 = arith.constant 0 : i32
    %sign3A_138 = arith.cmpi slt, %jit3A_125, %sign3A_137 : i32
    %sign3A_139 = arith.extui %sign3A_138 : i1 to i32
    %sign3A_140 = arith.subi %sign3A_136, %sign3A_139 : i32
    %ne3A_141 = arith.cmpi ne, %sign3A_133, %sign3A_140 : i32
    %rem3A_142 = arith.remsi %add3A_124, %jit3A_125 : i32
    %ne3A_143 = arith.constant 0 : i32
    %ne3A_144 = arith.cmpi ne, %rem3A_142, %ne3A_143 : i32
    %and3A_145 = arith.andi %ne3A_141, %ne3A_144 : i1
    %sub3A_146 = arith.constant 1 : i32
    %sub3A_147 = arith.subi %div3A_126, %sub3A_146 : i32
    %select_n3A_148 = arith.select %and3A_145, %sub3A_147, %div3A_126 : i32
    %mul3A_149 = arith.constant 16 : i32
    %mul3A_150 = arith.muli %select_n3A_148, %mul3A_149 : i32
    %sub3A_151 = arith.subi %add3A_124, %mul3A_150 : i32
    %mul3A_152 = arith.constant 262144 : i32
    %mul3A_153 = arith.muli %select_n3A_148, %mul3A_152 : i32
    %add3A_154 = arith.constant 32768 : i32
    %add3A_155 = arith.addi %mul3A_153, %add3A_154 : i32
    %mul3A_156 = arith.constant 2048 : i32
    %mul3A_157 = arith.muli %sub3A_151, %mul3A_156 : i32
    %add3A_158 = arith.addi %add3A_155, %mul3A_157 : i32
    %dma_wait3A_159 = arith.constant 2048 : i32
    %dma_wait3A_160 = tpu.memref_slice %arg7[%dma_wait3A_159] : memref<16384xf32, #tpu.memory_space<vmem>> -> memref<2048xf32, #tpu.memory_space<vmem>>
    %dma_wait3A_161 = tpu.memref_slice %arg3[%add3A_158] : memref<26214400xf32, #tpu.memory_space<hbm>> -> memref<2048xf32, #tpu.memory_space<hbm>>
    %dma_wait3A_162 = tpu.memref_slice %arg3[%add3A_158] : memref<26214400xf32, #tpu.memory_space<hbm>> -> memref<2048xf32, #tpu.memory_space<hbm>>
    %dma_wait3A_163 = arith.constant 2048 : i32
    %dma_wait3A_164 = tpu.memref_slice %arg7[%dma_wait3A_163] : memref<16384xf32, #tpu.memory_space<vmem>> -> memref<2048xf32, #tpu.memory_space<vmem>>
    tpu.wait_dma2 semaphore(%arg11 : memref<!tpu.dma_semaphore, #tpu.memory_space<semaphore_mem>>) src(%dma_wait3A_164 : memref<2048xf32, #tpu.memory_space<vmem>>) dst(%dma_wait3A_162 : memref<2048xf32, #tpu.memory_space<hbm>>)
    %add3A_165 = arith.constant 48 : i32
    %add3A_166 = arith.addi %mul3A_2, %add3A_165 : i32
    %jit3A_167 = arith.constant 16 : i32
    %div3A_168 = arith.divsi %add3A_166, %jit3A_167 : i32
    %sign3A_169 = arith.constant 0 : i32
    %sign3A_170 = arith.cmpi sgt, %add3A_166, %sign3A_169 : i32
    %sign3A_171 = arith.extui %sign3A_170 : i1 to i32
    %sign3A_172 = arith.constant 0 : i32
    %sign3A_173 = arith.cmpi slt, %add3A_166, %sign3A_172 : i32
    %sign3A_174 = arith.extui %sign3A_173 : i1 to i32
    %sign3A_175 = arith.subi %sign3A_171, %sign3A_174 : i32
    %sign3A_176 = arith.constant 0 : i32
    %sign3A_177 = arith.cmpi sgt, %jit3A_167, %sign3A_176 : i32
    %sign3A_178 = arith.extui %sign3A_177 : i1 to i32
    %sign3A_179 = arith.constant 0 : i32
    %sign3A_180 = arith.cmpi slt, %jit3A_167, %sign3A_179 : i32
    %sign3A_181 = arith.extui %sign3A_180 : i1 to i32
    %sign3A_182 = arith.subi %sign3A_178, %sign3A_181 : i32
    %ne3A_183 = arith.cmpi ne, %sign3A_175, %sign3A_182 : i32
    %rem3A_184 = arith.remsi %add3A_166, %jit3A_167 : i32
    %ne3A_185 = arith.constant 0 : i32
    %ne3A_186 = arith.cmpi ne, %rem3A_184, %ne3A_185 : i32
    %and3A_187 = arith.andi %ne3A_183, %ne3A_186 : i1
    %sub3A_188 = arith.constant 1 : i32
    %sub3A_189 = arith.subi %div3A_168, %sub3A_188 : i32
    %select_n3A_190 = arith.select %and3A_187, %sub3A_189, %div3A_168 : i32
    %mul3A_191 = arith.constant 16 : i32
    %mul3A_192 = arith.muli %select_n3A_190, %mul3A_191 : i32
    %sub3A_193 = arith.subi %add3A_166, %mul3A_192 : i32
    %mul3A_194 = arith.constant 262144 : i32
    %mul3A_195 = arith.muli %select_n3A_190, %mul3A_194 : i32
    %add3A_196 = arith.constant 65536 : i32
    %add3A_197 = arith.addi %mul3A_195, %add3A_196 : i32
    %mul3A_198 = arith.constant 2048 : i32
    %mul3A_199 = arith.muli %sub3A_193, %mul3A_198 : i32
    %add3A_200 = arith.addi %add3A_197, %mul3A_199 : i32
    %dma_wait3A_201 = arith.constant 4096 : i32
    %dma_wait3A_202 = tpu.memref_slice %arg7[%dma_wait3A_201] : memref<16384xf32, #tpu.memory_space<vmem>> -> memref<2048xf32, #tpu.memory_space<vmem>>
    %dma_wait3A_203 = tpu.memref_slice %arg3[%add3A_200] : memref<26214400xf32, #tpu.memory_space<hbm>> -> memref<2048xf32, #tpu.memory_space<hbm>>
    %dma_wait3A_204 = tpu.memref_slice %arg3[%add3A_200] : memref<26214400xf32, #tpu.memory_space<hbm>> -> memref<2048xf32, #tpu.memory_space<hbm>>
    %dma_wait3A_205 = arith.constant 4096 : i32
    %dma_wait3A_206 = tpu.memref_slice %arg7[%dma_wait3A_205] : memref<16384xf32, #tpu.memory_space<vmem>> -> memref<2048xf32, #tpu.memory_space<vmem>>
    tpu.wait_dma2 semaphore(%arg11 : memref<!tpu.dma_semaphore, #tpu.memory_space<semaphore_mem>>) src(%dma_wait3A_206 : memref<2048xf32, #tpu.memory_space<vmem>>) dst(%dma_wait3A_204 : memref<2048xf32, #tpu.memory_space<hbm>>)
    %add3A_207 = arith.constant 48 : i32
    %add3A_208 = arith.addi %mul3A_2, %add3A_207 : i32
    %jit3A_209 = arith.constant 16 : i32
    %div3A_210 = arith.divsi %add3A_208, %jit3A_209 : i32
    %sign3A_211 = arith.constant 0 : i32
    %sign3A_212 = arith.cmpi sgt, %add3A_208, %sign3A_211 : i32
    %sign3A_213 = arith.extui %sign3A_212 : i1 to i32
    %sign3A_214 = arith.constant 0 : i32
    %sign3A_215 = arith.cmpi slt, %add3A_208, %sign3A_214 : i32
    %sign3A_216 = arith.extui %sign3A_215 : i1 to i32
    %sign3A_217 = arith.subi %sign3A_213, %sign3A_216 : i32
    %sign3A_218 = arith.constant 0 : i32
    %sign3A_219 = arith.cmpi sgt, %jit3A_209, %sign3A_218 : i32
    %sign3A_220 = arith.extui %sign3A_219 : i1 to i32
    %sign3A_221 = arith.constant 0 : i32
    %sign3A_222 = arith.cmpi slt, %jit3A_209, %sign3A_221 : i32
    %sign3A_223 = arith.extui %sign3A_222 : i1 to i32
    %sign3A_224 = arith.subi %sign3A_220, %sign3A_223 : i32
    %ne3A_225 = arith.cmpi ne, %sign3A_217, %sign3A_224 : i32
    %rem3A_226 = arith.remsi %add3A_208, %jit3A_209 : i32
    %ne3A_227 = arith.constant 0 : i32
    %ne3A_228 = arith.cmpi ne, %rem3A_226, %ne3A_227 : i32
    %and3A_229 = arith.andi %ne3A_225, %ne3A_228 : i1
    %sub3A_230 = arith.constant 1 : i32
    %sub3A_231 = arith.subi %div3A_210, %sub3A_230 : i32
    %select_n3A_232 = arith.select %and3A_229, %sub3A_231, %div3A_210 : i32
    %mul3A_233 = arith.constant 16 : i32
    %mul3A_234 = arith.muli %select_n3A_232, %mul3A_233 : i32
    %sub3A_235 = arith.subi %add3A_208, %mul3A_234 : i32
    %mul3A_236 = arith.constant 262144 : i32
    %mul3A_237 = arith.muli %select_n3A_232, %mul3A_236 : i32
    %add3A_238 = arith.constant 98304 : i32
    %add3A_239 = arith.addi %mul3A_237, %add3A_238 : i32
    %mul3A_240 = arith.constant 2048 : i32
    %mul3A_241 = arith.muli %sub3A_235, %mul3A_240 : i32
    %add3A_242 = arith.addi %add3A_239, %mul3A_241 : i32
    %dma_wait3A_243 = arith.constant 6144 : i32
    %dma_wait3A_244 = tpu.memref_slice %arg7[%dma_wait3A_243] : memref<16384xf32, #tpu.memory_space<vmem>> -> memref<2048xf32, #tpu.memory_space<vmem>>
    %dma_wait3A_245 = tpu.memref_slice %arg3[%add3A_242] : memref<26214400xf32, #tpu.memory_space<hbm>> -> memref<2048xf32, #tpu.memory_space<hbm>>
    %dma_wait3A_246 = tpu.memref_slice %arg3[%add3A_242] : memref<26214400xf32, #tpu.memory_space<hbm>> -> memref<2048xf32, #tpu.memory_space<hbm>>
    %dma_wait3A_247 = arith.constant 6144 : i32
    %dma_wait3A_248 = tpu.memref_slice %arg7[%dma_wait3A_247] : memref<16384xf32, #tpu.memory_space<vmem>> -> memref<2048xf32, #tpu.memory_space<vmem>>
    tpu.wait_dma2 semaphore(%arg11 : memref<!tpu.dma_semaphore, #tpu.memory_space<semaphore_mem>>) src(%dma_wait3A_248 : memref<2048xf32, #tpu.memory_space<vmem>>) dst(%dma_wait3A_246 : memref<2048xf32, #tpu.memory_space<hbm>>)
    %add3A_249 = arith.constant 48 : i32
    %add3A_250 = arith.addi %mul3A_2, %add3A_249 : i32
    %jit3A_251 = arith.constant 16 : i32
    %div3A_252 = arith.divsi %add3A_250, %jit3A_251 : i32
    %sign3A_253 = arith.constant 0 : i32
    %sign3A_254 = arith.cmpi sgt, %add3A_250, %sign3A_253 : i32
    %sign3A_255 = arith.extui %sign3A_254 : i1 to i32
    %sign3A_256 = arith.constant 0 : i32
    %sign3A_257 = arith.cmpi slt, %add3A_250, %sign3A_256 : i32
    %sign3A_258 = arith.extui %sign3A_257 : i1 to i32
    %sign3A_259 = arith.subi %sign3A_255, %sign3A_258 : i32
    %sign3A_260 = arith.constant 0 : i32
    %sign3A_261 = arith.cmpi sgt, %jit3A_251, %sign3A_260 : i32
    %sign3A_262 = arith.extui %sign3A_261 : i1 to i32
    %sign3A_263 = arith.constant 0 : i32
    %sign3A_264 = arith.cmpi slt, %jit3A_251, %sign3A_263 : i32
    %sign3A_265 = arith.extui %sign3A_264 : i1 to i32
    %sign3A_266 = arith.subi %sign3A_262, %sign3A_265 : i32
    %ne3A_267 = arith.cmpi ne, %sign3A_259, %sign3A_266 : i32
    %rem3A_268 = arith.remsi %add3A_250, %jit3A_251 : i32
    %ne3A_269 = arith.constant 0 : i32
    %ne3A_270 = arith.cmpi ne, %rem3A_268, %ne3A_269 : i32
    %and3A_271 = arith.andi %ne3A_267, %ne3A_270 : i1
    %sub3A_272 = arith.constant 1 : i32
    %sub3A_273 = arith.subi %div3A_252, %sub3A_272 : i32
    %select_n3A_274 = arith.select %and3A_271, %sub3A_273, %div3A_252 : i32
    %mul3A_275 = arith.constant 16 : i32
    %mul3A_276 = arith.muli %select_n3A_274, %mul3A_275 : i32
    %sub3A_277 = arith.subi %add3A_250, %mul3A_276 : i32
    %mul3A_278 = arith.constant 262144 : i32
    %mul3A_279 = arith.muli %select_n3A_274, %mul3A_278 : i32
    %add3A_280 = arith.constant 131072 : i32
    %add3A_281 = arith.addi %mul3A_279, %add3A_280 : i32
    %mul3A_282 = arith.constant 2048 : i32
    %mul3A_283 = arith.muli %sub3A_277, %mul3A_282 : i32
    %add3A_284 = arith.addi %add3A_281, %mul3A_283 : i32
    %dma_wait3A_285 = arith.constant 8192 : i32
    %dma_wait3A_286 = tpu.memref_slice %arg7[%dma_wait3A_285] : memref<16384xf32, #tpu.memory_space<vmem>> -> memref<2048xf32, #tpu.memory_space<vmem>>
    %dma_wait3A_287 = tpu.memref_slice %arg3[%add3A_284] : memref<26214400xf32, #tpu.memory_space<hbm>> -> memref<2048xf32, #tpu.memory_space<hbm>>
    %dma_wait3A_288 = tpu.memref_slice %arg3[%add3A_284] : memref<26214400xf32, #tpu.memory_space<hbm>> -> memref<2048xf32, #tpu.memory_space<hbm>>
    %dma_wait3A_289 = arith.constant 8192 : i32
    %dma_wait3A_290 = tpu.memref_slice %arg7[%dma_wait3A_289] : memref<16384xf32, #tpu.memory_space<vmem>> -> memref<2048xf32, #tpu.memory_space<vmem>>
    tpu.wait_dma2 semaphore(%arg11 : memref<!tpu.dma_semaphore, #tpu.memory_space<semaphore_mem>>) src(%dma_wait3A_290 : memref<2048xf32, #tpu.memory_space<vmem>>) dst(%dma_wait3A_288 : memref<2048xf32, #tpu.memory_space<hbm>>)
    %add3A_291 = arith.constant 48 : i32
    %add3A_292 = arith.addi %mul3A_2, %add3A_291 : i32
    %jit3A_293 = arith.constant 16 : i32
    %div3A_294 = arith.divsi %add3A_292, %jit3A_293 : i32
    %sign3A_295 = arith.constant 0 : i32
    %sign3A_296 = arith.cmpi sgt, %add3A_292, %sign3A_295 : i32
    %sign3A_297 = arith.extui %sign3A_296 : i1 to i32
    %sign3A_298 = arith.constant 0 : i32
    %sign3A_299 = arith.cmpi slt, %add3A_292, %sign3A_298 : i32
    %sign3A_300 = arith.extui %sign3A_299 : i1 to i32
    %sign3A_301 = arith.subi %sign3A_297, %sign3A_300 : i32
    %sign3A_302 = arith.constant 0 : i32
    %sign3A_303 = arith.cmpi sgt, %jit3A_293, %sign3A_302 : i32
    %sign3A_304 = arith.extui %sign3A_303 : i1 to i32
    %sign3A_305 = arith.constant 0 : i32
    %sign3A_306 = arith.cmpi slt, %jit3A_293, %sign3A_305 : i32
    %sign3A_307 = arith.extui %sign3A_306 : i1 to i32
    %sign3A_308 = arith.subi %sign3A_304, %sign3A_307 : i32
    %ne3A_309 = arith.cmpi ne, %sign3A_301, %sign3A_308 : i32
    %rem3A_310 = arith.remsi %add3A_292, %jit3A_293 : i32
    %ne3A_311 = arith.constant 0 : i32
    %ne3A_312 = arith.cmpi ne, %rem3A_310, %ne3A_311 : i32
    %and3A_313 = arith.andi %ne3A_309, %ne3A_312 : i1
    %sub3A_314 = arith.constant 1 : i32
    %sub3A_315 = arith.subi %div3A_294, %sub3A_314 : i32
    %select_n3A_316 = arith.select %and3A_313, %sub3A_315, %div3A_294 : i32
    %mul3A_317 = arith.constant 16 : i32
    %mul3A_318 = arith.muli %select_n3A_316, %mul3A_317 : i32
    %sub3A_319 = arith.subi %add3A_292, %mul3A_318 : i32
    %mul3A_320 = arith.constant 262144 : i32
    %mul3A_321 = arith.muli %select_n3A_316, %mul3A_320 : i32
    %add3A_322 = arith.constant 163840 : i32
    %add3A_323 = arith.addi %mul3A_321, %add3A_322 : i32
    %mul3A_324 = arith.constant 2048 : i32
    %mul3A_325 = arith.muli %sub3A_319, %mul3A_324 : i32
    %add3A_326 = arith.addi %add3A_323, %mul3A_325 : i32
    %dma_wait3A_327 = arith.constant 10240 : i32
    %dma_wait3A_328 = tpu.memref_slice %arg7[%dma_wait3A_327] : memref<16384xf32, #tpu.memory_space<vmem>> -> memref<2048xf32, #tpu.memory_space<vmem>>
    %dma_wait3A_329 = tpu.memref_slice %arg3[%add3A_326] : memref<26214400xf32, #tpu.memory_space<hbm>> -> memref<2048xf32, #tpu.memory_space<hbm>>
    %dma_wait3A_330 = tpu.memref_slice %arg3[%add3A_326] : memref<26214400xf32, #tpu.memory_space<hbm>> -> memref<2048xf32, #tpu.memory_space<hbm>>
    %dma_wait3A_331 = arith.constant 10240 : i32
    %dma_wait3A_332 = tpu.memref_slice %arg7[%dma_wait3A_331] : memref<16384xf32, #tpu.memory_space<vmem>> -> memref<2048xf32, #tpu.memory_space<vmem>>
    tpu.wait_dma2 semaphore(%arg11 : memref<!tpu.dma_semaphore, #tpu.memory_space<semaphore_mem>>) src(%dma_wait3A_332 : memref<2048xf32, #tpu.memory_space<vmem>>) dst(%dma_wait3A_330 : memref<2048xf32, #tpu.memory_space<hbm>>)
    %add3A_333 = arith.constant 48 : i32
    %add3A_334 = arith.addi %mul3A_2, %add3A_333 : i32
    %jit3A_335 = arith.constant 16 : i32
    %div3A_336 = arith.divsi %add3A_334, %jit3A_335 : i32
    %sign3A_337 = arith.constant 0 : i32
    %sign3A_338 = arith.cmpi sgt, %add3A_334, %sign3A_337 : i32
    %sign3A_339 = arith.extui %sign3A_338 : i1 to i32
    %sign3A_340 = arith.constant 0 : i32
    %sign3A_341 = arith.cmpi slt, %add3A_334, %sign3A_340 : i32
    %sign3A_342 = arith.extui %sign3A_341 : i1 to i32
    %sign3A_343 = arith.subi %sign3A_339, %sign3A_342 : i32
    %sign3A_344 = arith.constant 0 : i32
    %sign3A_345 = arith.cmpi sgt, %jit3A_335, %sign3A_344 : i32
    %sign3A_346 = arith.extui %sign3A_345 : i1 to i32
    %sign3A_347 = arith.constant 0 : i32
    %sign3A_348 = arith.cmpi slt, %jit3A_335, %sign3A_347 : i32
    %sign3A_349 = arith.extui %sign3A_348 : i1 to i32
    %sign3A_350 = arith.subi %sign3A_346, %sign3A_349 : i32
    %ne3A_351 = arith.cmpi ne, %sign3A_343, %sign3A_350 : i32
    %rem3A_352 = arith.remsi %add3A_334, %jit3A_335 : i32
    %ne3A_353 = arith.constant 0 : i32
    %ne3A_354 = arith.cmpi ne, %rem3A_352, %ne3A_353 : i32
    %and3A_355 = arith.andi %ne3A_351, %ne3A_354 : i1
    %sub3A_356 = arith.constant 1 : i32
    %sub3A_357 = arith.subi %div3A_336, %sub3A_356 : i32
    %select_n3A_358 = arith.select %and3A_355, %sub3A_357, %div3A_336 : i32
    %mul3A_359 = arith.constant 16 : i32
    %mul3A_360 = arith.muli %select_n3A_358, %mul3A_359 : i32
    %sub3A_361 = arith.subi %add3A_334, %mul3A_360 : i32
    %mul3A_362 = arith.constant 262144 : i32
    %mul3A_363 = arith.muli %select_n3A_358, %mul3A_362 : i32
    %add3A_364 = arith.constant 196608 : i32
    %add3A_365 = arith.addi %mul3A_363, %add3A_364 : i32
    %mul3A_366 = arith.constant 2048 : i32
    %mul3A_367 = arith.muli %sub3A_361, %mul3A_366 : i32
    %add3A_368 = arith.addi %add3A_365, %mul3A_367 : i32
    %dma_wait3A_369 = arith.constant 12288 : i32
    %dma_wait3A_370 = tpu.memref_slice %arg7[%dma_wait3A_369] : memref<16384xf32, #tpu.memory_space<vmem>> -> memref<2048xf32, #tpu.memory_space<vmem>>
    %dma_wait3A_371 = tpu.memref_slice %arg3[%add3A_368] : memref<26214400xf32, #tpu.memory_space<hbm>> -> memref<2048xf32, #tpu.memory_space<hbm>>
    %dma_wait3A_372 = tpu.memref_slice %arg3[%add3A_368] : memref<26214400xf32, #tpu.memory_space<hbm>> -> memref<2048xf32, #tpu.memory_space<hbm>>
    %dma_wait3A_373 = arith.constant 12288 : i32
    %dma_wait3A_374 = tpu.memref_slice %arg7[%dma_wait3A_373] : memref<16384xf32, #tpu.memory_space<vmem>> -> memref<2048xf32, #tpu.memory_space<vmem>>
    tpu.wait_dma2 semaphore(%arg11 : memref<!tpu.dma_semaphore, #tpu.memory_space<semaphore_mem>>) src(%dma_wait3A_374 : memref<2048xf32, #tpu.memory_space<vmem>>) dst(%dma_wait3A_372 : memref<2048xf32, #tpu.memory_space<hbm>>)
    %add3A_375 = arith.constant 48 : i32
    %add3A_376 = arith.addi %mul3A_2, %add3A_375 : i32
    %jit3A_377 = arith.constant 16 : i32
    %div3A_378 = arith.divsi %add3A_376, %jit3A_377 : i32
    %sign3A_379 = arith.constant 0 : i32
    %sign3A_380 = arith.cmpi sgt, %add3A_376, %sign3A_379 : i32
    %sign3A_381 = arith.extui %sign3A_380 : i1 to i32
    %sign3A_382 = arith.constant 0 : i32
    %sign3A_383 = arith.cmpi slt, %add3A_376, %sign3A_382 : i32
    %sign3A_384 = arith.extui %sign3A_383 : i1 to i32
    %sign3A_385 = arith.subi %sign3A_381, %sign3A_384 : i32
    %sign3A_386 = arith.constant 0 : i32
    %sign3A_387 = arith.cmpi sgt, %jit3A_377, %sign3A_386 : i32
    %sign3A_388 = arith.extui %sign3A_387 : i1 to i32
    %sign3A_389 = arith.constant 0 : i32
    %sign3A_390 = arith.cmpi slt, %jit3A_377, %sign3A_389 : i32
    %sign3A_391 = arith.extui %sign3A_390 : i1 to i32
    %sign3A_392 = arith.subi %sign3A_388, %sign3A_391 : i32
    %ne3A_393 = arith.cmpi ne, %sign3A_385, %sign3A_392 : i32
    %rem3A_394 = arith.remsi %add3A_376, %jit3A_377 : i32
    %ne3A_395 = arith.constant 0 : i32
    %ne3A_396 = arith.cmpi ne, %rem3A_394, %ne3A_395 : i32
    %and3A_397 = arith.andi %ne3A_393, %ne3A_396 : i1
    %sub3A_398 = arith.constant 1 : i32
    %sub3A_399 = arith.subi %div3A_378, %sub3A_398 : i32
    %select_n3A_400 = arith.select %and3A_397, %sub3A_399, %div3A_378 : i32
    %mul3A_401 = arith.constant 16 : i32
    %mul3A_402 = arith.muli %select_n3A_400, %mul3A_401 : i32
    %sub3A_403 = arith.subi %add3A_376, %mul3A_402 : i32
    %mul3A_404 = arith.constant 262144 : i32
    %mul3A_405 = arith.muli %select_n3A_400, %mul3A_404 : i32
    %add3A_406 = arith.constant 229376 : i32
    %add3A_407 = arith.addi %mul3A_405, %add3A_406 : i32
    %mul3A_408 = arith.constant 2048 : i32
    %mul3A_409 = arith.muli %sub3A_403, %mul3A_408 : i32
    %add3A_410 = arith.addi %add3A_407, %mul3A_409 : i32
    %dma_wait3A_411 = arith.constant 14336 : i32
    %dma_wait3A_412 = tpu.memref_slice %arg7[%dma_wait3A_411] : memref<16384xf32, #tpu.memory_space<vmem>> -> memref<2048xf32, #tpu.memory_space<vmem>>
    %dma_wait3A_413 = tpu.memref_slice %arg3[%add3A_410] : memref<26214400xf32, #tpu.memory_space<hbm>> -> memref<2048xf32, #tpu.memory_space<hbm>>
    %dma_wait3A_414 = tpu.memref_slice %arg3[%add3A_410] : memref<26214400xf32, #tpu.memory_space<hbm>> -> memref<2048xf32, #tpu.memory_space<hbm>>
    %dma_wait3A_415 = arith.constant 14336 : i32
    %dma_wait3A_416 = tpu.memref_slice %arg7[%dma_wait3A_415] : memref<16384xf32, #tpu.memory_space<vmem>> -> memref<2048xf32, #tpu.memory_space<vmem>>
    tpu.wait_dma2 semaphore(%arg11 : memref<!tpu.dma_semaphore, #tpu.memory_space<semaphore_mem>>) src(%dma_wait3A_416 : memref<2048xf32, #tpu.memory_space<vmem>>) dst(%dma_wait3A_414 : memref<2048xf32, #tpu.memory_space<hbm>>)
    %add3A_417 = arith.constant 49 : i32
    %add3A_418 = arith.addi %mul3A_2, %add3A_417 : i32
    %jit3A_419 = arith.constant 16 : i32
    %div3A_420 = arith.divsi %add3A_418, %jit3A_419 : i32
    %sign3A_421 = arith.constant 0 : i32
    %sign3A_422 = arith.cmpi sgt, %add3A_418, %sign3A_421 : i32
    %sign3A_423 = arith.extui %sign3A_422 : i1 to i32
    %sign3A_424 = arith.constant 0 : i32
    %sign3A_425 = arith.cmpi slt, %add3A_418, %sign3A_424 : i32
    %sign3A_426 = arith.extui %sign3A_425 : i1 to i32
    %sign3A_427 = arith.subi %sign3A_423, %sign3A_426 : i32
    %sign3A_428 = arith.constant 0 : i32
    %sign3A_429 = arith.cmpi sgt, %jit3A_419, %sign3A_428 : i32
    %sign3A_430 = arith.extui %sign3A_429 : i1 to i32
    %sign3A_431 = arith.constant 0 : i32
    %sign3A_432 = arith.cmpi slt, %jit3A_419, %sign3A_431 : i32
    %sign3A_433 = arith.extui %sign3A_432 : i1 to i32
    %sign3A_434 = arith.subi %sign3A_430, %sign3A_433 : i32
    %ne3A_435 = arith.cmpi ne, %sign3A_427, %sign3A_434 : i32
    %rem3A_436 = arith.remsi %add3A_418, %jit3A_419 : i32
    %ne3A_437 = arith.constant 0 : i32
    %ne3A_438 = arith.cmpi ne, %rem3A_436, %ne3A_437 : i32
    %and3A_439 = arith.andi %ne3A_435, %ne3A_438 : i1
    %sub3A_440 = arith.constant 1 : i32
    %sub3A_441 = arith.subi %div3A_420, %sub3A_440 : i32
    %select_n3A_442 = arith.select %and3A_439, %sub3A_441, %div3A_420 : i32
    %mul3A_443 = arith.constant 16 : i32
    %mul3A_444 = arith.muli %select_n3A_442, %mul3A_443 : i32
    %sub3A_445 = arith.subi %add3A_418, %mul3A_444 : i32
    %mul3A_446 = arith.constant 262144 : i32
    %mul3A_447 = arith.muli %select_n3A_442, %mul3A_446 : i32
    %add3A_448 = arith.constant 0 : i32
    %add3A_449 = arith.addi %mul3A_447, %add3A_448 : i32
    %mul3A_450 = arith.constant 2048 : i32
    %mul3A_451 = arith.muli %sub3A_445, %mul3A_450 : i32
    %add3A_452 = arith.addi %add3A_449, %mul3A_451 : i32
    %dma_wait3A_453 = arith.constant 0 : i32
    %dma_wait3A_454 = tpu.memref_slice %arg8[%dma_wait3A_453] : memref<16384xf32, #tpu.memory_space<vmem>> -> memref<2048xf32, #tpu.memory_space<vmem>>
    %dma_wait3A_455 = tpu.memref_slice %arg3[%add3A_452] : memref<26214400xf32, #tpu.memory_space<hbm>> -> memref<2048xf32, #tpu.memory_space<hbm>>
    %dma_wait3A_456 = tpu.memref_slice %arg3[%add3A_452] : memref<26214400xf32, #tpu.memory_space<hbm>> -> memref<2048xf32, #tpu.memory_space<hbm>>
    %dma_wait3A_457 = arith.constant 0 : i32
    %dma_wait3A_458 = tpu.memref_slice %arg8[%dma_wait3A_457] : memref<16384xf32, #tpu.memory_space<vmem>> -> memref<2048xf32, #tpu.memory_space<vmem>>
    tpu.wait_dma2 semaphore(%arg12 : memref<!tpu.dma_semaphore, #tpu.memory_space<semaphore_mem>>) src(%dma_wait3A_458 : memref<2048xf32, #tpu.memory_space<vmem>>) dst(%dma_wait3A_456 : memref<2048xf32, #tpu.memory_space<hbm>>)
    %add3A_459 = arith.constant 49 : i32
    %add3A_460 = arith.addi %mul3A_2, %add3A_459 : i32
    %jit3A_461 = arith.constant 16 : i32
    %div3A_462 = arith.divsi %add3A_460, %jit3A_461 : i32
    %sign3A_463 = arith.constant 0 : i32
    %sign3A_464 = arith.cmpi sgt, %add3A_460, %sign3A_463 : i32
    %sign3A_465 = arith.extui %sign3A_464 : i1 to i32
    %sign3A_466 = arith.constant 0 : i32
    %sign3A_467 = arith.cmpi slt, %add3A_460, %sign3A_466 : i32
    %sign3A_468 = arith.extui %sign3A_467 : i1 to i32
    %sign3A_469 = arith.subi %sign3A_465, %sign3A_468 : i32
    %sign3A_470 = arith.constant 0 : i32
    %sign3A_471 = arith.cmpi sgt, %jit3A_461, %sign3A_470 : i32
    %sign3A_472 = arith.extui %sign3A_471 : i1 to i32
    %sign3A_473 = arith.constant 0 : i32
    %sign3A_474 = arith.cmpi slt, %jit3A_461, %sign3A_473 : i32
    %sign3A_475 = arith.extui %sign3A_474 : i1 to i32
    %sign3A_476 = arith.subi %sign3A_472, %sign3A_475 : i32
    %ne3A_477 = arith.cmpi ne, %sign3A_469, %sign3A_476 : i32
    %rem3A_478 = arith.remsi %add3A_460, %jit3A_461 : i32
    %ne3A_479 = arith.constant 0 : i32
    %ne3A_480 = arith.cmpi ne, %rem3A_478, %ne3A_479 : i32
    %and3A_481 = arith.andi %ne3A_477, %ne3A_480 : i1
    %sub3A_482 = arith.constant 1 : i32
    %sub3A_483 = arith.subi %div3A_462, %sub3A_482 : i32
    %select_n3A_484 = arith.select %and3A_481, %sub3A_483, %div3A_462 : i32
    %mul3A_485 = arith.constant 16 : i32
    %mul3A_486 = arith.muli %select_n3A_484, %mul3A_485 : i32
    %sub3A_487 = arith.subi %add3A_460, %mul3A_486 : i32
    %mul3A_488 = arith.constant 262144 : i32
    %mul3A_489 = arith.muli %select_n3A_484, %mul3A_488 : i32
    %add3A_490 = arith.constant 32768 : i32
    %add3A_491 = arith.addi %mul3A_489, %add3A_490 : i32
    %mul3A_492 = arith.constant 2048 : i32
    %mul3A_493 = arith.muli %sub3A_487, %mul3A_492 : i32
    %add3A_494 = arith.addi %add3A_491, %mul3A_493 : i32
    %dma_wait3A_495 = arith.constant 2048 : i32
    %dma_wait3A_496 = tpu.memref_slice %arg8[%dma_wait3A_495] : memref<16384xf32, #tpu.memory_space<vmem>> -> memref<2048xf32, #tpu.memory_space<vmem>>
    %dma_wait3A_497 = tpu.memref_slice %arg3[%add3A_494] : memref<26214400xf32, #tpu.memory_space<hbm>> -> memref<2048xf32, #tpu.memory_space<hbm>>
    %dma_wait3A_498 = tpu.memref_slice %arg3[%add3A_494] : memref<26214400xf32, #tpu.memory_space<hbm>> -> memref<2048xf32, #tpu.memory_space<hbm>>
    %dma_wait3A_499 = arith.constant 2048 : i32
    %dma_wait3A_500 = tpu.memref_slice %arg8[%dma_wait3A_499] : memref<16384xf32, #tpu.memory_space<vmem>> -> memref<2048xf32, #tpu.memory_space<vmem>>
    tpu.wait_dma2 semaphore(%arg12 : memref<!tpu.dma_semaphore, #tpu.memory_space<semaphore_mem>>) src(%dma_wait3A_500 : memref<2048xf32, #tpu.memory_space<vmem>>) dst(%dma_wait3A_498 : memref<2048xf32, #tpu.memory_space<hbm>>)
    %add3A_501 = arith.constant 49 : i32
    %add3A_502 = arith.addi %mul3A_2, %add3A_501 : i32
    %jit3A_503 = arith.constant 16 : i32
    %div3A_504 = arith.divsi %add3A_502, %jit3A_503 : i32
    %sign3A_505 = arith.constant 0 : i32
    %sign3A_506 = arith.cmpi sgt, %add3A_502, %sign3A_505 : i32
    %sign3A_507 = arith.extui %sign3A_506 : i1 to i32
    %sign3A_508 = arith.constant 0 : i32
    %sign3A_509 = arith.cmpi slt, %add3A_502, %sign3A_508 : i32
    %sign3A_510 = arith.extui %sign3A_509 : i1 to i32
    %sign3A_511 = arith.subi %sign3A_507, %sign3A_510 : i32
    %sign3A_512 = arith.constant 0 : i32
    %sign3A_513 = arith.cmpi sgt, %jit3A_503, %sign3A_512 : i32
    %sign3A_514 = arith.extui %sign3A_513 : i1 to i32
    %sign3A_515 = arith.constant 0 : i32
    %sign3A_516 = arith.cmpi slt, %jit3A_503, %sign3A_515 : i32
    %sign3A_517 = arith.extui %sign3A_516 : i1 to i32
    %sign3A_518 = arith.subi %sign3A_514, %sign3A_517 : i32
    %ne3A_519 = arith.cmpi ne, %sign3A_511, %sign3A_518 : i32
    %rem3A_520 = arith.remsi %add3A_502, %jit3A_503 : i32
    %ne3A_521 = arith.constant 0 : i32
    %ne3A_522 = arith.cmpi ne, %rem3A_520, %ne3A_521 : i32
    %and3A_523 = arith.andi %ne3A_519, %ne3A_522 : i1
    %sub3A_524 = arith.constant 1 : i32
    %sub3A_525 = arith.subi %div3A_504, %sub3A_524 : i32
    %select_n3A_526 = arith.select %and3A_523, %sub3A_525, %div3A_504 : i32
    %mul3A_527 = arith.constant 16 : i32
    %mul3A_528 = arith.muli %select_n3A_526, %mul3A_527 : i32
    %sub3A_529 = arith.subi %add3A_502, %mul3A_528 : i32
    %mul3A_530 = arith.constant 262144 : i32
    %mul3A_531 = arith.muli %select_n3A_526, %mul3A_530 : i32
    %add3A_532 = arith.constant 65536 : i32
    %add3A_533 = arith.addi %mul3A_531, %add3A_532 : i32
    %mul3A_534 = arith.constant 2048 : i32
    %mul3A_535 = arith.muli %sub3A_529, %mul3A_534 : i32
    %add3A_536 = arith.addi %add3A_533, %mul3A_535 : i32
    %dma_wait3A_537 = arith.constant 4096 : i32
    %dma_wait3A_538 = tpu.memref_slice %arg8[%dma_wait3A_537] : memref<16384xf32, #tpu.memory_space<vmem>> -> memref<2048xf32, #tpu.memory_space<vmem>>
    %dma_wait3A_539 = tpu.memref_slice %arg3[%add3A_536] : memref<26214400xf32, #tpu.memory_space<hbm>> -> memref<2048xf32, #tpu.memory_space<hbm>>
    %dma_wait3A_540 = tpu.memref_slice %arg3[%add3A_536] : memref<26214400xf32, #tpu.memory_space<hbm>> -> memref<2048xf32, #tpu.memory_space<hbm>>
    %dma_wait3A_541 = arith.constant 4096 : i32
    %dma_wait3A_542 = tpu.memref_slice %arg8[%dma_wait3A_541] : memref<16384xf32, #tpu.memory_space<vmem>> -> memref<2048xf32, #tpu.memory_space<vmem>>
    tpu.wait_dma2 semaphore(%arg12 : memref<!tpu.dma_semaphore, #tpu.memory_space<semaphore_mem>>) src(%dma_wait3A_542 : memref<2048xf32, #tpu.memory_space<vmem>>) dst(%dma_wait3A_540 : memref<2048xf32, #tpu.memory_space<hbm>>)
    %add3A_543 = arith.constant 49 : i32
    %add3A_544 = arith.addi %mul3A_2, %add3A_543 : i32
    %jit3A_545 = arith.constant 16 : i32
    %div3A_546 = arith.divsi %add3A_544, %jit3A_545 : i32
    %sign3A_547 = arith.constant 0 : i32
    %sign3A_548 = arith.cmpi sgt, %add3A_544, %sign3A_547 : i32
    %sign3A_549 = arith.extui %sign3A_548 : i1 to i32
    %sign3A_550 = arith.constant 0 : i32
    %sign3A_551 = arith.cmpi slt, %add3A_544, %sign3A_550 : i32
    %sign3A_552 = arith.extui %sign3A_551 : i1 to i32
    %sign3A_553 = arith.subi %sign3A_549, %sign3A_552 : i32
    %sign3A_554 = arith.constant 0 : i32
    %sign3A_555 = arith.cmpi sgt, %jit3A_545, %sign3A_554 : i32
    %sign3A_556 = arith.extui %sign3A_555 : i1 to i32
    %sign3A_557 = arith.constant 0 : i32
    %sign3A_558 = arith.cmpi slt, %jit3A_545, %sign3A_557 : i32
    %sign3A_559 = arith.extui %sign3A_558 : i1 to i32
    %sign3A_560 = arith.subi %sign3A_556, %sign3A_559 : i32
    %ne3A_561 = arith.cmpi ne, %sign3A_553, %sign3A_560 : i32
    %rem3A_562 = arith.remsi %add3A_544, %jit3A_545 : i32
    %ne3A_563 = arith.constant 0 : i32
    %ne3A_564 = arith.cmpi ne, %rem3A_562, %ne3A_563 : i32
    %and3A_565 = arith.andi %ne3A_561, %ne3A_564 : i1
    %sub3A_566 = arith.constant 1 : i32
    %sub3A_567 = arith.subi %div3A_546, %sub3A_566 : i32
    %select_n3A_568 = arith.select %and3A_565, %sub3A_567, %div3A_546 : i32
    %mul3A_569 = arith.constant 16 : i32
    %mul3A_570 = arith.muli %select_n3A_568, %mul3A_569 : i32
    %sub3A_571 = arith.subi %add3A_544, %mul3A_570 : i32
    %mul3A_572 = arith.constant 262144 : i32
    %mul3A_573 = arith.muli %select_n3A_568, %mul3A_572 : i32
    %add3A_574 = arith.constant 98304 : i32
    %add3A_575 = arith.addi %mul3A_573, %add3A_574 : i32
    %mul3A_576 = arith.constant 2048 : i32
    %mul3A_577 = arith.muli %sub3A_571, %mul3A_576 : i32
    %add3A_578 = arith.addi %add3A_575, %mul3A_577 : i32
    %dma_wait3A_579 = arith.constant 6144 : i32
    %dma_wait3A_580 = tpu.memref_slice %arg8[%dma_wait3A_579] : memref<16384xf32, #tpu.memory_space<vmem>> -> memref<2048xf32, #tpu.memory_space<vmem>>
    %dma_wait3A_581 = tpu.memref_slice %arg3[%add3A_578] : memref<26214400xf32, #tpu.memory_space<hbm>> -> memref<2048xf32, #tpu.memory_space<hbm>>
    %dma_wait3A_582 = tpu.memref_slice %arg3[%add3A_578] : memref<26214400xf32, #tpu.memory_space<hbm>> -> memref<2048xf32, #tpu.memory_space<hbm>>
    %dma_wait3A_583 = arith.constant 6144 : i32
    %dma_wait3A_584 = tpu.memref_slice %arg8[%dma_wait3A_583] : memref<16384xf32, #tpu.memory_space<vmem>> -> memref<2048xf32, #tpu.memory_space<vmem>>
    tpu.wait_dma2 semaphore(%arg12 : memref<!tpu.dma_semaphore, #tpu.memory_space<semaphore_mem>>) src(%dma_wait3A_584 : memref<2048xf32, #tpu.memory_space<vmem>>) dst(%dma_wait3A_582 : memref<2048xf32, #tpu.memory_space<hbm>>)
    %add3A_585 = arith.constant 49 : i32
    %add3A_586 = arith.addi %mul3A_2, %add3A_585 : i32
    %jit3A_587 = arith.constant 16 : i32
    %div3A_588 = arith.divsi %add3A_586, %jit3A_587 : i32
    %sign3A_589 = arith.constant 0 : i32
    %sign3A_590 = arith.cmpi sgt, %add3A_586, %sign3A_589 : i32
    %sign3A_591 = arith.extui %sign3A_590 : i1 to i32
    %sign3A_592 = arith.constant 0 : i32
    %sign3A_593 = arith.cmpi slt, %add3A_586, %sign3A_592 : i32
    %sign3A_594 = arith.extui %sign3A_593 : i1 to i32
    %sign3A_595 = arith.subi %sign3A_591, %sign3A_594 : i32
    %sign3A_596 = arith.constant 0 : i32
    %sign3A_597 = arith.cmpi sgt, %jit3A_587, %sign3A_596 : i32
    %sign3A_598 = arith.extui %sign3A_597 : i1 to i32
    %sign3A_599 = arith.constant 0 : i32
    %sign3A_600 = arith.cmpi slt, %jit3A_587, %sign3A_599 : i32
    %sign3A_601 = arith.extui %sign3A_600 : i1 to i32
    %sign3A_602 = arith.subi %sign3A_598, %sign3A_601 : i32
    %ne3A_603 = arith.cmpi ne, %sign3A_595, %sign3A_602 : i32
    %rem3A_604 = arith.remsi %add3A_586, %jit3A_587 : i32
    %ne3A_605 = arith.constant 0 : i32
    %ne3A_606 = arith.cmpi ne, %rem3A_604, %ne3A_605 : i32
    %and3A_607 = arith.andi %ne3A_603, %ne3A_606 : i1
    %sub3A_608 = arith.constant 1 : i32
    %sub3A_609 = arith.subi %div3A_588, %sub3A_608 : i32
    %select_n3A_610 = arith.select %and3A_607, %sub3A_609, %div3A_588 : i32
    %mul3A_611 = arith.constant 16 : i32
    %mul3A_612 = arith.muli %select_n3A_610, %mul3A_611 : i32
    %sub3A_613 = arith.subi %add3A_586, %mul3A_612 : i32
    %mul3A_614 = arith.constant 262144 : i32
    %mul3A_615 = arith.muli %select_n3A_610, %mul3A_614 : i32
    %add3A_616 = arith.constant 131072 : i32
    %add3A_617 = arith.addi %mul3A_615, %add3A_616 : i32
    %mul3A_618 = arith.constant 2048 : i32
    %mul3A_619 = arith.muli %sub3A_613, %mul3A_618 : i32
    %add3A_620 = arith.addi %add3A_617, %mul3A_619 : i32
    %dma_wait3A_621 = arith.constant 8192 : i32
    %dma_wait3A_622 = tpu.memref_slice %arg8[%dma_wait3A_621] : memref<16384xf32, #tpu.memory_space<vmem>> -> memref<2048xf32, #tpu.memory_space<vmem>>
    %dma_wait3A_623 = tpu.memref_slice %arg3[%add3A_620] : memref<26214400xf32, #tpu.memory_space<hbm>> -> memref<2048xf32, #tpu.memory_space<hbm>>
    %dma_wait3A_624 = tpu.memref_slice %arg3[%add3A_620] : memref<26214400xf32, #tpu.memory_space<hbm>> -> memref<2048xf32, #tpu.memory_space<hbm>>
    %dma_wait3A_625 = arith.constant 8192 : i32
    %dma_wait3A_626 = tpu.memref_slice %arg8[%dma_wait3A_625] : memref<16384xf32, #tpu.memory_space<vmem>> -> memref<2048xf32, #tpu.memory_space<vmem>>
    tpu.wait_dma2 semaphore(%arg12 : memref<!tpu.dma_semaphore, #tpu.memory_space<semaphore_mem>>) src(%dma_wait3A_626 : memref<2048xf32, #tpu.memory_space<vmem>>) dst(%dma_wait3A_624 : memref<2048xf32, #tpu.memory_space<hbm>>)
    %add3A_627 = arith.constant 49 : i32
    %add3A_628 = arith.addi %mul3A_2, %add3A_627 : i32
    %jit3A_629 = arith.constant 16 : i32
    %div3A_630 = arith.divsi %add3A_628, %jit3A_629 : i32
    %sign3A_631 = arith.constant 0 : i32
    %sign3A_632 = arith.cmpi sgt, %add3A_628, %sign3A_631 : i32
    %sign3A_633 = arith.extui %sign3A_632 : i1 to i32
    %sign3A_634 = arith.constant 0 : i32
    %sign3A_635 = arith.cmpi slt, %add3A_628, %sign3A_634 : i32
    %sign3A_636 = arith.extui %sign3A_635 : i1 to i32
    %sign3A_637 = arith.subi %sign3A_633, %sign3A_636 : i32
    %sign3A_638 = arith.constant 0 : i32
    %sign3A_639 = arith.cmpi sgt, %jit3A_629, %sign3A_638 : i32
    %sign3A_640 = arith.extui %sign3A_639 : i1 to i32
    %sign3A_641 = arith.constant 0 : i32
    %sign3A_642 = arith.cmpi slt, %jit3A_629, %sign3A_641 : i32
    %sign3A_643 = arith.extui %sign3A_642 : i1 to i32
    %sign3A_644 = arith.subi %sign3A_640, %sign3A_643 : i32
    %ne3A_645 = arith.cmpi ne, %sign3A_637, %sign3A_644 : i32
    %rem3A_646 = arith.remsi %add3A_628, %jit3A_629 : i32
    %ne3A_647 = arith.constant 0 : i32
    %ne3A_648 = arith.cmpi ne, %rem3A_646, %ne3A_647 : i32
    %and3A_649 = arith.andi %ne3A_645, %ne3A_648 : i1
    %sub3A_650 = arith.constant 1 : i32
    %sub3A_651 = arith.subi %div3A_630, %sub3A_650 : i32
    %select_n3A_652 = arith.select %and3A_649, %sub3A_651, %div3A_630 : i32
    %mul3A_653 = arith.constant 16 : i32
    %mul3A_654 = arith.muli %select_n3A_652, %mul3A_653 : i32
    %sub3A_655 = arith.subi %add3A_628, %mul3A_654 : i32
    %mul3A_656 = arith.constant 262144 : i32
    %mul3A_657 = arith.muli %select_n3A_652, %mul3A_656 : i32
    %add3A_658 = arith.constant 163840 : i32
    %add3A_659 = arith.addi %mul3A_657, %add3A_658 : i32
    %mul3A_660 = arith.constant 2048 : i32
    %mul3A_661 = arith.muli %sub3A_655, %mul3A_660 : i32
    %add3A_662 = arith.addi %add3A_659, %mul3A_661 : i32
    %dma_wait3A_663 = arith.constant 10240 : i32
    %dma_wait3A_664 = tpu.memref_slice %arg8[%dma_wait3A_663] : memref<16384xf32, #tpu.memory_space<vmem>> -> memref<2048xf32, #tpu.memory_space<vmem>>
    %dma_wait3A_665 = tpu.memref_slice %arg3[%add3A_662] : memref<26214400xf32, #tpu.memory_space<hbm>> -> memref<2048xf32, #tpu.memory_space<hbm>>
    %dma_wait3A_666 = tpu.memref_slice %arg3[%add3A_662] : memref<26214400xf32, #tpu.memory_space<hbm>> -> memref<2048xf32, #tpu.memory_space<hbm>>
    %dma_wait3A_667 = arith.constant 10240 : i32
    %dma_wait3A_668 = tpu.memref_slice %arg8[%dma_wait3A_667] : memref<16384xf32, #tpu.memory_space<vmem>> -> memref<2048xf32, #tpu.memory_space<vmem>>
    tpu.wait_dma2 semaphore(%arg12 : memref<!tpu.dma_semaphore, #tpu.memory_space<semaphore_mem>>) src(%dma_wait3A_668 : memref<2048xf32, #tpu.memory_space<vmem>>) dst(%dma_wait3A_666 : memref<2048xf32, #tpu.memory_space<hbm>>)
    %add3A_669 = arith.constant 49 : i32
    %add3A_670 = arith.addi %mul3A_2, %add3A_669 : i32
    %jit3A_671 = arith.constant 16 : i32
    %div3A_672 = arith.divsi %add3A_670, %jit3A_671 : i32
    %sign3A_673 = arith.constant 0 : i32
    %sign3A_674 = arith.cmpi sgt, %add3A_670, %sign3A_673 : i32
    %sign3A_675 = arith.extui %sign3A_674 : i1 to i32
    %sign3A_676 = arith.constant 0 : i32
    %sign3A_677 = arith.cmpi slt, %add3A_670, %sign3A_676 : i32
    %sign3A_678 = arith.extui %sign3A_677 : i1 to i32
    %sign3A_679 = arith.subi %sign3A_675, %sign3A_678 : i32
    %sign3A_680 = arith.constant 0 : i32
    %sign3A_681 = arith.cmpi sgt, %jit3A_671, %sign3A_680 : i32
    %sign3A_682 = arith.extui %sign3A_681 : i1 to i32
    %sign3A_683 = arith.constant 0 : i32
    %sign3A_684 = arith.cmpi slt, %jit3A_671, %sign3A_683 : i32
    %sign3A_685 = arith.extui %sign3A_684 : i1 to i32
    %sign3A_686 = arith.subi %sign3A_682, %sign3A_685 : i32
    %ne3A_687 = arith.cmpi ne, %sign3A_679, %sign3A_686 : i32
    %rem3A_688 = arith.remsi %add3A_670, %jit3A_671 : i32
    %ne3A_689 = arith.constant 0 : i32
    %ne3A_690 = arith.cmpi ne, %rem3A_688, %ne3A_689 : i32
    %and3A_691 = arith.andi %ne3A_687, %ne3A_690 : i1
    %sub3A_692 = arith.constant 1 : i32
    %sub3A_693 = arith.subi %div3A_672, %sub3A_692 : i32
    %select_n3A_694 = arith.select %and3A_691, %sub3A_693, %div3A_672 : i32
    %mul3A_695 = arith.constant 16 : i32
    %mul3A_696 = arith.muli %select_n3A_694, %mul3A_695 : i32
    %sub3A_697 = arith.subi %add3A_670, %mul3A_696 : i32
    %mul3A_698 = arith.constant 262144 : i32
    %mul3A_699 = arith.muli %select_n3A_694, %mul3A_698 : i32
    %add3A_700 = arith.constant 196608 : i32
    %add3A_701 = arith.addi %mul3A_699, %add3A_700 : i32
    %mul3A_702 = arith.constant 2048 : i32
    %mul3A_703 = arith.muli %sub3A_697, %mul3A_702 : i32
    %add3A_704 = arith.addi %add3A_701, %mul3A_703 : i32
    %dma_wait3A_705 = arith.constant 12288 : i32
    %dma_wait3A_706 = tpu.memref_slice %arg8[%dma_wait3A_705] : memref<16384xf32, #tpu.memory_space<vmem>> -> memref<2048xf32, #tpu.memory_space<vmem>>
    %dma_wait3A_707 = tpu.memref_slice %arg3[%add3A_704] : memref<26214400xf32, #tpu.memory_space<hbm>> -> memref<2048xf32, #tpu.memory_space<hbm>>
    %dma_wait3A_708 = tpu.memref_slice %arg3[%add3A_704] : memref<26214400xf32, #tpu.memory_space<hbm>> -> memref<2048xf32, #tpu.memory_space<hbm>>
    %dma_wait3A_709 = arith.constant 12288 : i32
    %dma_wait3A_710 = tpu.memref_slice %arg8[%dma_wait3A_709] : memref<16384xf32, #tpu.memory_space<vmem>> -> memref<2048xf32, #tpu.memory_space<vmem>>
    tpu.wait_dma2 semaphore(%arg12 : memref<!tpu.dma_semaphore, #tpu.memory_space<semaphore_mem>>) src(%dma_wait3A_710 : memref<2048xf32, #tpu.memory_space<vmem>>) dst(%dma_wait3A_708 : memref<2048xf32, #tpu.memory_space<hbm>>)
    %add3A_711 = arith.constant 49 : i32
    %add3A_712 = arith.addi %mul3A_2, %add3A_711 : i32
    %jit3A_713 = arith.constant 16 : i32
    %div3A_714 = arith.divsi %add3A_712, %jit3A_713 : i32
    %sign3A_715 = arith.constant 0 : i32
    %sign3A_716 = arith.cmpi sgt, %add3A_712, %sign3A_715 : i32
    %sign3A_717 = arith.extui %sign3A_716 : i1 to i32
    %sign3A_718 = arith.constant 0 : i32
    %sign3A_719 = arith.cmpi slt, %add3A_712, %sign3A_718 : i32
    %sign3A_720 = arith.extui %sign3A_719 : i1 to i32
    %sign3A_721 = arith.subi %sign3A_717, %sign3A_720 : i32
    %sign3A_722 = arith.constant 0 : i32
    %sign3A_723 = arith.cmpi sgt, %jit3A_713, %sign3A_722 : i32
    %sign3A_724 = arith.extui %sign3A_723 : i1 to i32
    %sign3A_725 = arith.constant 0 : i32
    %sign3A_726 = arith.cmpi slt, %jit3A_713, %sign3A_725 : i32
    %sign3A_727 = arith.extui %sign3A_726 : i1 to i32
    %sign3A_728 = arith.subi %sign3A_724, %sign3A_727 : i32
    %ne3A_729 = arith.cmpi ne, %sign3A_721, %sign3A_728 : i32
    %rem3A_730 = arith.remsi %add3A_712, %jit3A_713 : i32
    %ne3A_731 = arith.constant 0 : i32
    %ne3A_732 = arith.cmpi ne, %rem3A_730, %ne3A_731 : i32
    %and3A_733 = arith.andi %ne3A_729, %ne3A_732 : i1
    %sub3A_734 = arith.constant 1 : i32
    %sub3A_735 = arith.subi %div3A_714, %sub3A_734 : i32
    %select_n3A_736 = arith.select %and3A_733, %sub3A_735, %div3A_714 : i32
    %mul3A_737 = arith.constant 16 : i32
    %mul3A_738 = arith.muli %select_n3A_736, %mul3A_737 : i32
    %sub3A_739 = arith.subi %add3A_712, %mul3A_738 : i32
    %mul3A_740 = arith.constant 262144 : i32
    %mul3A_741 = arith.muli %select_n3A_736, %mul3A_740 : i32
    %add3A_742 = arith.constant 229376 : i32
    %add3A_743 = arith.addi %mul3A_741, %add3A_742 : i32
    %mul3A_744 = arith.constant 2048 : i32
    %mul3A_745 = arith.muli %sub3A_739, %mul3A_744 : i32
    %add3A_746 = arith.addi %add3A_743, %mul3A_745 : i32
    %dma_wait3A_747 = arith.constant 14336 : i32
    %dma_wait3A_748 = tpu.memref_slice %arg8[%dma_wait3A_747] : memref<16384xf32, #tpu.memory_space<vmem>> -> memref<2048xf32, #tpu.memory_space<vmem>>
    %dma_wait3A_749 = tpu.memref_slice %arg3[%add3A_746] : memref<26214400xf32, #tpu.memory_space<hbm>> -> memref<2048xf32, #tpu.memory_space<hbm>>
    %dma_wait3A_750 = tpu.memref_slice %arg3[%add3A_746] : memref<26214400xf32, #tpu.memory_space<hbm>> -> memref<2048xf32, #tpu.memory_space<hbm>>
    %dma_wait3A_751 = arith.constant 14336 : i32
    %dma_wait3A_752 = tpu.memref_slice %arg8[%dma_wait3A_751] : memref<16384xf32, #tpu.memory_space<vmem>> -> memref<2048xf32, #tpu.memory_space<vmem>>
    tpu.wait_dma2 semaphore(%arg12 : memref<!tpu.dma_semaphore, #tpu.memory_space<semaphore_mem>>) src(%dma_wait3A_752 : memref<2048xf32, #tpu.memory_space<vmem>>) dst(%dma_wait3A_750 : memref<2048xf32, #tpu.memory_space<hbm>>)
    return
  }
}

</mosaic_0001>

<sc_bundles>
// kernel: kernel.3.cloned.1.call-start
scs
__scs_entry_jumppad:
0x0: {  	(pc) =	sbr.rel $0x88, $3  }
0x1: {  	(tag) =	ssettag $0x0;
	lr =	simm.s32 $0x1  }
0x2: {  	[smem:$0x3FA0] =	sst lr;
	_ =	strace $0xD0000000  }
0x3: {  	_ = 	snop  }
0x4: {  	_ = 	snop  }
0x5: {  	_ = 	snop  }
0x6: {  	_ = 	snop  }
0x7: {  	_ = 	snop  }
__scs_overlays_trampoline_lowered:
0x8: {  	[smem:$0x3FAF] =	sst s0  }
0x9: {  	[smem:$0x3FB0] =	sst s1  }
0xa: {  	[smem:$0x3FB1] =	sst s2  }
0xb: {  	[smem:$0x3FB2] =	sst s3  }
0xc: {  	[smem:$0x3FB3] =	sst s4  }
0xd: {  	[smem:$0x3FB4] =	sst s5  }
0xe: {  	[smem:$0x3FB5] =	sst s6  }
0xf: {  	[smem:$0x3FB6] =	sst s7  }
0x10: {  	[smem:$0x3FB7] =	sst s8  }
0x11: {  	[smem:$0x3FB8] =	sst s9;
	s0 =	simm.s32 @!p0 $0x0  }
0x12: {  	s1 =	sld [smem:$0x3F9E];
	s0 =	simm.s32 @p0 $0x1  }
0x13: {  	[smem:$0x3FB9] =	sst s0;
	s0 =	simm.s32 @!p1 $0x0  }
0x14: {  	s2 =	sld [smem:$0x3F9D];
	s0 =	simm.s32 @p1 $0x1  }
0x15: {  	[smem:$0x3FBA] =	sst s0;
	s0 =	simm.s32 @!p2 $0x0  }
0x16: {  	s3 =	sld [smem:$0x3FDB];
	s0 =	simm.s32 @p2 $0x1  }
0x17: {  	s4 =	simm.s32 $0x1BF5;
	[smem:$0x3FBC] =	sst s0  }
0x18: {  	s0 =	sld [smem:$0x3F9F];
	_ =	swait.ge [sflag:s4], $0x0  }
0x19: {  	s7 =	sld [smem:$0x3FA0]  }
0x1a: {  	s8 =	sadd.s32 $0xFFFFE003, lr  }
0x1b: {  	s9 =	sadd.s32 $0xFFFFFEF7, lr;
	s5 =	simm.s32 $0xFFFFFFFF;
	p2 =	slt.u32 s8, $0xFFFFF086  }
0x1c: {  	p1 =	slt.u32 s9, $0xF7A;
	s5 =	simm.s32 @!p2 $0x0  }
0x1d: {  	s5 =	simm.s32 @p1 $0x1;
	p0 =	seq.s32 s7, s2  }
0x1e: {  	s7 =	smul.u32 @!p0 $0xF7A, s2;
	p2 =	seq.s32 @!p0 s5, $0x0  }
0x1f: {  	s9 =	smul.u32 $0xF7A, s1;
	s8 =	simm.s32 @!p0 $0x1BF5;
	p2 =	por !p2, p0  }
0x20: {  	[sflag:s8] =	ssyncset.s32 @!p0 $0xFFFFF086;
	s6 =	sadd.s32 @!p0 s3, s7;
	s7 =	simm.s32 @!p0 $0x108  }
0x21: {  	s3 =	sadd.s32 s3, s9;
	s6 =	sadd.s32 @!p0 $0x88, s6;
	s7 =	simm.s32 @p2 $0x1082  }
0x22: {  	[simem:s7], [sflag:s8] =	dma.local @!p0 [hbm:s6], $0xF7A  }
0x23: {  	s9 =	sor.u32 $0xD0000000, s2;
	s6 =	simm.s32 $0x108;
	_ =	swait.ge @!p0 [sflag:s8], $0x0  }
0x24: {  	s3 =	sadd.s32 $0x88, s3;
	s6 =	simm.s32 @!p1 $0x1082;
	[sflag:s4] =	ssyncset.s32 $0xFFFFF086  }
0x25: {  	[simem:s6], [sflag:s4] =	dma.local [hbm:s3], $0xF7A  }
0x26: {  	[smem:$0x3FA0] =	sst s1;
	(tag) =	ssettag s2;
	_ =	strace s9  }
0x27: {  	s1 =	sld [smem:$0x3FB0]  }
0x28: {  	s2 =	sld [smem:$0x3FB1]  }
0x29: {  	s4 =	sld [smem:$0x3FB3]  }
0x2a: {  	p0 =	seq.s32 s5, $0x0;
	s5 =	sld [smem:$0x3FB4]  }
0x2b: {  	s6 =	sld [smem:$0x3FB5]  }
0x2c: {  	s7 =	sld [smem:$0x3FB6]  }
0x2d: {  	s3 =	simm.s32 $0x108;
	s8 =	sld [smem:$0x3FB7]  }
0x2e: {  	s3 =	simm.s32 @!p0 $0x1082;
	s9 =	sld [smem:$0x3FB8]  }
0x2f: {  	lr =	sadd.s32 s0, s3;
	s0 =	sld [smem:$0x3FAF]  }
0x30: {  	s3 =	sld [smem:$0x3FB2]  }
0x31: {  	[smem:$0x3FBB] =	sst s10  }
0x32: {  	s10 =	sld [smem:$0x3FB9];
	_ =	sdelay $0x3  }
0x33: {  	p0 =	seq.s32 s10, $0x1;
	s10 =	sld [smem:$0x3FBB];
	_ =	sdelay $0x3  }
0x34: {  	[smem:$0x3FBB] =	sst s10  }
0x35: {  	s10 =	sld [smem:$0x3FBA];
	_ =	sdelay $0x3  }
0x36: {  	p1 =	seq.s32 s10, $0x1;
	s10 =	sld [smem:$0x3FBB];
	_ =	sdelay $0x3  }
0x37: {  	[smem:$0x3FBB] =	sst s10  }
0x38: {  	s10 =	sld [smem:$0x3FBC]  }
0x39: {  	_ = 	snop;
	(pc) =	sbr.ind lr, $3  }
0x3a: {  	_ = 	snop  }
0x3b: {  	_ = 	snop  }
0x3c: {  	p2 =	seq.s32 s10, $0x1;
	s10 =	sld [smem:$0x3FBB]  }
0x3d: {  	_ =	shalt  }
0x3e: {  	_ =	shalt  }
0x3f: {  	_ =	shalt  }
0x40: {  	_ =	shalt  }
0x41: {  	_ =	shalt  }
0x42: {  	_ =	shalt  }
0x43: {  	_ =	shalt  }
0x44: {  	_ =	shalt  }
0x45: {  	_ =	shalt  }
0x46: {  	_ =	shalt  }
0x47: {  	_ =	shalt  }
0x48: {  	_ =	shalt  }
0x49: {  	_ =	shalt  }
0x4a: {  	_ =	shalt  }
0x4b: {  	_ =	shalt  }
0x4c: {  	_ =	shalt  }
0x4d: {  	_ =	shalt  }
0x4e: {  	_ =	shalt  }
0x4f: {  	_ =	shalt  }
0x50: {  	_ =	shalt  }
0x51: {  	_ =	shalt  }
0x52: {  	_ =	shalt  }
0x53: {  	_ =	shalt  }
0x54: {  	_ =	shalt  }
0x55: {  	_ =	shalt  }
0x56: {  	_ =	shalt  }
0x57: {  	_ =	shalt  }
0x58: {  	_ =	shalt  }
0x59: {  	_ =	shalt  }
0x5a: {  	_ =	shalt  }
0x5b: {  	_ =	shalt  }
0x5c: {  	_ =	shalt  }
0x5d: {  	_ =	shalt  }
0x5e: {  	_ =	shalt  }
0x5f: {  	_ =	shalt  }
0x60: {  	_ =	shalt  }
0x61: {  	_ =	shalt  }
0x62: {  	_ =	shalt  }
0x63: {  	_ =	shalt  }
0x64: {  	_ =	shalt  }
0x65: {  	_ =	shalt  }
0x66: {  	_ =	shalt  }
0x67: {  	_ =	shalt  }
0x68: {  	_ =	shalt  }
0x69: {  	_ =	shalt  }
0x6a: {  	_ =	shalt  }
0x6b: {  	_ =	shalt  }
0x6c: {  	_ =	shalt  }
0x6d: {  	_ =	shalt  }
0x6e: {  	_ =	shalt  }
0x6f: {  	_ =	shalt  }
0x70: {  	_ =	shalt  }
0x71: {  	_ =	shalt  }
0x72: {  	_ =	shalt  }
0x73: {  	_ =	shalt  }
0x74: {  	_ =	shalt  }
0x75: {  	_ =	shalt  }
0x76: {  	_ =	shalt  }
0x77: {  	_ =	shalt  }
0x78: {  	_ =	shalt  }
0x79: {  	_ =	shalt  }
0x7a: {  	_ =	shalt  }
0x7b: {  	_ =	shalt  }
0x7c: {  	_ =	shalt  }
0x7d: {  	_ =	shalt  }
0x7e: {  	_ =	shalt  }
0x7f: {  	_ =	shalt  }
0x80: {  	_ =	shalt  }
0x81: {  	_ =	shalt  }
0x82: {  	_ =	shalt  }
0x83: {  	_ =	shalt  }
0x84: {  	_ =	shalt  }
0x85: {  	_ =	shalt  }
0x86: {  	_ =	shalt  }
0x87: {  	_ =	shalt  }
.Lfunc_end0:
.L_simem_size_0:
called_computation_lowered:
.L_overlay_start_0:
0x88: {  	s2 =	sld [smem:$0x3FD9]  }
0x89: {  	s3 =	sld [smem:$0x3FFE];
	_ =	sdelay $0x1  }
0x8a: {  	s1 =	srdreg.scid  }
0x8b: {  	s0 =	sand.u32 $0x1, s1  }
0x8c: {  	s18 =	sshll.u32 s0, $0xA;
	s2 =	sadd.s32 s3, s2  }
0x8d: {  	s2 =	sadd.s32 s2, s18  }
0x8e: {  	[smem:$0x3FC7] =	sst s2  }
0x8f: {  	_ = 	snop  }
0x90: {  	s2 =	sld [smem:$0x3FC9]  }
0x91: {  	s19 =	sld [smem:$0x3FD0];
	(tm) =	ssettm $0x1  }
0x92: {  	s4 =	sld [smem:$0x3FFB];
	_ =	sdelay $0x3  }
0x93: {  	_ =	strace s4  }
0x94: {  	s4 =	sld [smem:$0x3FFC];
	_ =	sdelay $0x3  }
0x95: {  	_ =	strace s4  }
0x96: {  	s4 =	sld [smem:$0x3FFD];
	_ =	sdelay $0x3  }
0x97: {  	_ =	strace s4  }
0x98: {  	_ =	strace $0x8FFFFFFF  }
0x99: {  	s20 =	sld [smem:$0x3FDB];
	_ =	sdelay $0x1  }
0x9a: {  	s5 =	simm.s32 $_scs_section_size  }
0x9b: {  	s6 =	simm.s32 $_size__tile_overlayer_lowered;
	s7 =	simm.s32 $_tile_overlayer_lowered  }
0x9c: {  	s23 =	simm.s32 $0x1BFF;
	s22 =	sshll.u32 s7, $0x1;
	s4 =	sadd.s32 s5, s20  }
0x9d: {  	s8 =	simm.s32 $0x0;
	s21 =	sshll.u32 s6, $0x1;
	s6 =	sadd.s32 s22, s4  }
0x9e: {  	[timem:s8], [sflag:s23] =	dma.local [hbm:s6], s21  }
0x9f: {  	_ =	swait.ge [sflag:s23], s21  }
0xa0: {  	s5 =	ssub.s32 $0x0, s21;
	[sflag:s23] =	ssyncset.done $0x0  }
0xa1: {  	[sflag:s23] =	ssyncadd.s32 s5;
	_ =	sdelay $0x1  }
0xa2: {  	s24 =	simm.s32 $0x1B8B  }
0xa3: {  	_ =	swait.ge [sflag:s24], $0x1  }
0xa4: {  	[sflag:s24] =	ssyncset.done $0x0  }
0xa5: {  	s25 =	simm.s32 $0x1B8E;
	[sflag:s24] =	ssyncadd.s32 $0xFFFFFFFF  }
0xa6: {  	s26 =	simm.s32 $execute0_lowered;
	[smem:$0x3FD2] =	sst s25  }
0xa7: {  	s5 =	sshll.u32 s26, $0x1;
	_ =	strace $0x80000046;
	[dreg:$0x1] =	wrdreg $0xFFFFFFFF  }
0xa8: {  	s28 =	simm.s32 $_size_execute0_lowered;
	s4 =	sadd.s32 s4, s5;
	[dreg:$0x0] =	wrdreg $0x0  }
0xa9: {  	s5 =	sshll.u32 s28, $0x1;
	[dreg:$0x2] =	wrdreg s4  }
0xaa: {  	[dreg:$0x3] =	wrdreg s5  }
0xab: {  	[dreg:$0x4] =	wrdreg $0xC0  }
0xac: {  	_ =	task [dreg:s8], $0x5FFFF  }
0xad: {  	[dreg:$0x1] =	wrdreg $0xFFFFFFFF  }
0xae: {  	[dreg:$0x0] =	wrdreg $0x60  }
0xaf: {  	[dreg:$0x2] =	wrdreg s2  }
0xb0: {  	[dreg:$0x3] =	wrdreg s19  }
0xb1: {  	[dreg:$0x4] =	wrdreg $0x9  }
0xb2: {  	_ =	task.clear_ibuf [dreg:s8], $0x5FFFF;
	_ =	strace $0x90000046  }
0xb3: {  	s29 =	simm.s32 $0x9;
	_ =	strace $0x80000048  }
0xb4: {  	_ =	swait.ge [sflag:s29], $0x1  }
0xb5: {  	[sflag:s29] =	ssyncadd.s32 $0xFFFFFFFF  }
0xb6: {  	_ =	strace $0x90000048  }
0xb7: {  	_ =	sfence  }
0xb8: {  	s30 =	sld [smem:$0x0];
	_ =	sdelay $0x2  }
0xb9: {  	s31 =	sshll.u32 s1, $0xD;
	s1 =	sshrl.u32 s1, $0x2  }
0xba: {  	s3 =	sand.u32 $0x4000, s31;
	s1 =	sadd.s32 s1, s30  }
0xbb: {  	s0 =	sor.u32 s3, s0;
	s1 =	sshll.u32 s1, $0x11  }
0xbc: {  	s0 =	sor.u32 s1, s0  }
0xbd: {  	s0 =	sadd.s32 $0x8F2B, s0  }
0xbe: {  	[sflag:s0] =	ssyncadd.remote.s32 $0x1  }
0xbf: {  	_ =	sfence.sel $0xFFFF  }
0xc0: {  	[dreg:$0x0] =	wrdreg $0xFFFFFFFF;
	(pc) =	sbr.abs _section_cstart, $3  }
0xc1: {  	[dreg:$0x1] =	wrdreg $0xFFFFFFFF  }
0xc2: {  	_ =	task.clear_ibuf [dreg:s8], $0x2FFFF;
	_ =	strace $0x9FFFFFFF  }
0xc3: {  	(tm) =	ssettm $0x7FFFFFFF  }
tec
execute0_lowered:
.L_overlay_start_1:
0x0: {  	(tag) =	ssettag $0x1  }
0x1: {  	s2 =	rddreg [dreg:$0x0]  }
0x2: {  	s0 =	srdreg.scid;
	s1 =	stileid.u32  }
0x3: {  	s3 =	rddreg [dreg:$0x1];
	s4 =	simm.s32 $0x0;
	s11 =	simm.s32 $0x8000  }
0x4: {  	s12 =	simm.s32 $0x1;
	s0 =	sand.u32 $0x1, s0;
	s1 =	sshll.u32 s1, $0x1  }
0x5: {  	s13 =	simm.s32 $0x10000;
	s22 =	simm.s32 $0x2;
	s1 =	sor.u32 s0, s1  }
0x6: {  	s31 =	simm.s32 $0x1BD00;
	s0 =	ssub.s32 $0x2, s0;
	s6 =	smul.u32 $0x32000, s1  }
.Ltmp0:
0x7: {  	[smem:$0x7FF] =	sst s4;
	s7 =	sshrl.u32 s0, $0x1;
	(pc) =	sbr.rel .LBB2_1-.Ltmp0, $4  }
0x8: {  	v5 =	vlaneseq.u32;
	s5 =	smul.u32 $0x32, s1;
	s0 =	ssub.s32 s0, s7;
	s30 =	sadd.s32 s2, s6  }
0x9: {  	v1 =	vimm.s32 $0x0;
	vm0 =	vcmask $0x300;
	v0 =	vmul.u32 $0x2, v5;
	_ =	strace $0x80000047;
	s0 =	smax.u32 s0, $0x1;
	[dreg:$0x3] =	wrdreg s30  }
0xa: {  	v1 =	vsel vm0, $0x7, v1;
	v5 =	vmul.u32 $0x45, v5;
	s8 =	sadd.s32 $0x2, s5;
	s1 =	sadd.s32 $0x1000, s30;
	[dreg:$0x5] =	wrdreg s0  }
0xb: {  	v2 =	vor.u32 $0x20, v0;
	v3 =	vor.u32 $0x40, v0;
	v4 =	vor.u32 $0x60, v0;
	s9 =	sadd.s32 $0x3, s5;
	s6 =	simm.s32 $0x0;
	[dreg:$0x4] =	wrdreg s1  }
.LBB2_12:
0xc: {  	s0 =	simm.s32 $0x3  }
0xd: {  	_ =	swait.ge [sflag:s0], $0x800  }
0xe: {  	[sflag:s0] =	ssyncset.done $0x0  }
0xf: {  	[sflag:s0] =	ssyncadd.s32 $0xFFFFF800  }
0x10: {  	_ =	swait.ge [sflag:s0], $0x800  }
0x11: {  	[sflag:s0] =	ssyncset.done $0x0  }
0x12: {  	[sflag:s0] =	ssyncadd.s32 $0xFFFFF800  }
0x13: {  	_ =	swait.ge [sflag:s0], $0x800  }
0x14: {  	[sflag:s0] =	ssyncset.done $0x0  }
0x15: {  	[sflag:s0] =	ssyncadd.s32 $0xFFFFF800  }
0x16: {  	_ =	swait.ge [sflag:s0], $0x800  }
0x17: {  	[sflag:s0] =	ssyncset.done $0x0  }
0x18: {  	[sflag:s0] =	ssyncadd.s32 $0xFFFFF800  }
0x19: {  	_ =	swait.ge [sflag:s0], $0x800  }
0x1a: {  	[sflag:s0] =	ssyncset.done $0x0  }
0x1b: {  	[sflag:s0] =	ssyncadd.s32 $0xFFFFF800  }
0x1c: {  	_ =	swait.ge [sflag:s0], $0x800  }
0x1d: {  	[sflag:s0] =	ssyncset.done $0x0  }
0x1e: {  	[sflag:s0] =	ssyncadd.s32 $0xFFFFF800  }
0x1f: {  	_ =	swait.ge [sflag:s0], $0x800  }
0x20: {  	[sflag:s0] =	ssyncset.done $0x0  }
0x21: {  	[sflag:s0] =	ssyncadd.s32 $0xFFFFF800  }
0x22: {  	_ =	swait.ge [sflag:s0], $0x800  }
0x23: {  	[sflag:s0] =	ssyncset.done $0x0  }
0x24: {  	s1 =	simm.s32 $0x4;
	[sflag:s0] =	ssyncadd.s32 $0xFFFFF800  }
0x25: {  	_ =	swait.ge [sflag:s1], $0x800  }
0x26: {  	[sflag:s1] =	ssyncset.done $0x0  }
0x27: {  	[sflag:s1] =	ssyncadd.s32 $0xFFFFF800  }
0x28: {  	_ =	swait.ge [sflag:s1], $0x800  }
0x29: {  	[sflag:s1] =	ssyncset.done $0x0  }
0x2a: {  	[sflag:s1] =	ssyncadd.s32 $0xFFFFF800  }
0x2b: {  	_ =	swait.ge [sflag:s1], $0x800  }
0x2c: {  	[sflag:s1] =	ssyncset.done $0x0  }
0x2d: {  	[sflag:s1] =	ssyncadd.s32 $0xFFFFF800  }
0x2e: {  	_ =	swait.ge [sflag:s1], $0x800  }
0x2f: {  	[sflag:s1] =	ssyncset.done $0x0  }
0x30: {  	[sflag:s1] =	ssyncadd.s32 $0xFFFFF800  }
0x31: {  	_ =	swait.ge [sflag:s1], $0x800  }
0x32: {  	[sflag:s1] =	ssyncset.done $0x0  }
0x33: {  	[sflag:s1] =	ssyncadd.s32 $0xFFFFF800  }
0x34: {  	_ =	swait.ge [sflag:s1], $0x800  }
0x35: {  	[sflag:s1] =	ssyncset.done $0x0  }
0x36: {  	[sflag:s1] =	ssyncadd.s32 $0xFFFFF800  }
0x37: {  	_ =	swait.ge [sflag:s1], $0x800  }
0x38: {  	[sflag:s1] =	ssyncset.done $0x0  }
0x39: {  	[sflag:s1] =	ssyncadd.s32 $0xFFFFF800  }
0x3a: {  	_ =	swait.ge [sflag:s1], $0x800  }
0x3b: {  	s6 =	rddreg [dreg:$0x6]  }
0x3c: {  	s30 =	rddreg [dreg:$0x5];
	s6 =	sadd.s32 $0x1, s6  }
0x3d: {  	p0 =	sne.s32 s6, s30  }
.Ltmp1:
0x3e: {  	_ = 	snop;
	(pc) =	sbr.rel @!p0 .LBB2_13-.Ltmp1, $3  }
0x3f: {  	_ =	sdelay $0x1  }
0x40: {  	[sflag:s1] =	ssyncset.done $0x0  }
0x41: {  	[sflag:s1] =	ssyncadd.s32 $0xFFFFF800  }
.LBB2_1:
0x42: {  	[dreg:$0x6] =	wrdreg s6  }
0x43: {  	s0 =	rddreg [dreg:$0x3]  }
0x44: {  	[tilespmem:s4], [sflag:$0x1] =	stream.linear.gather [hbm4b:s0+s4], $0x8000, $0x38;
	[tilespmem:$0x1C500] =	vst v63  }
0x45: {  	s30 =	rddreg [dreg:$0x4];
	s10 =	simm.s32 $0x0  }
0x46: {  	[tilespmem:s11], [sflag:$0x2] =	stream.linear.gather [hbm4b:s30+s4], $0x8000, $0x38;
	[tilespmem:$0x1C500] =	vst v63  }
.LBB2_2:
0x47: {  	_ =	swait.ge [sflag:s12], $0x8000  }
0x48: {  	p0 =	seq.s32 s10, $0x0;
	[sflag:s12] =	ssyncset.done $0x0  }
0x49: {  	s0 =	simm.s32 @!p0 $0x3;
	[sflag:s12] =	ssyncadd.s32 $0xFFFF8000  }
0x4a: {  	_ =	swait.ge @!p0 [sflag:s0], $0x800  }
0x4b: {  	[sflag:s0] =	ssyncset.done @!p0 $0x0  }
0x4c: {  	[sflag:s0] =	ssyncadd.s32 @!p0 $0xFFFFF800  }
0x4d: {  	_ =	swait.ge @!p0 [sflag:s0], $0x800  }
0x4e: {  	[sflag:s0] =	ssyncset.done @!p0 $0x0  }
0x4f: {  	[sflag:s0] =	ssyncadd.s32 @!p0 $0xFFFFF800  }
0x50: {  	_ =	swait.ge @!p0 [sflag:s0], $0x800  }
0x51: {  	[sflag:s0] =	ssyncset.done @!p0 $0x0  }
0x52: {  	s1 =	simm.s32 $0x1E0;
	[sflag:s0] =	ssyncadd.s32 @!p0 $0xFFFFF800  }
0x53: {  	s6 =	simm.s32 $0x80;
	s7 =	simm.s32 $0x1C0;
	_ =	swait.ge @!p0 [sflag:s0], $0x800  }
0x54: {  	s14 =	simm.s32 $0x0;
	s15 =	simm.s32 $0xA0;
	[sflag:s0] =	ssyncset.done @!p0 $0x0  }
0x55: {  	s16 =	simm.s32 $0xC0;
	s17 =	simm.s32 $0x180;
	v6 =	vmov s1;
	v7 =	vmov s6;
	v8 =	vmov s7;
	[sflag:s0] =	ssyncadd.s32 @!p0 $0xFFFFF800  }
0x56: {  	s18 =	simm.s32 $0x1A0;
	s19 =	simm.s32 $0xE0;
	v10 =	vmov s14;
	v11 =	vmov s15;
	v12 =	vmov s16;
	_ =	swait.ge @!p0 [sflag:s0], $0x800  }
0x57: {  	s6 =	simm.s32 $0x100;
	v13 =	vmov s17;
	v15 =	vmov s18;
	v18 =	vmov s19;
	[sflag:s0] =	ssyncset.done @!p0 $0x0  }
0x58: {  	v6 =	vshrl.u32 v6, $0x7;
	v9 =	vmov s6;
	v8 =	vshrl.u32 v8, $0x7;
	[sflag:s0] =	ssyncadd.s32 @!p0 $0xFFFFF800  }
0x59: {  	v13 =	vshrl.u32 v13, $0x7;
	v15 =	vshrl.u32 v15, $0x7;
	v10 =	vshrl.u32 v10, $0x7;
	_ =	swait.ge @!p0 [sflag:s0], $0x800  }
0x5a: {  	v7 =	vshrl.u32 v7, $0x7;
	v11 =	vshrl.u32 v11, $0x7;
	v6 =	vshll.u32 v6, v1;
	[sflag:s0] =	ssyncset.done @!p0 $0x0  }
0x5b: {  	v9 =	vshrl.u32 v9, $0x7;
	v8 =	vshll.u32 v8, v1;
	v6 =	vbroadcast v6, $0x0;
	[sflag:s0] =	ssyncadd.s32 @!p0 $0xFFFFF800  }
0x5c: {  	v13 =	vshll.u32 v13, v1;
	v9 =	vshll.u32 v9, v1;
	v8 =	vbroadcast v8, $0x0;
	_ =	swait.ge @!p0 [sflag:s0], $0x800  }
0x5d: {  	v15 =	vshll.u32 v15, v1;
	v9 =	vbroadcast v9, $0x0;
	v6 =	vor.u32 v4, v6;
	[sflag:s0] =	ssyncset.done @!p0 $0x0  }
0x5e: {  	v7 =	vshll.u32 v7, v1;
	v13 =	vbroadcast v13, $0x0;
	v8 =	vor.u32 v3, v8;
	[sflag:s0] =	ssyncadd.s32 @!p0 $0xFFFFF800  }
0x5f: {  	v15 =	vbroadcast v15, $0x0;
	v7 =	vbroadcast v7, $0x0;
	v14 =	vor.u32 v0, v9;
	_ =	swait.ge @!p0 [sflag:s0], $0x800  }
0x60: {  	s21 =	simm.s32 $0x3C0;
	v16 =	vor.u32 v2, v9;
	v17 =	vor.u32 v3, v9;
	v9 =	vor.u32 v4, v9;
	[sflag:s0] =	ssyncset.done @!p0 $0x0  }
0x61: {  	s7 =	simm.s32 $0x0;
	v12 =	vshrl.u32 v12, $0x7;
	v24 =	vor.u32 v0, v7;
	v7 =	vmov s21;
	[sflag:s0] =	ssyncadd.s32 @!p0 $0xFFFFF800  }
0x62: {  	v13 =	vor.u32 v0, v13;
	v15 =	vor.u32 v2, v15;
	v7 =	vshrl.u32 v7, $0x7;
	v19 =	vld.idx.msk [tilespmem:v6+s7+$0x0], $0xffff  }
0x63: {  	v7 =	vshll.u32 v7, v1;
	v6 =	vshll.u32 v10, v1;
	v10 =	vshrl.u32 v18, $0x7;
	v18 =	vld.idx.msk [tilespmem:v8+s7+$0x0], $0xffff  }
0x64: {  	s23 =	simm.s32 $0x300;
	v8 =	vshll.u32 v11, v1;
	v11 =	vshll.u32 v12, v1;
	v14 =	vld.idx.msk [tilespmem:v14+s7+$0x0], $0xffff;
	v6 =	vbroadcast v6, $0x0  }
0x65: {  	v23 =	vld.idx.msk [tilespmem:v9+s7+$0x0], $0xffff;
	v9 =	vmov s23;
	v10 =	vshll.u32 v10, v1;
	v8 =	vbroadcast v8, $0x0  }
0x66: {  	s20 =	simm.s32 $0x3E0;
	v16 =	vld.idx.msk [tilespmem:v16+s7+$0x0], $0xffff;
	v11 =	vbroadcast v11, $0x0;
	v12 =	vor.u32 v0, v6;
	v20 =	vor.u32 v2, v6  }
0x67: {  	v17 =	vld.idx.msk [tilespmem:v17+s7+$0x0], $0xffff;
	v21 =	vor.u32 v3, v6;
	v22 =	vor.u32 v4, v6;
	v6 =	vmov s20  }
0x68: {  	s24 =	simm.s32 $0x380;
	v25 =	vld.idx.msk [tilespmem:v13+s7+$0x0], $0xffff;
	v9 =	vshrl.u32 v9, $0x7;
	v27 =	vbroadcast v10, $0x0;
	v6 =	vshrl.u32 v6, $0x7  }
0x69: {  	v15 =	vld.idx.msk [tilespmem:v15+s7+$0x0], $0xffff;
	v10 =	vmov s24;
	v26 =	vor.u32 v2, v8;
	v6 =	vshll.u32 v6, v1  }
0x6a: {  	v28 =	vor.u32 v3, v11;
	v11 =	vshrl.u32 v10, $0x7;
	v10 =	vld.idx.msk [tilespmem:v24+s7+$0x0], $0xffff;
	v13 =	vbroadcast v6, $0x0  }
0x6b: {  	s26 =	simm.s32 $0x280;
	s16 =	simm.s32 $0x1008A;
	v8 =	vshll.u32 v9, v1;
	v9 =	vbroadcast v7, $0x0;
	v11 =	vshll.u32 v11, v1;
	v6 =	vld.idx.msk [tilespmem:v12+s7+$0x0], $0xffff  }
0x6c: {  	[tilespmem:s16+$0x65] =	vst v18;
	v18 =	vmov s26;
	v7 =	vld.idx.msk [tilespmem:v20+s7+$0x0], $0xffff;
	v20 =	vbroadcast v8, $0x0;
	v13 =	vor.u32 v4, v13  }
0x6d: {  	s25 =	simm.s32 $0x3A0;
	v30 =	vbroadcast v11, $0x0;
	[tilespmem:s16+$0x20] =	vst v17;
	v17 =	vshrl.u32 v18, $0x7;
	v8 =	vld.idx.msk [tilespmem:v21+s7+$0x0], $0xffff;
	v21 =	vor.u32 v3, v9  }
0x6e: {  	v17 =	vshll.u32 v17, v1;
	v9 =	vld.idx.msk [tilespmem:v22+s7+$0x0], $0xffff;
	v12 =	vmov s25;
	v22 =	vor.u32 v0, v20  }
0x6f: {  	v30 =	vor.u32 v0, v30;
	v63 =	vbroadcast v17, $0x0;
	v17 =	vld.idx.msk [tilespmem:v28+s7+$0x0], $0xffff;
	v29 =	vshrl.u32 v12, $0x7  }
0x70: {  	[tilespmem:s16+$0x0] =	vst v14;
	v12 =	vld.idx.msk [tilespmem:v26+s7+$0x0], $0xffff;
	v24 =	vor.u32 v2, v20;
	v11 =	vshll.u32 v29, v1  }
0x71: {  	s28 =	simm.s32 $0x2A0;
	s14 =	simm.s32 $0x2E0;
	[tilespmem:s16+$0x10] =	vst v16;
	v26 =	vor.u32 v3, v20;
	v29 =	vor.u32 v4, v20;
	v20 =	vbroadcast v11, $0x0;
	v11 =	vld.idx.msk [tilespmem:v13+s7+$0x0], $0xffff  }
0x72: {  	s29 =	simm.s32 $0x200;
	s30 =	simm.s32 $0x2C0;
	v31 =	vmov s14;
	v14 =	vmov s28;
	[tilespmem:s16+$0x30] =	vst v23;
	v21 =	vld.idx.msk [tilespmem:v21+s7+$0x0], $0xffff  }
0x73: {  	v16 =	vmov s30;
	[tilespmem:s16+$0x45] =	vst v25;
	v13 =	vmov s29;
	v32 =	vld.idx.msk [tilespmem:v22+s7+$0x0], $0xffff;
	v22 =	vor.u32 v2, v20  }
0x74: {  	v23 =	vshrl.u32 v31, $0x7;
	[tilespmem:s16+$0x55] =	vst v15;
	v25 =	vor.u32 v4, v27;
	v15 =	vld.idx.msk [tilespmem:v30+s7+$0x0], $0xffff;
	v13 =	vshrl.u32 v13, $0x7  }
0x75: {  	v14 =	vshrl.u32 v14, $0x7;
	v16 =	vshrl.u32 v16, $0x7;
	v20 =	vld.idx.msk [tilespmem:v24+s7+$0x0], $0xffff;
	v18 =	vshll.u32 v13, v1  }
0x76: {  	v16 =	vshll.u32 v16, v1;
	v24 =	vshll.u32 v14, v1;
	v14 =	vld.idx.msk [tilespmem:v29+s7+$0x0], $0xffff;
	v29 =	vbroadcast v18, $0x0  }
0x77: {  	s17 =	simm.s32 $0x1019E;
	s15 =	simm.s32 $0x800;
	s6 =	sshll.u32 s10, $0x1;
	[tilespmem:s16+$0x75] =	vst v19;
	v23 =	vshll.u32 v23, v1;
	v19 =	vor.u32 v0, v63;
	v13 =	vld.idx.msk [tilespmem:v26+s7+$0x0], $0xffff;
	v26 =	vbroadcast v16, $0x0  }
0x78: {  	s18 =	simm.s32 $0x2;
	s19 =	simm.s32 $0x5E0;
	s1 =	sadd.s32 s5, s6;
	v16 =	vbroadcast v23, $0x0;
	v27 =	vbroadcast v24, $0x0;
	v24 =	vor.u32 v0, v29;
	v18 =	vld.idx.msk [tilespmem:v22+s7+$0x0], $0xffff;
	[tilespmem:s17+$0x65] =	vst v21  }
0x79: {  	s14 =	simm.s32 $0x0;
	s0 =	sshrl.u32 s1, $0x4;
	s20 =	simm.s32 $0x0;
	v23 =	vor.u32 v3, v29;
	v22 =	vor.u32 v2, v29;
	v21 =	vor.u32 v4, v29;
	[tilespmem:s17+$0x0] =	vst v32  }
.LBB2_3:
0x7a: {  	s21 =	sadd.s32 $0xFFFFFEA0, s19;
	s23 =	sadd.s32 $0xFFFFFFE0, s19;
	v28 =	vmov s19;
	s18 =	sadd.s32 $0x2, s18;
	v27 =	vor.u32 v2, v27;
	v26 =	vor.u32 v3, v26;
	[tilespmem:s17+$0x10] =	vst v20  }
0x7b: {  	s24 =	sadd.s32 $0xFFFFFF20, s19;
	v20 =	vmov s21;
	s21 =	sadd.s32 $0xFFFFFEC0, s19;
	v29 =	vmov s23;
	v28 =	vshrl.u32 v28, $0x7;
	p1 =	slt.u32 s18, $0x7E;
	v25 =	vld.idx.msk [tilespmem:v25+s20+$0x0], $0xffff;
	[tilespmem:s16+$0xFFFFFF76] =	vst v6  }
0x7c: {  	s25 =	sadd.s32 $0xFFFFFEE0, s19;
	s26 =	sadd.s32 $0xFFFFFF00, s19;
	s23 =	sadd.s32 $0xFFFFFE20, s19;
	v6 =	vmov s24;
	v29 =	vshrl.u32 v29, $0x7;
	v28 =	vshll.u32 v28, v1;
	[tilespmem:s16+$0xFFFFFF86] =	vst v7  }
0x7d: {  	s20 =	smov.u32 s7;
	v7 =	vshrl.u32 v6, $0x7;
	v29 =	vshll.u32 v29, v1;
	v28 =	vbroadcast v28, $0x0;
	v6 =	vld.idx.msk [tilespmem:v24+s7+$0x0], $0xffff;
	[tilespmem:s16+$0xFFFFFF96] =	vst v8  }
0x7e: {  	v24 =	vmov s23;
	v8 =	vshll.u32 v7, v1;
	v29 =	vbroadcast v29, $0x0;
	v7 =	vld.idx.msk [tilespmem:v22+s20+$0x0], $0xffff;
	[tilespmem:s16+$0xFFFFFFA6] =	vst v9  }
0x7f: {  	v22 =	vmov s21;
	v30 =	vbroadcast v8, $0x0;
	s21 =	sadd.s32 $0xFFFFFFA0, s19;
	v28 =	vor.u32 v4, v28;
	v8 =	vld.idx.msk [tilespmem:v23+s20+$0x0], $0xffff;
	[tilespmem:s16+$0xFFFFFFBB] =	vst v10  }
0x80: {  	v23 =	vmov s25;
	v10 =	vmov s21;
	s21 =	sadd.s32 $0xFFFFFFC0, s19;
	v29 =	vor.u32 v3, v29;
	v9 =	vld.idx.msk [tilespmem:v21+s20+$0x0], $0xffff;
	[tilespmem:s16+$0xFFFFFFCB] =	vst v12  }
0x81: {  	v21 =	vor.u32 v0, v30;
	v12 =	vshrl.u32 v10, $0x7;
	v31 =	vmov s21;
	v10 =	vld.idx.msk [tilespmem:v19+s20+$0x0], $0xffff;
	[tilespmem:s16+$0xFFFFFFDB] =	vst v17  }
0x82: {  	v19 =	vor.u32 v2, v30;
	v17 =	vshll.u32 v12, v1;
	v31 =	vshrl.u32 v31, $0x7;
	v12 =	vld.idx.msk [tilespmem:v27+s20+$0x0], $0xffff;
	[tilespmem:s16+$0xFFFFFFEB] =	vst v25;
	s16 =	smov.u32 s17  }
0x83: {  	v25 =	vor.u32 v3, v30;
	v27 =	vbroadcast v17, $0x0;
	v31 =	vshll.u32 v31, v1;
	v17 =	vld.idx.msk [tilespmem:v26+s20+$0x0], $0xffff;
	[tilespmem:s17+$0x20] =	vst v13  }
0x84: {  	v13 =	vmov s26;
	v26 =	vor.u32 v4, v30;
	v30 =	vbroadcast v31, $0x0;
	v28 =	vld.idx.msk [tilespmem:v28+s7+$0x0], $0xffff;
	[tilespmem:s17+$0x30] =	vst v14  }
0x85: {  	v20 =	vshrl.u32 v20, $0x7;
	v14 =	vshrl.u32 v24, $0x7;
	v24 =	vor.u32 v0, v27;
	v29 =	vld.idx.msk [tilespmem:v29+s7+$0x0], $0xffff;
	[tilespmem:s17+$0x45] =	vst v15  }
0x86: {  	v15 =	vshrl.u32 v22, $0x7;
	v22 =	vshrl.u32 v23, $0x7;
	v31 =	vld.idx.msk [tilespmem:v21+s7+$0x0], $0xffff;
	v21 =	vor.u32 v2, v30;
	[tilespmem:s17+$0x55] =	vst v18  }
0x87: {  	v13 =	vshrl.u32 v13, $0x7;
	v14 =	vshll.u32 v14, v1;
	v18 =	vshll.u32 v20, v1;
	v20 =	vld.idx.msk [tilespmem:v19+s7+$0x0], $0xffff;
	[tilespmem:s17+$0x75] =	vst v11  }
.Ltmp2:
0x88: {  	v23 =	vshll.u32 v15, v1;
	v15 =	vshll.u32 v22, v1;
	v19 =	vshll.u32 v13, v1;
	v13 =	vld.idx.msk [tilespmem:v25+s7+$0x0], $0xffff;
	(pc) =	sbr.rel @p1 .LBB2_3-.Ltmp2, $4  }
0x89: {  	v30 =	vbroadcast v14, $0x0;
	v32 =	vbroadcast v18, $0x0;
	v25 =	vor.u32 v4, v16;
	v14 =	vld.idx.msk [tilespmem:v26+s7+$0x0], $0xffff  }
0x8a: {  	v27 =	vbroadcast v23, $0x0;
	s17 =	sadd.s32 $0x114, s17;
	v26 =	vbroadcast v15, $0x0;
	v11 =	vmov v28;
	v15 =	vld.idx.msk [tilespmem:v24+s7+$0x0], $0xffff  }
0x8b: {  	v22 =	vor.u32 v2, v30;
	v16 =	vbroadcast v19, $0x0;
	v24 =	vor.u32 v0, v30;
	v18 =	vld.idx.msk [tilespmem:v21+s7+$0x0], $0xffff;
	[tilespmem:s17+$0x65] =	vst v29  }
0x8c: {  	s19 =	sadd.s32 $0x200, s19;
	v23 =	vor.u32 v3, v30;
	v19 =	vor.u32 v0, v32;
	v21 =	vor.u32 v4, v30;
	[tilespmem:s17+$0x0] =	vst v31  }
0x8d: {  	_ =	sdelay $0x2  }
0x8e: {  	[tilespmem:s17+$0x10] =	vst v20  }
0x8f: {  	v63 =	vld.idx.msk [tilespmem:v25+s20+$0x0], $0xffff;
	[tilespmem:s16+$0xFFFFFF76] =	vst v6  }
0x90: {  	[tilespmem:s16+$0xFFFFFF86] =	vst v7  }
0x91: {  	[tilespmem:s16+$0xFFFFFF96] =	vst v8  }
0x92: {  	[tilespmem:s16+$0xFFFFFFA6] =	vst v9  }
0x93: {  	[tilespmem:s16+$0xFFFFFFBB] =	vst v10  }
0x94: {  	[tilespmem:s16+$0xFFFFFFCB] =	vst v12  }
0x95: {  	v6 =	vor.u32 v2, v27;
	v7 =	vld.idx.msk [tilespmem:v24+s7+$0x0], $0xffff;
	[tilespmem:s16+$0xFFFFFFDB] =	vst v17  }
0x96: {  	v8 =	vor.u32 v3, v26;
	v9 =	vld.idx.msk [tilespmem:v22+s7+$0x0], $0xffff;
	[tilespmem:s17+$0x20] =	vst v13  }
0x97: {  	v10 =	vld.idx.msk [tilespmem:v23+s7+$0x0], $0xffff;
	v12 =	vor.u32 v4, v16;
	[tilespmem:s17+$0x75] =	vst v11  }
0x98: {  	v16 =	vld.idx.msk [tilespmem:v21+s7+$0x0], $0xffff;
	[tilespmem:s17+$0x30] =	vst v14  }
0x99: {  	v13 =	vld.idx.msk [tilespmem:v19+s7+$0x0], $0xffff;
	[tilespmem:s17+$0x45] =	vst v15  }
0x9a: {  	[tilespmem:s17+$0x55] =	vst v18;
	v6 =	vld.idx.msk [tilespmem:v6+s7+$0x0], $0xffff  }
0x9b: {  	s25 =	simm.s32 $0x0;
	[tilespmem:s16+$0xFFFFFFEB] =	vst v63;
	v8 =	vld.idx.msk [tilespmem:v8+s7+$0x0], $0xffff  }
0x9c: {  	s18 =	sand.u32 $0x6, s14;
	v11 =	vld.idx.msk [tilespmem:v12+s7+$0x0], $0xffff;
	[tilespmem:s17+$0xFFFFFF76] =	vst v7;
	s16 =	smul.u32 $0x450, s25  }
0x9d: {  	s26 =	simm.s32 $0x0;
	s21 =	sand.u32 $0x38, s14;
	s19 =	sshll.u32 s18, $0x3;
	[tilespmem:s17+$0xFFFFFF86] =	vst v9  }
0x9e: {  	p1 =	por $0x1, $0x1;
	p2 =	sne.s32 s21, $0x0;
	[tilespmem:s17+$0xFFFFFF96] =	vst v10;
	s16 =	sadd.s32 s19, s16  }
0x9f: {  	s29 =	smul.u32 $0x410, s26;
	p1 =	por !p1, !p2;
	[tilespmem:s17+$0xFFFFFFA6] =	vst v16;
	v7 =	vadd.s32 s16, v5;
	s19 =	sor.u32 $0x7, s16  }
0xa0: {  	p1 =	por !p1, !p1;
	[tilespmem:s17+$0xFFFFFFBB] =	vst v13;
	s25 =	smul.u32 $0x3FF0, s26;
	s23 =	sor.u32 $0x1, s16;
	v9 =	vadd.s32 s19, v5  }
0xa1: {  	s28 =	sor.u32 $0x2, s16;
	s30 =	sor.u32 $0x3, s16;
	s24 =	sor.u32 $0x4, s16;
	v10 =	vadd.s32 s23, v5;
	[tilespmem:s17+$0xFFFFFFCB] =	vst v6  }
0xa2: {  	s26 =	sor.u32 $0x5, s16;
	s16 =	sor.u32 $0x6, s16;
	s23 =	simm.s32 $0x1;
	v12 =	vadd.s32 s24, v5;
	[tilespmem:s17+$0xFFFFFFDB] =	vst v8  }
0xa3: {  	v14 =	vadd.s32 s16, v5;
	[tilespmem:s17+$0xFFFFFFEB] =	vst v11;
	s23 =	simm.s32 @!p1 $0x0  }
0xa4: {  	s18 =	sshll.u32 s18, $0xB;
	v8 =	vadd.s32 s28, v5;
	s28 =	ssub.s32 $0x0, s23;
	v6 =	vld.idx.msk [tilespmem:v7+s13+$0x0], $0xffff  }
0xa5: {  	s19 =	ssub.s32 $0x800, s25;
	v11 =	vadd.s32 s30, v5;
	s17 =	sadd.s32 $0x0, s29;
	s24 =	sshll.u32 s28, $0x7;
	v15 =	vld.idx.msk [tilespmem:v9+s13+$0x0], $0xffff  }
0xa6: {  	v13 =	vadd.s32 s26, v5;
	s29 =	sadd.s32 $0x8, s17;
	s21 =	sshll.u32 s28, $0xA;
	s24 =	ssub.s32 $0x0, s24;
	v10 =	vld.idx.msk [tilespmem:v10+s13+$0x0], $0xffff  }
0xa7: {  	s30 =	sadd.s32 $0x9, s17;
	s23 =	ssub.s32 $0x0, s23;
	v18 =	vadd.s32 s29, v5;
	s21 =	sadd.s32 s21, s24;
	v9 =	vld.idx.msk [tilespmem:v12+s13+$0x0], $0xffff  }
0xa8: {  	s23 =	smul.u32 $0x380, s23;
	s24 =	simm.s32 $0x0;
	v12 =	vld.idx.msk [tilespmem:v14+s13+$0x0], $0xffff;
	s18 =	sadd.s32 s18, s21  }
0xa9: {  	s25 =	sadd.s32 $0xA, s17;
	v17 =	vadd.s32 s30, v5;
	v7 =	vld.idx.msk [tilespmem:v8+s13+$0x0], $0xffff;
	s20 =	sand.u32 $0x70, s24;
	s18 =	sand.u32 $0xFFFFFF80, s18  }
0xaa: {  	s26 =	sadd.s32 $0xB, s17;
	s23 =	sadd.s32 s19, s23;
	v14 =	vadd.s32 s25, v5;
	v8 =	vld.idx.msk [tilespmem:v11+s13+$0x0], $0xffff;
	s19 =	sor.u32 s20, s18  }
0xab: {  	s29 =	sadd.s32 $0xC, s17;
	s30 =	sadd.s32 $0xD, s17;
	v11 =	vld.idx.msk [tilespmem:v13+s13+$0x0], $0xffff;
	s28 =	sand.u32 $0xFFFFFF80, s23;
	v13 =	vadd.s32 s26, v5;
	[tilespmem:s19+$0x14880] =	vst v15  }
0xac: {  	v16 =	vadd.s32 s29, v5;
	s16 =	sor.u32 s20, s28;
	s20 =	sadd.s32 $0xE, s17;
	s18 =	simm.s32 $0x2;
	[tilespmem:s19+$0x14580] =	vst v10;
	v10 =	vld.idx.msk [tilespmem:v18+s13+$0x0], $0xffff;
	v15 =	vadd.s32 s30, v5  }
.LBB2_5:
0xad: {  	s21 =	sshrl.u32 s18, $0x3;
	s14 =	sadd.s32 $0x2, s14;
	s17 =	sadd.s32 $0xF, s17  }
0xae: {  	[tilespmem:s19+$0x14600] =	vst v7;
	v7 =	vld.idx.msk [tilespmem:v17+s13+$0x0], $0xffff;
	v17 =	vadd.s32 s20, v5;
	s15 =	sadd.s32 $0x1000, s15;
	s7 =	sadd.s32 $0x10, s7;
	s24 =	smul.u32 $0x3FF0, s21  }
0xaf: {  	s23 =	sshrl.u32 s14, $0x3;
	p1 =	slt.u32 s14, $0x7E;
	[tilespmem:s19+$0x14680] =	vst v8;
	v8 =	vld.idx.msk [tilespmem:v14+s13+$0x0], $0xffff;
	v14 =	vadd.s32 s17, v5;
	s25 =	smul.u32 $0x410, s21  }
0xb0: {  	s20 =	sand.u32 $0x6, s14;
	s28 =	sand.u32 $0x38, s14;
	s17 =	smul.u32 $0x450, s23;
	[tilespmem:s19+$0x14700] =	vst v9;
	v9 =	vld.idx.msk [tilespmem:v13+s13+$0x0], $0xffff  }
0xb1: {  	s26 =	sshll.u32 s20, $0x3;
	p2 =	seq.s32 s23, $0x0;
	p3 =	sne.s32 s28, $0x0;
	[tilespmem:s19+$0x14780] =	vst v11;
	v11 =	vld.idx.msk [tilespmem:v16+s13+$0x0], $0xffff  }
0xb2: {  	s21 =	ssub.s32 s15, s24;
	s24 =	sshrl.u32 s18, $0x6;
	s26 =	sadd.s32 s26, s17;
	[tilespmem:s19+$0x14800] =	vst v12;
	v12 =	vld.idx.msk [tilespmem:v15+s13+$0x0], $0xffff  }
0xb3: {  	p2 =	por !p2, !p3;
	s17 =	sadd.s32 s25, s7;
	v13 =	vadd.s32 s26, v5;
	s29 =	sor.u32 $0x7, s26;
	[tilespmem:s19+$0x14500] =	vst v6;
	v15 =	vld.idx.msk [tilespmem:v17+s13+$0x0], $0xffff  }
0xb4: {  	s30 =	simm.s32 $0x1;
	p2 =	por !p2, !p2;
	s19 =	sor.u32 $0x1, s26;
	v16 =	vadd.s32 s29, v5;
	v14 =	vld.idx.msk [tilespmem:v14+s13+$0x0], $0xffff;
	[tilespmem:s16+$0x14500] =	vst v10  }
0xb5: {  	s25 =	sadd.s32 $0x8, s17;
	s28 =	sadd.s32 $0x9, s17;
	v10 =	vadd.s32 s19, v5;
	s19 =	sor.u32 $0x2, s26;
	[tilespmem:s16+$0x14580] =	vst v7  }
0xb6: {  	s30 =	simm.s32 @!p2 $0x0;
	s29 =	sshrl.u32 s14, $0x6;
	v7 =	vadd.s32 s19, v5;
	s19 =	sor.u32 $0x3, s26;
	[tilespmem:s16+$0x14600] =	vst v8  }
0xb7: {  	s23 =	sshll.u32 s23, $0x4;
	s29 =	ssub.s32 s29, s30;
	v8 =	vadd.s32 s19, v5;
	s19 =	sor.u32 $0x4, s26;
	[tilespmem:s16+$0x14680] =	vst v9  }
0xb8: {  	s24 =	ssub.s32 s24, s30;
	s30 =	sshll.u32 s29, $0x7;
	v9 =	vadd.s32 s19, v5;
	s19 =	sor.u32 $0x5, s26;
	v6 =	vld.idx.msk [tilespmem:v13+s13+$0x0], $0xffff;
	[tilespmem:s16+$0x14700] =	vst v11  }
0xb9: {  	v11 =	vadd.s32 s19, v5;
	s19 =	sor.u32 $0x6, s26;
	s26 =	sshll.u32 s29, $0xA;
	s29 =	ssub.s32 s23, s30;
	v16 =	vld.idx.msk [tilespmem:v16+s13+$0x0], $0xffff;
	[tilespmem:s16+$0x14780] =	vst v12  }
0xba: {  	s20 =	sshll.u32 s20, $0xB;
	v12 =	vadd.s32 s19, v5;
	s19 =	smul.u32 $0x380, s24;
	s24 =	sadd.s32 s26, s29;
	v10 =	vld.idx.msk [tilespmem:v10+s13+$0x0], $0xffff;
	[tilespmem:s16+$0x14800] =	vst v15  }
0xbb: {  	v15 =	vadd.s32 s25, v5;
	s25 =	sadd.s32 $0xA, s17;
	v7 =	vld.idx.msk [tilespmem:v7+s13+$0x0], $0xffff;
	[tilespmem:s16+$0x14880] =	vst v14;
	s16 =	sadd.s32 s20, s24  }
.Ltmp3:
0xbc: {  	v17 =	vadd.s32 s28, v5;
	s19 =	sadd.s32 s21, s19;
	s20 =	sadd.s32 $0xB, s17;
	v8 =	vld.idx.msk [tilespmem:v8+s13+$0x0], $0xffff;
	(pc) =	sbr.rel @p1 .LBB2_5-.Ltmp3, $4  }
0xbd: {  	s21 =	sand.u32 $0x70, s23;
	v14 =	vadd.s32 s25, v5;
	s16 =	sand.u32 $0xFFFFFF80, s16;
	s23 =	sand.u32 $0xFFFFFF80, s19;
	v9 =	vld.idx.msk [tilespmem:v9+s13+$0x0], $0xffff  }
0xbe: {  	v13 =	vadd.s32 s20, v5;
	s20 =	sadd.s32 $0xC, s17;
	s19 =	sor.u32 s21, s16;
	s16 =	sor.u32 s21, s23;
	v11 =	vld.idx.msk [tilespmem:v11+s13+$0x0], $0xffff  }
0xbf: {  	v12 =	vld.idx.msk [tilespmem:v12+s13+$0x0], $0xffff;
	[tilespmem:s19+$0x14880] =	vst v16;
	v16 =	vadd.s32 s20, v5;
	s20 =	sadd.s32 $0xD, s17  }
0xc0: {  	s18 =	sadd.s32 $0x2, s18;
	[tilespmem:s19+$0x14580] =	vst v10;
	v10 =	vld.idx.msk [tilespmem:v15+s13+$0x0], $0xffff;
	v15 =	vadd.s32 s20, v5;
	s20 =	sadd.s32 $0xE, s17  }
0xc1: {  	_ =	sdelay $0x3  }
0xc2: {  	v17 =	vld.idx.msk [tilespmem:v17+s13+$0x0], $0xffff;
	v18 =	vadd.s32 s20, v5;
	s7 =	sadd.s32 $0xF, s17;
	[tilespmem:s19+$0x14600] =	vst v7  }
0xc3: {  	v7 =	vld.idx.msk [tilespmem:v14+s13+$0x0], $0xffff;
	[tilespmem:s19+$0x14680] =	vst v8;
	v14 =	vadd.s32 s7, v5  }
0xc4: {  	v8 =	vld.idx.msk [tilespmem:v13+s13+$0x0], $0xffff;
	[tilespmem:s19+$0x14500] =	vst v6  }
0xc5: {  	[tilespmem:s19+$0x14700] =	vst v9;
	v9 =	vld.idx.msk [tilespmem:v16+s13+$0x0], $0xffff  }
0xc6: {  	[tilespmem:s19+$0x14780] =	vst v11;
	v11 =	vld.idx.msk [tilespmem:v15+s13+$0x0], $0xffff  }
0xc7: {  	[tilespmem:s19+$0x14800] =	vst v12;
	v12 =	vld.idx.msk [tilespmem:v18+s13+$0x0], $0xffff  }
0xc8: {  	v6 =	vld.idx.msk [tilespmem:v14+s13+$0x0], $0xffff;
	[tilespmem:s16+$0x14500] =	vst v10  }
0xc9: {  	[tilespmem:s16+$0x14580] =	vst v17  }
0xca: {  	[tilespmem:s16+$0x14600] =	vst v7  }
0xcb: {  	s25 =	sshll.u32 s0, $0xF;
	s1 =	sshll.u32 s1, $0xB;
	[tilespmem:s16+$0x14680] =	vst v8  }
0xcc: {  	s26 =	sshll.u32 s0, $0x12;
	s1 =	ssub.s32 s1, s25;
	[tilespmem:s16+$0x14700] =	vst v9  }
0xcd: {  	s0 =	sadd.s32 s26, s1;
	[tilespmem:s16+$0x14780] =	vst v11  }
0xce: {  	s1 =	sshrl.u32 s0, $0x3;
	[tilespmem:s16+$0x14800] =	vst v12  }
0xcf: {  	s28 =	simm.s32 $0x14500;
	s29 =	sadd.s32 $0x8000, s0;
	s1 =	sadd.s32 s3, s1;
	[tilespmem:s16+$0x14880] =	vst v6  }
0xd0: {  	[hbm4b:s1+s4] =	stream.linear.scatter [tilespmem:s28], [sflag:$0x3], $0x800, $0x38;
	[tilespmem:$0x1C500] =	vst v63  }
0xd1: {  	s1 =	sshrl.u32 s29, $0x3  }
0xd2: {  	s30 =	simm.s32 $0x14D00;
	s7 =	sadd.s32 $0x10000, s0;
	s1 =	sadd.s32 s3, s1  }
0xd3: {  	[hbm4b:s1+s4] =	stream.linear.scatter [tilespmem:s30], [sflag:$0x3], $0x800, $0x38;
	[tilespmem:$0x1C500] =	vst v63  }
0xd4: {  	s1 =	sshrl.u32 s7, $0x3  }
0xd5: {  	s14 =	simm.s32 $0x15500;
	s15 =	sadd.s32 $0x18000, s0;
	s1 =	sadd.s32 s3, s1  }
0xd6: {  	[hbm4b:s1+s4] =	stream.linear.scatter [tilespmem:s14], [sflag:$0x3], $0x800, $0x38;
	[tilespmem:$0x1C500] =	vst v63  }
0xd7: {  	s1 =	sshrl.u32 s15, $0x3  }
0xd8: {  	s17 =	sadd.s32 $0x20000, s0;
	s16 =	simm.s32 $0x15D00;
	s1 =	sadd.s32 s3, s1  }
0xd9: {  	[hbm4b:s1+s4] =	stream.linear.scatter [tilespmem:s16], [sflag:$0x3], $0x800, $0x38;
	[tilespmem:$0x1C500] =	vst v63  }
0xda: {  	s1 =	sshrl.u32 s17, $0x3  }
0xdb: {  	s18 =	simm.s32 $0x16500;
	s19 =	sadd.s32 $0x28000, s0;
	s1 =	sadd.s32 s3, s1  }
0xdc: {  	[hbm4b:s1+s4] =	stream.linear.scatter [tilespmem:s18], [sflag:$0x3], $0x800, $0x38;
	[tilespmem:$0x1C500] =	vst v63  }
0xdd: {  	s1 =	sshrl.u32 s19, $0x3  }
0xde: {  	s20 =	simm.s32 $0x16D00;
	s21 =	sadd.s32 $0x30000, s0;
	s1 =	sadd.s32 s3, s1  }
0xdf: {  	[hbm4b:s1+s4] =	stream.linear.scatter [tilespmem:s20], [sflag:$0x3], $0x800, $0x38;
	[tilespmem:$0x1C500] =	vst v63  }
0xe0: {  	s0 =	sadd.s32 $0x38000, s0;
	s1 =	sshrl.u32 s21, $0x3  }
0xe1: {  	s23 =	simm.s32 $0x17500;
	s0 =	sshrl.u32 s0, $0x3;
	s1 =	sadd.s32 s3, s1  }
0xe2: {  	[hbm4b:s1+s4] =	stream.linear.scatter [tilespmem:s23], [sflag:$0x3], $0x800, $0x38;
	[tilespmem:$0x1C500] =	vst v63  }
0xe3: {  	s24 =	simm.s32 $0x17D00;
	p1 =	seq.s32 s10, $0x18;
	s0 =	sadd.s32 s3, s0  }
0xe4: {  	[hbm4b:s0+s4] =	stream.linear.scatter [tilespmem:s24], [sflag:$0x3], $0x800, $0x38;
	[tilespmem:$0x1C500] =	vst v63  }
0xe5: {  	s0 =	sadd.s32 @!p1 s6, s8  }
0xe6: {  	s0 =	sshll.u32 @!p1 s0, $0xC  }
0xe7: {  	s1 =	simm.s32 @!p1 $0x0;
	s0 =	sadd.s32 @!p1 s2, s0  }
0xe8: {  	[tilespmem:s1], [sflag:$0x1] =	stream.linear.gather @!p1 [hbm4b:s0+s1], $0x8000, $0x38;
	[tilespmem:$0x1C500] =	vst v63  }
0xe9: {  	_ =	swait.ge [sflag:s22], $0x8000  }
0xea: {  	[sflag:s22] =	ssyncset.done $0x0  }
0xeb: {  	s0 =	simm.s32 @!p0 $0x4;
	[sflag:s22] =	ssyncadd.s32 $0xFFFF8000  }
0xec: {  	_ =	swait.ge @!p0 [sflag:s0], $0x800  }
0xed: {  	[sflag:s0] =	ssyncset.done @!p0 $0x0  }
0xee: {  	[sflag:s0] =	ssyncadd.s32 @!p0 $0xFFFFF800  }
0xef: {  	_ =	swait.ge @!p0 [sflag:s0], $0x800  }
0xf0: {  	[sflag:s0] =	ssyncset.done @!p0 $0x0  }
0xf1: {  	[sflag:s0] =	ssyncadd.s32 @!p0 $0xFFFFF800  }
0xf2: {  	_ =	swait.ge @!p0 [sflag:s0], $0x800  }
0xf3: {  	s26 =	simm.s32 $0x80;
	[sflag:s0] =	ssyncset.done @!p0 $0x0  }
0xf4: {  	v7 =	vmov s26;
	[sflag:s0] =	ssyncadd.s32 @!p0 $0xFFFFF800  }
0xf5: {  	v7 =	vshrl.u32 v7, $0x7;
	_ =	swait.ge @!p0 [sflag:s0], $0x800  }
0xf6: {  	s25 =	simm.s32 $0x1E0;
	v7 =	vshll.u32 v7, v1;
	[sflag:s0] =	ssyncset.done @!p0 $0x0  }
0xf7: {  	v7 =	vbroadcast v7, $0x0;
	v6 =	vmov s25;
	[sflag:s0] =	ssyncadd.s32 @!p0 $0xFFFFF800  }
0xf8: {  	s28 =	simm.s32 $0x100;
	v6 =	vshrl.u32 v6, $0x7;
	_ =	swait.ge @!p0 [sflag:s0], $0x800  }
0xf9: {  	v24 =	vor.u32 v0, v7;
	s29 =	simm.s32 $0x0;
	v9 =	vmov s28;
	v6 =	vshll.u32 v6, v1;
	[sflag:s0] =	ssyncset.done @!p0 $0x0  }
0xfa: {  	v10 =	vmov s29;
	v9 =	vshrl.u32 v9, $0x7;
	v6 =	vbroadcast v6, $0x0;
	s14 =	simm.s32 $0x1C0;
	[sflag:s0] =	ssyncadd.s32 @!p0 $0xFFFFF800  }
0xfb: {  	s30 =	simm.s32 $0xA0;
	v10 =	vshrl.u32 v10, $0x7;
	v9 =	vshll.u32 v9, v1;
	v8 =	vmov s14;
	_ =	swait.ge @!p0 [sflag:s0], $0x800  }
0xfc: {  	v11 =	vmov s30;
	v9 =	vbroadcast v9, $0x0;
	v8 =	vshrl.u32 v8, $0x7;
	[sflag:s0] =	ssyncset.done @!p0 $0x0  }
0xfd: {  	s15 =	simm.s32 $0x180;
	v6 =	vor.u32 v4, v6;
	v11 =	vshrl.u32 v11, $0x7;
	s14 =	simm.s32 $0xC0;
	v8 =	vshll.u32 v8, v1;
	[sflag:s0] =	ssyncadd.s32 @!p0 $0xFFFFF800  }
0xfe: {  	v13 =	vmov s15;
	v12 =	vmov s14;
	v8 =	vbroadcast v8, $0x0;
	_ =	swait.ge @!p0 [sflag:s0], $0x800  }
0xff: {  	s16 =	simm.s32 $0x1A0;
	v14 =	vor.u32 v0, v9;
	v13 =	vshrl.u32 v13, $0x7;
	v16 =	vor.u32 v2, v9;
	[sflag:s0] =	ssyncset.done @!p0 $0x0  }
0x100: {  	v17 =	vor.u32 v3, v9;
	v15 =	vmov s16;
	v8 =	vor.u32 v3, v8;
	[sflag:s0] =	ssyncadd.s32 @!p0 $0xFFFFF800  }
0x101: {  	v9 =	vor.u32 v4, v9;
	v13 =	vshll.u32 v13, v1;
	v15 =	vshrl.u32 v15, $0x7;
	s19 =	simm.s32 $0x3C0;
	_ =	swait.ge @!p0 [sflag:s0], $0x800  }
0x102: {  	s17 =	simm.s32 $0xE0;
	v13 =	vbroadcast v13, $0x0;
	v15 =	vshll.u32 v15, v1;
	v7 =	vmov s19;
	[sflag:s0] =	ssyncset.done @!p0 $0x0  }
0x103: {  	v18 =	vmov s17;
	v15 =	vbroadcast v15, $0x0;
	v7 =	vshrl.u32 v7, $0x7;
	[sflag:s0] =	ssyncadd.s32 @!p0 $0xFFFFF800  }
0x104: {  	v12 =	vshrl.u32 v12, $0x7;
	v13 =	vor.u32 v0, v13;
	v7 =	vshll.u32 v7, v1;
	v19 =	vld.idx.msk [tilespmem:v6+s11+$0x0], $0xffff  }
0x105: {  	v15 =	vor.u32 v2, v15;
	v6 =	vshll.u32 v10, v1;
	v10 =	vshrl.u32 v18, $0x7;
	v18 =	vld.idx.msk [tilespmem:v8+s11+$0x0], $0xffff  }
0x106: {  	s20 =	simm.s32 $0x300;
	v8 =	vshll.u32 v11, v1;
	v11 =	vshll.u32 v12, v1;
	v14 =	vld.idx.msk [tilespmem:v14+s11+$0x0], $0xffff;
	v6 =	vbroadcast v6, $0x0  }
0x107: {  	v23 =	vld.idx.msk [tilespmem:v9+s11+$0x0], $0xffff;
	v9 =	vmov s20;
	v10 =	vshll.u32 v10, v1;
	v8 =	vbroadcast v8, $0x0  }
0x108: {  	s18 =	simm.s32 $0x3E0;
	v16 =	vld.idx.msk [tilespmem:v16+s11+$0x0], $0xffff;
	v11 =	vbroadcast v11, $0x0;
	v12 =	vor.u32 v0, v6;
	v20 =	vor.u32 v2, v6  }
0x109: {  	v17 =	vld.idx.msk [tilespmem:v17+s11+$0x0], $0xffff;
	v21 =	vor.u32 v3, v6;
	v22 =	vor.u32 v4, v6;
	v6 =	vmov s18  }
0x10a: {  	s21 =	simm.s32 $0x380;
	v25 =	vld.idx.msk [tilespmem:v13+s11+$0x0], $0xffff;
	v9 =	vshrl.u32 v9, $0x7;
	v27 =	vbroadcast v10, $0x0;
	v6 =	vshrl.u32 v6, $0x7  }
0x10b: {  	v15 =	vld.idx.msk [tilespmem:v15+s11+$0x0], $0xffff;
	v10 =	vmov s21;
	v26 =	vor.u32 v2, v8;
	v6 =	vshll.u32 v6, v1  }
0x10c: {  	v28 =	vor.u32 v3, v11;
	v11 =	vshrl.u32 v10, $0x7;
	v10 =	vld.idx.msk [tilespmem:v24+s11+$0x0], $0xffff;
	v13 =	vbroadcast v6, $0x0  }
0x10d: {  	s16 =	simm.s32 $0x1008A;
	s24 =	simm.s32 $0x280;
	v8 =	vshll.u32 v9, v1;
	v9 =	vbroadcast v7, $0x0;
	v11 =	vshll.u32 v11, v1;
	v6 =	vld.idx.msk [tilespmem:v12+s11+$0x0], $0xffff  }
0x10e: {  	[tilespmem:s16+$0x65] =	vst v18;
	v18 =	vmov s24;
	v7 =	vld.idx.msk [tilespmem:v20+s11+$0x0], $0xffff;
	v20 =	vbroadcast v8, $0x0;
	v13 =	vor.u32 v4, v13  }
0x10f: {  	s23 =	simm.s32 $0x3A0;
	v30 =	vbroadcast v11, $0x0;
	[tilespmem:s16+$0x20] =	vst v17;
	v17 =	vshrl.u32 v18, $0x7;
	v8 =	vld.idx.msk [tilespmem:v21+s11+$0x0], $0xffff;
	v21 =	vor.u32 v3, v9  }
0x110: {  	v17 =	vshll.u32 v17, v1;
	v9 =	vld.idx.msk [tilespmem:v22+s11+$0x0], $0xffff;
	v12 =	vmov s23;
	v22 =	vor.u32 v0, v20  }
0x111: {  	v30 =	vor.u32 v0, v30;
	v63 =	vbroadcast v17, $0x0;
	v17 =	vld.idx.msk [tilespmem:v28+s11+$0x0], $0xffff;
	v29 =	vshrl.u32 v12, $0x7  }
0x112: {  	[tilespmem:s16+$0x0] =	vst v14;
	v12 =	vld.idx.msk [tilespmem:v26+s11+$0x0], $0xffff;
	v24 =	vor.u32 v2, v20;
	v11 =	vshll.u32 v29, v1  }
0x113: {  	s25 =	simm.s32 $0x2A0;
	s29 =	simm.s32 $0x2E0;
	[tilespmem:s16+$0x10] =	vst v16;
	v26 =	vor.u32 v3, v20;
	v29 =	vor.u32 v4, v20;
	v20 =	vbroadcast v11, $0x0;
	v11 =	vld.idx.msk [tilespmem:v13+s11+$0x0], $0xffff  }
0x114: {  	s26 =	simm.s32 $0x200;
	s28 =	simm.s32 $0x2C0;
	v31 =	vmov s29;
	v14 =	vmov s25;
	[tilespmem:s16+$0x30] =	vst v23;
	v21 =	vld.idx.msk [tilespmem:v21+s11+$0x0], $0xffff  }
0x115: {  	v16 =	vmov s28;
	[tilespmem:s16+$0x45] =	vst v25;
	v13 =	vmov s26;
	v32 =	vld.idx.msk [tilespmem:v22+s11+$0x0], $0xffff;
	v22 =	vor.u32 v2, v20  }
0x116: {  	v23 =	vshrl.u32 v31, $0x7;
	[tilespmem:s16+$0x55] =	vst v15;
	v25 =	vor.u32 v4, v27;
	v15 =	vld.idx.msk [tilespmem:v30+s11+$0x0], $0xffff;
	v13 =	vshrl.u32 v13, $0x7  }
0x117: {  	v14 =	vshrl.u32 v14, $0x7;
	v16 =	vshrl.u32 v16, $0x7;
	v20 =	vld.idx.msk [tilespmem:v24+s11+$0x0], $0xffff;
	v18 =	vshll.u32 v13, v1  }
0x118: {  	v16 =	vshll.u32 v16, v1;
	v24 =	vshll.u32 v14, v1;
	v14 =	vld.idx.msk [tilespmem:v29+s11+$0x0], $0xffff;
	v29 =	vbroadcast v18, $0x0  }
0x119: {  	s30 =	sadd.s32 s6, s5;
	s17 =	simm.s32 $0x1019E;
	[tilespmem:s16+$0x75] =	vst v19;
	v23 =	vshll.u32 v23, v1;
	v19 =	vor.u32 v0, v63;
	v13 =	vld.idx.msk [tilespmem:v26+s11+$0x0], $0xffff;
	v26 =	vbroadcast v16, $0x0  }
0x11a: {  	s7 =	simm.s32 $0x0;
	s1 =	sadd.s32 $0x1, s30;
	v16 =	vbroadcast v23, $0x0;
	v27 =	vbroadcast v24, $0x0;
	v24 =	vor.u32 v0, v29;
	v18 =	vld.idx.msk [tilespmem:v22+s11+$0x0], $0xffff;
	[tilespmem:s17+$0x65] =	vst v21  }
0x11b: {  	s19 =	simm.s32 $0x5E0;
	s0 =	sshrl.u32 s1, $0x4;
	s18 =	simm.s32 $0x2;
	v23 =	vor.u32 v3, v29;
	v22 =	vor.u32 v2, v29;
	v21 =	vor.u32 v4, v29;
	[tilespmem:s17+$0x0] =	vst v32  }
.LBB2_7:
0x11c: {  	s14 =	sadd.s32 $0xFFFFFEA0, s19;
	s15 =	sadd.s32 $0xFFFFFFE0, s19;
	v28 =	vmov s19;
	s18 =	sadd.s32 $0x2, s18;
	v27 =	vor.u32 v2, v27;
	v26 =	vor.u32 v3, v26;
	[tilespmem:s17+$0x10] =	vst v20  }
0x11d: {  	s20 =	sadd.s32 $0xFFFFFF20, s19;
	v20 =	vmov s14;
	s14 =	sadd.s32 $0xFFFFFEC0, s19;
	v29 =	vmov s15;
	v28 =	vshrl.u32 v28, $0x7;
	p0 =	slt.u32 s18, $0x7E;
	v25 =	vld.idx.msk [tilespmem:v25+s11+$0x0], $0xffff;
	[tilespmem:s16+$0xFFFFFF76] =	vst v6  }
0x11e: {  	s21 =	sadd.s32 $0xFFFFFEE0, s19;
	s23 =	sadd.s32 $0xFFFFFF00, s19;
	s15 =	sadd.s32 $0xFFFFFE20, s19;
	v6 =	vmov s20;
	v29 =	vshrl.u32 v29, $0x7;
	v28 =	vshll.u32 v28, v1;
	[tilespmem:s16+$0xFFFFFF86] =	vst v7  }
0x11f: {  	v7 =	vshrl.u32 v6, $0x7;
	v29 =	vshll.u32 v29, v1;
	v28 =	vbroadcast v28, $0x0;
	v6 =	vld.idx.msk [tilespmem:v24+s11+$0x0], $0xffff;
	[tilespmem:s16+$0xFFFFFF96] =	vst v8  }
0x120: {  	v24 =	vmov s15;
	v8 =	vshll.u32 v7, v1;
	v29 =	vbroadcast v29, $0x0;
	v7 =	vld.idx.msk [tilespmem:v22+s11+$0x0], $0xffff;
	[tilespmem:s16+$0xFFFFFFA6] =	vst v9  }
0x121: {  	v22 =	vmov s14;
	v30 =	vbroadcast v8, $0x0;
	s14 =	sadd.s32 $0xFFFFFFA0, s19;
	v28 =	vor.u32 v4, v28;
	v8 =	vld.idx.msk [tilespmem:v23+s11+$0x0], $0xffff;
	[tilespmem:s16+$0xFFFFFFBB] =	vst v10  }
0x122: {  	v23 =	vmov s21;
	v10 =	vmov s14;
	s14 =	sadd.s32 $0xFFFFFFC0, s19;
	v29 =	vor.u32 v3, v29;
	v9 =	vld.idx.msk [tilespmem:v21+s11+$0x0], $0xffff;
	[tilespmem:s16+$0xFFFFFFCB] =	vst v12  }
0x123: {  	v21 =	vor.u32 v0, v30;
	v12 =	vshrl.u32 v10, $0x7;
	v31 =	vmov s14;
	v10 =	vld.idx.msk [tilespmem:v19+s11+$0x0], $0xffff;
	[tilespmem:s16+$0xFFFFFFDB] =	vst v17  }
0x124: {  	v19 =	vor.u32 v2, v30;
	v17 =	vshll.u32 v12, v1;
	v31 =	vshrl.u32 v31, $0x7;
	v12 =	vld.idx.msk [tilespmem:v27+s11+$0x0], $0xffff;
	[tilespmem:s16+$0xFFFFFFEB] =	vst v25;
	s16 =	smov.u32 s17  }
0x125: {  	v25 =	vor.u32 v3, v30;
	v27 =	vbroadcast v17, $0x0;
	v31 =	vshll.u32 v31, v1;
	v17 =	vld.idx.msk [tilespmem:v26+s11+$0x0], $0xffff;
	[tilespmem:s17+$0x20] =	vst v13  }
0x126: {  	v13 =	vmov s23;
	v26 =	vor.u32 v4, v30;
	v30 =	vbroadcast v31, $0x0;
	v28 =	vld.idx.msk [tilespmem:v28+s11+$0x0], $0xffff;
	[tilespmem:s17+$0x30] =	vst v14  }
0x127: {  	v20 =	vshrl.u32 v20, $0x7;
	v14 =	vshrl.u32 v24, $0x7;
	v24 =	vor.u32 v0, v27;
	v29 =	vld.idx.msk [tilespmem:v29+s11+$0x0], $0xffff;
	[tilespmem:s17+$0x45] =	vst v15  }
0x128: {  	v15 =	vshrl.u32 v22, $0x7;
	v22 =	vshrl.u32 v23, $0x7;
	v31 =	vld.idx.msk [tilespmem:v21+s11+$0x0], $0xffff;
	v21 =	vor.u32 v2, v30;
	[tilespmem:s17+$0x55] =	vst v18  }
0x129: {  	v13 =	vshrl.u32 v13, $0x7;
	v14 =	vshll.u32 v14, v1;
	v18 =	vshll.u32 v20, v1;
	v20 =	vld.idx.msk [tilespmem:v19+s11+$0x0], $0xffff;
	[tilespmem:s17+$0x75] =	vst v11  }
.Ltmp4:
0x12a: {  	v23 =	vshll.u32 v15, v1;
	v15 =	vshll.u32 v22, v1;
	v19 =	vshll.u32 v13, v1;
	v13 =	vld.idx.msk [tilespmem:v25+s11+$0x0], $0xffff;
	(pc) =	sbr.rel @p0 .LBB2_7-.Ltmp4, $4  }
0x12b: {  	v30 =	vbroadcast v14, $0x0;
	v32 =	vbroadcast v18, $0x0;
	v25 =	vor.u32 v4, v16;
	v14 =	vld.idx.msk [tilespmem:v26+s11+$0x0], $0xffff  }
0x12c: {  	v27 =	vbroadcast v23, $0x0;
	s17 =	sadd.s32 $0x114, s17;
	v26 =	vbroadcast v15, $0x0;
	v11 =	vmov v28;
	v15 =	vld.idx.msk [tilespmem:v24+s11+$0x0], $0xffff  }
0x12d: {  	s15 =	simm.s32 $0x0;
	s14 =	simm.s32 $0x800;
	v22 =	vor.u32 v2, v30;
	v16 =	vbroadcast v19, $0x0;
	v24 =	vor.u32 v0, v30;
	v18 =	vld.idx.msk [tilespmem:v21+s11+$0x0], $0xffff;
	[tilespmem:s17+$0x65] =	vst v29  }
0x12e: {  	s19 =	sadd.s32 $0x200, s19;
	v23 =	vor.u32 v3, v30;
	v19 =	vor.u32 v0, v32;
	v21 =	vor.u32 v4, v30;
	[tilespmem:s17+$0x0] =	vst v31  }
0x12f: {  	_ =	sdelay $0x2  }
0x130: {  	[tilespmem:s17+$0x10] =	vst v20  }
0x131: {  	v63 =	vld.idx.msk [tilespmem:v25+s11+$0x0], $0xffff;
	[tilespmem:s16+$0xFFFFFF76] =	vst v6  }
0x132: {  	[tilespmem:s16+$0xFFFFFF86] =	vst v7  }
0x133: {  	[tilespmem:s16+$0xFFFFFF96] =	vst v8  }
0x134: {  	[tilespmem:s16+$0xFFFFFFA6] =	vst v9  }
0x135: {  	[tilespmem:s16+$0xFFFFFFBB] =	vst v10  }
0x136: {  	[tilespmem:s16+$0xFFFFFFCB] =	vst v12  }
0x137: {  	v6 =	vor.u32 v2, v27;
	v7 =	vld.idx.msk [tilespmem:v24+s11+$0x0], $0xffff;
	[tilespmem:s16+$0xFFFFFFDB] =	vst v17  }
0x138: {  	v8 =	vor.u32 v3, v26;
	v9 =	vld.idx.msk [tilespmem:v22+s11+$0x0], $0xffff;
	[tilespmem:s17+$0x20] =	vst v13  }
0x139: {  	v10 =	vld.idx.msk [tilespmem:v23+s11+$0x0], $0xffff;
	v12 =	vor.u32 v4, v16;
	[tilespmem:s17+$0x75] =	vst v11  }
0x13a: {  	v16 =	vld.idx.msk [tilespmem:v21+s11+$0x0], $0xffff;
	[tilespmem:s17+$0x30] =	vst v14  }
0x13b: {  	v13 =	vld.idx.msk [tilespmem:v19+s11+$0x0], $0xffff;
	[tilespmem:s17+$0x45] =	vst v15  }
0x13c: {  	[tilespmem:s17+$0x55] =	vst v18;
	v6 =	vld.idx.msk [tilespmem:v6+s11+$0x0], $0xffff  }
0x13d: {  	s26 =	simm.s32 $0x0;
	[tilespmem:s16+$0xFFFFFFEB] =	vst v63;
	v8 =	vld.idx.msk [tilespmem:v8+s11+$0x0], $0xffff  }
0x13e: {  	s18 =	sand.u32 $0x6, s7;
	v11 =	vld.idx.msk [tilespmem:v12+s11+$0x0], $0xffff;
	[tilespmem:s17+$0xFFFFFF76] =	vst v7;
	s16 =	smul.u32 $0x450, s26  }
0x13f: {  	s21 =	sand.u32 $0x38, s7;
	s19 =	sshll.u32 s18, $0x3;
	[tilespmem:s17+$0xFFFFFF86] =	vst v9  }
0x140: {  	p0 =	por $0x1, $0x1;
	p2 =	sne.s32 s21, $0x0;
	[tilespmem:s17+$0xFFFFFF96] =	vst v10;
	s16 =	sadd.s32 s19, s16  }
0x141: {  	s20 =	simm.s32 $0x0;
	p0 =	por !p0, !p2;
	[tilespmem:s17+$0xFFFFFFA6] =	vst v16;
	v7 =	vadd.s32 s16, v5;
	s19 =	sor.u32 $0x7, s16  }
0x142: {  	s29 =	smul.u32 $0x410, s20;
	p0 =	por !p0, !p0;
	[tilespmem:s17+$0xFFFFFFBB] =	vst v13;
	s23 =	sor.u32 $0x1, s16;
	v9 =	vadd.s32 s19, v5  }
0x143: {  	s28 =	sor.u32 $0x2, s16;
	s30 =	sor.u32 $0x3, s16;
	s24 =	sor.u32 $0x4, s16;
	v10 =	vadd.s32 s23, v5;
	[tilespmem:s17+$0xFFFFFFCB] =	vst v6  }
0x144: {  	s26 =	sor.u32 $0x5, s16;
	s16 =	sor.u32 $0x6, s16;
	s23 =	simm.s32 $0x1;
	v12 =	vadd.s32 s24, v5;
	[tilespmem:s17+$0xFFFFFFDB] =	vst v8  }
0x145: {  	s25 =	smul.u32 $0x3FF0, s20;
	v14 =	vadd.s32 s16, v5;
	[tilespmem:s17+$0xFFFFFFEB] =	vst v11;
	s23 =	simm.s32 @!p0 $0x0  }
0x146: {  	s18 =	sshll.u32 s18, $0xB;
	v8 =	vadd.s32 s28, v5;
	s28 =	ssub.s32 $0x0, s23;
	v6 =	vld.idx.msk [tilespmem:v7+s13+$0x0], $0xffff  }
0x147: {  	s19 =	ssub.s32 $0x800, s25;
	v11 =	vadd.s32 s30, v5;
	s17 =	sadd.s32 $0x0, s29;
	s24 =	sshll.u32 s28, $0x7;
	v15 =	vld.idx.msk [tilespmem:v9+s13+$0x0], $0xffff  }
0x148: {  	v13 =	vadd.s32 s26, v5;
	s29 =	sadd.s32 $0x8, s17;
	s21 =	sshll.u32 s28, $0xA;
	s24 =	ssub.s32 $0x0, s24;
	v10 =	vld.idx.msk [tilespmem:v10+s13+$0x0], $0xffff  }
0x149: {  	s30 =	sadd.s32 $0x9, s17;
	s23 =	ssub.s32 $0x0, s23;
	v18 =	vadd.s32 s29, v5;
	s21 =	sadd.s32 s21, s24;
	v9 =	vld.idx.msk [tilespmem:v12+s13+$0x0], $0xffff  }
0x14a: {  	s23 =	smul.u32 $0x380, s23;
	s24 =	simm.s32 $0x0;
	v12 =	vld.idx.msk [tilespmem:v14+s13+$0x0], $0xffff;
	s18 =	sadd.s32 s18, s21  }
0x14b: {  	s25 =	sadd.s32 $0xA, s17;
	v17 =	vadd.s32 s30, v5;
	v7 =	vld.idx.msk [tilespmem:v8+s13+$0x0], $0xffff;
	s20 =	sand.u32 $0x70, s24;
	s18 =	sand.u32 $0xFFFFFF80, s18  }
0x14c: {  	s26 =	sadd.s32 $0xB, s17;
	s23 =	sadd.s32 s19, s23;
	v14 =	vadd.s32 s25, v5;
	v8 =	vld.idx.msk [tilespmem:v11+s13+$0x0], $0xffff;
	s19 =	sor.u32 s20, s18  }
0x14d: {  	s29 =	sadd.s32 $0xC, s17;
	s30 =	sadd.s32 $0xD, s17;
	v11 =	vld.idx.msk [tilespmem:v13+s13+$0x0], $0xffff;
	s28 =	sand.u32 $0xFFFFFF80, s23;
	v13 =	vadd.s32 s26, v5;
	[tilespmem:s19+$0x18880] =	vst v15  }
0x14e: {  	v16 =	vadd.s32 s29, v5;
	s16 =	sor.u32 s20, s28;
	s20 =	sadd.s32 $0xE, s17;
	s18 =	simm.s32 $0x2;
	[tilespmem:s19+$0x18580] =	vst v10;
	v10 =	vld.idx.msk [tilespmem:v18+s13+$0x0], $0xffff;
	v15 =	vadd.s32 s30, v5  }
.LBB2_9:
0x14f: {  	s21 =	sshrl.u32 s18, $0x3;
	s7 =	sadd.s32 $0x2, s7;
	s17 =	sadd.s32 $0xF, s17  }
0x150: {  	[tilespmem:s19+$0x18600] =	vst v7;
	v7 =	vld.idx.msk [tilespmem:v17+s13+$0x0], $0xffff;
	v17 =	vadd.s32 s20, v5;
	s14 =	sadd.s32 $0x1000, s14;
	s15 =	sadd.s32 $0x10, s15;
	s24 =	smul.u32 $0x3FF0, s21  }
0x151: {  	s23 =	sshrl.u32 s7, $0x3;
	p0 =	slt.u32 s7, $0x7E;
	[tilespmem:s19+$0x18680] =	vst v8;
	v8 =	vld.idx.msk [tilespmem:v14+s13+$0x0], $0xffff;
	v14 =	vadd.s32 s17, v5;
	s25 =	smul.u32 $0x410, s21  }
0x152: {  	s20 =	sand.u32 $0x6, s7;
	s28 =	sand.u32 $0x38, s7;
	s17 =	smul.u32 $0x450, s23;
	[tilespmem:s19+$0x18700] =	vst v9;
	v9 =	vld.idx.msk [tilespmem:v13+s13+$0x0], $0xffff  }
0x153: {  	s26 =	sshll.u32 s20, $0x3;
	p2 =	seq.s32 s23, $0x0;
	p3 =	sne.s32 s28, $0x0;
	[tilespmem:s19+$0x18780] =	vst v11;
	v11 =	vld.idx.msk [tilespmem:v16+s13+$0x0], $0xffff  }
0x154: {  	s21 =	ssub.s32 s14, s24;
	s24 =	sshrl.u32 s18, $0x6;
	s26 =	sadd.s32 s26, s17;
	[tilespmem:s19+$0x18800] =	vst v12;
	v12 =	vld.idx.msk [tilespmem:v15+s13+$0x0], $0xffff  }
0x155: {  	p2 =	por !p2, !p3;
	s17 =	sadd.s32 s25, s15;
	v13 =	vadd.s32 s26, v5;
	s29 =	sor.u32 $0x7, s26;
	[tilespmem:s19+$0x18500] =	vst v6;
	v15 =	vld.idx.msk [tilespmem:v17+s13+$0x0], $0xffff  }
0x156: {  	s30 =	simm.s32 $0x1;
	p2 =	por !p2, !p2;
	s19 =	sor.u32 $0x1, s26;
	v16 =	vadd.s32 s29, v5;
	v14 =	vld.idx.msk [tilespmem:v14+s13+$0x0], $0xffff;
	[tilespmem:s16+$0x18500] =	vst v10  }
0x157: {  	s25 =	sadd.s32 $0x8, s17;
	s28 =	sadd.s32 $0x9, s17;
	v10 =	vadd.s32 s19, v5;
	s19 =	sor.u32 $0x2, s26;
	[tilespmem:s16+$0x18580] =	vst v7  }
0x158: {  	s30 =	simm.s32 @!p2 $0x0;
	s29 =	sshrl.u32 s7, $0x6;
	v7 =	vadd.s32 s19, v5;
	s19 =	sor.u32 $0x3, s26;
	[tilespmem:s16+$0x18600] =	vst v8  }
0x159: {  	s23 =	sshll.u32 s23, $0x4;
	s29 =	ssub.s32 s29, s30;
	v8 =	vadd.s32 s19, v5;
	s19 =	sor.u32 $0x4, s26;
	[tilespmem:s16+$0x18680] =	vst v9  }
0x15a: {  	s24 =	ssub.s32 s24, s30;
	s30 =	sshll.u32 s29, $0x7;
	v9 =	vadd.s32 s19, v5;
	s19 =	sor.u32 $0x5, s26;
	v6 =	vld.idx.msk [tilespmem:v13+s13+$0x0], $0xffff;
	[tilespmem:s16+$0x18700] =	vst v11  }
0x15b: {  	v11 =	vadd.s32 s19, v5;
	s19 =	sor.u32 $0x6, s26;
	s26 =	sshll.u32 s29, $0xA;
	s29 =	ssub.s32 s23, s30;
	v16 =	vld.idx.msk [tilespmem:v16+s13+$0x0], $0xffff;
	[tilespmem:s16+$0x18780] =	vst v12  }
0x15c: {  	s20 =	sshll.u32 s20, $0xB;
	v12 =	vadd.s32 s19, v5;
	s19 =	smul.u32 $0x380, s24;
	s24 =	sadd.s32 s26, s29;
	v10 =	vld.idx.msk [tilespmem:v10+s13+$0x0], $0xffff;
	[tilespmem:s16+$0x18800] =	vst v15  }
0x15d: {  	v15 =	vadd.s32 s25, v5;
	s25 =	sadd.s32 $0xA, s17;
	v7 =	vld.idx.msk [tilespmem:v7+s13+$0x0], $0xffff;
	[tilespmem:s16+$0x18880] =	vst v14;
	s16 =	sadd.s32 s20, s24  }
.Ltmp5:
0x15e: {  	v17 =	vadd.s32 s28, v5;
	s19 =	sadd.s32 s21, s19;
	s20 =	sadd.s32 $0xB, s17;
	v8 =	vld.idx.msk [tilespmem:v8+s13+$0x0], $0xffff;
	(pc) =	sbr.rel @p0 .LBB2_9-.Ltmp5, $4  }
0x15f: {  	s21 =	sand.u32 $0x70, s23;
	v14 =	vadd.s32 s25, v5;
	s16 =	sand.u32 $0xFFFFFF80, s16;
	s23 =	sand.u32 $0xFFFFFF80, s19;
	v9 =	vld.idx.msk [tilespmem:v9+s13+$0x0], $0xffff  }
0x160: {  	v13 =	vadd.s32 s20, v5;
	s20 =	sadd.s32 $0xC, s17;
	s19 =	sor.u32 s21, s16;
	s16 =	sor.u32 s21, s23;
	v11 =	vld.idx.msk [tilespmem:v11+s13+$0x0], $0xffff  }
0x161: {  	v12 =	vld.idx.msk [tilespmem:v12+s13+$0x0], $0xffff;
	[tilespmem:s19+$0x18880] =	vst v16;
	v16 =	vadd.s32 s20, v5;
	s20 =	sadd.s32 $0xD, s17  }
0x162: {  	s18 =	sadd.s32 $0x2, s18;
	[tilespmem:s19+$0x18580] =	vst v10;
	v10 =	vld.idx.msk [tilespmem:v15+s13+$0x0], $0xffff;
	v15 =	vadd.s32 s20, v5;
	s20 =	sadd.s32 $0xE, s17  }
0x163: {  	_ =	sdelay $0x3  }
0x164: {  	v17 =	vld.idx.msk [tilespmem:v17+s13+$0x0], $0xffff;
	v18 =	vadd.s32 s20, v5;
	s7 =	sadd.s32 $0xF, s17;
	[tilespmem:s19+$0x18600] =	vst v7  }
0x165: {  	v7 =	vld.idx.msk [tilespmem:v14+s13+$0x0], $0xffff;
	[tilespmem:s19+$0x18680] =	vst v8;
	v59 =	vadd.s32 s7, v5  }
0x166: {  	v60 =	vld.idx.msk [tilespmem:v13+s13+$0x0], $0xffff;
	[tilespmem:s19+$0x18500] =	vst v6  }
0x167: {  	v61 =	vld.idx.msk [tilespmem:v16+s13+$0x0], $0xffff;
	[tilespmem:s19+$0x18700] =	vst v9  }
0x168: {  	v62 =	vld.idx.msk [tilespmem:v15+s13+$0x0], $0xffff;
	[tilespmem:s19+$0x18780] =	vst v11  }
0x169: {  	[tilespmem:s19+$0x18800] =	vst v12;
	v63 =	vld.idx.msk [tilespmem:v18+s13+$0x0], $0xffff  }
0x16a: {  	v6 =	vld.idx.msk [tilespmem:v59+s13+$0x0], $0xffff;
	[tilespmem:s16+$0x18500] =	vst v10  }
0x16b: {  	[tilespmem:s16+$0x18580] =	vst v17  }
0x16c: {  	[tilespmem:s16+$0x18600] =	vst v7  }
0x16d: {  	s14 =	sshll.u32 s0, $0xF;
	s1 =	sshll.u32 s1, $0xB;
	[tilespmem:s16+$0x18680] =	vst v60  }
0x16e: {  	s15 =	sshll.u32 s0, $0x12;
	s1 =	ssub.s32 s1, s14;
	[tilespmem:s16+$0x18700] =	vst v61  }
0x16f: {  	s0 =	sadd.s32 s15, s1;
	[tilespmem:s16+$0x18780] =	vst v62  }
0x170: {  	s1 =	sshrl.u32 s0, $0x3;
	[tilespmem:s16+$0x18800] =	vst v63  }
0x171: {  	s17 =	sadd.s32 $0x8000, s0;
	s1 =	sadd.s32 s3, s1;
	[tilespmem:s16+$0x18880] =	vst v6;
	s16 =	simm.s32 $0x18500  }
0x172: {  	[hbm4b:s1+s4] =	stream.linear.scatter [tilespmem:s16], [sflag:$0x4], $0x800, $0x38;
	[tilespmem:$0x1C500] =	vst v63  }
0x173: {  	s1 =	sshrl.u32 s17, $0x3  }
0x174: {  	s18 =	simm.s32 $0x18D00;
	s19 =	sadd.s32 $0x10000, s0;
	s1 =	sadd.s32 s3, s1  }
0x175: {  	[hbm4b:s1+s4] =	stream.linear.scatter [tilespmem:s18], [sflag:$0x4], $0x800, $0x38;
	[tilespmem:$0x1C500] =	vst v63  }
0x176: {  	s1 =	sshrl.u32 s19, $0x3  }
0x177: {  	s20 =	simm.s32 $0x19500;
	s21 =	sadd.s32 $0x18000, s0;
	s1 =	sadd.s32 s3, s1  }
0x178: {  	[hbm4b:s1+s4] =	stream.linear.scatter [tilespmem:s20], [sflag:$0x4], $0x800, $0x38;
	[tilespmem:$0x1C500] =	vst v63  }
0x179: {  	s1 =	sshrl.u32 s21, $0x3  }
0x17a: {  	s23 =	simm.s32 $0x19D00;
	s24 =	sadd.s32 $0x20000, s0;
	s1 =	sadd.s32 s3, s1  }
0x17b: {  	[hbm4b:s1+s4] =	stream.linear.scatter [tilespmem:s23], [sflag:$0x4], $0x800, $0x38;
	[tilespmem:$0x1C500] =	vst v63  }
0x17c: {  	s1 =	sshrl.u32 s24, $0x3  }
0x17d: {  	s25 =	simm.s32 $0x1A500;
	s26 =	sadd.s32 $0x28000, s0;
	s1 =	sadd.s32 s3, s1  }
0x17e: {  	[hbm4b:s1+s4] =	stream.linear.scatter [tilespmem:s25], [sflag:$0x4], $0x800, $0x38;
	[tilespmem:$0x1C500] =	vst v63  }
0x17f: {  	s1 =	sshrl.u32 s26, $0x3  }
0x180: {  	s28 =	simm.s32 $0x1AD00;
	s29 =	sadd.s32 $0x30000, s0;
	s1 =	sadd.s32 s3, s1  }
0x181: {  	[hbm4b:s1+s4] =	stream.linear.scatter [tilespmem:s28], [sflag:$0x4], $0x800, $0x38;
	[tilespmem:$0x1C500] =	vst v63  }
.Ltmp6:
0x182: {  	s0 =	sadd.s32 $0x38000, s0;
	s1 =	sshrl.u32 s29, $0x3;
	(pc) =	sbr.rel @p1 .LBB2_12-.Ltmp6, $4  }
0x183: {  	s30 =	simm.s32 $0x1B500;
	s0 =	sshrl.u32 s0, $0x3;
	s1 =	sadd.s32 s3, s1  }
0x184: {  	[hbm4b:s1+s4] =	stream.linear.scatter [tilespmem:s30], [sflag:$0x4], $0x800, $0x38;
	[tilespmem:$0x1C500] =	vst v63  }
0x185: {  	s0 =	sadd.s32 s3, s0  }
0x186: {  	[hbm4b:s0+s4] =	stream.linear.scatter [tilespmem:s31], [sflag:$0x4], $0x800, $0x38;
	[tilespmem:$0x1C500] =	vst v63  }
.Ltmp7:
0x187: {  	(pc) =	sbr.rel .LBB2_2-.Ltmp7, $4  }
0x188: {  	s0 =	sadd.s32 s6, s9  }
0x189: {  	s0 =	sshll.u32 s0, $0xC  }
0x18a: {  	s10 =	sadd.s32 $0x1, s10;
	s0 =	sadd.s32 s2, s0  }
0x18b: {  	[tilespmem:s11], [sflag:$0x2] =	stream.linear.gather [hbm4b:s0+s4], $0x8000, $0x38;
	[tilespmem:$0x1C500] =	vst v63  }
.LBB2_13:
0x18c: {  	_ =	sfence.sel $0x180000  }
0x18d: {  	[bflag:$0x0] =	sbarrier.arrive $0xFFFF  }
0x18e: {  	_ =	strace $0x90000047  }
0x18f: {  	s0 =	stileid.u32;
	[bflag:$0x2] =	sbarrier.arrive $0xFFFF  }
0x190: {  	p0 =	sne.s32 s0, $0x0;
	s0 =	rddreg [dreg:$0x2]  }
0x191: {  	s0 =	sadd.s32 @!p0 $0x100000, s0  }
0x192: {  	[sflag:s0] =	ssyncadd.tile.s32 @!p0 $0x1;
	_ =	shalt  }
.Lfunc_end2:
_tile_overlayer_lowered:
.L_overlay_start_2:
0x193: {  	(tag) =	ssettag $0x2  }
0x194: {  	s0 =	rddreg [dreg:$0x0];
	s2 =	stileid.u32  }
0x195: {  	s1 =	rddreg [dreg:$0x1];
	p0 =	sne.s32 s2, $0x0  }
0x196: {  	s3 =	rddreg [dreg:$0x2];
	[bflag:$0x3] =	sbarrier.arrive $0xFFFF;
	s2 =	simm.s32 @!p0 $0x1C05  }
0x197: {  	[timem:s3], [sflag:s2] =	dma.local @!p0 [hbm:s0], s1  }
0x198: {  	s0 =	simm.s32 @!p0 $0x5  }
0x199: {  	_ =	swait.ge @!p0 [sflag:s0], s1  }
0x19a: {  	s1 =	ssub.s32 @!p0 $0x0, s1;
	[sflag:s0] =	ssyncset.done @!p0 $0x0  }
0x19b: {  	[sflag:s0] =	ssyncadd.s32 @!p0 s1  }
0x19c: {  	[bflag:$0x3] =	sbarrier.arrive $0xFFFF  }
0x19d: {  	_ =	shalt  }

</sc_bundles>
